<compile_context>
chip_gen: v7x
topology: tpu7x:2x2x1
jax: 0.10.2.dev20260603
libtpu: 0.0.44.dev20260713+nightly
codegen_flags: <defaults>
</compile_context>

<pallas_src>
import functools

import jax
import jax.numpy as jnp
from jax import lax
from jax.experimental import pallas as pl
from jax.experimental.pallas import tpu as pltpu
from jax.experimental.pallas import tpu_sc as plsc

N = 10000
E = 320000
D = 128

NC = 2
NS = 16
NW = NC * NS

E_PER_W = E // NW
CH = 125
N_CH = E_PER_W // CH
IB = 16
NB = N_CH // IB
N_PAD = 10240
ROWS_PER_S = N_PAD // NS
ZR = 80
N_FLUSH = ROWS_PER_S // ZR
ZB = 40
N_ZERO = ROWS_PER_S // ZB

MM_BLK = 2000


def _mm_body(x_ref, w_ref, n_ref, o_ref):
    h = jnp.dot(x_ref[...], w_ref[...], preferred_element_type=jnp.float32)
    o_ref[...] = h * n_ref[...]


def _post_body(p_ref, n_ref, b_ref, o_ref):
    agg = p_ref[0] + p_ref[1]
    o_ref[...] = agg * n_ref[...] + b_ref[...]


def _seg_body(h_hbm, src_hbm, dst_hbm, out_hbm, src_i0, dst_i0, src_i1, dst_i1,
              rows0, rows1, zbuf, acc, sem0, sem1, isem0, isem1):
    c = lax.axis_index("core")
    s = lax.axis_index("subcore")
    w = c * NS + s

    pltpu.async_copy(src_hbm.at[w, pl.ds(0, IB)], src_i0, isem0)
    pltpu.async_copy(dst_hbm.at[w, pl.ds(0, IB)], dst_i0, isem0)

    zeros16 = jnp.zeros((16,), jnp.float32)

    @pl.loop(0, ZB)
    def _(i):
        @pl.loop(0, D // 16)
        def _(j):
            zbuf[i, pl.ds(j * 16, 16)] = zeros16

    @pl.loop(0, N_ZERO)
    def _(t):
        pltpu.async_copy(zbuf, acc.at[pl.ds(s * ROWS_PER_S + t * ZB, ZB)], isem1)

    pltpu.make_async_copy(src_hbm.at[w, pl.ds(0, IB)], src_i0, isem0).wait()
    pltpu.make_async_copy(dst_hbm.at[w, pl.ds(0, IB)], dst_i0, isem0).wait()
    pltpu.async_copy(h_hbm.at[src_i0.at[0]], rows0, sem0)
    pltpu.async_copy(h_hbm.at[src_i0.at[1]], rows1, sem1)

    @pl.loop(0, N_ZERO)
    def _(t):
        pltpu.make_async_copy(zbuf, acc.at[pl.ds(s * ROWS_PER_S + t * ZB, ZB)], isem1).wait()

    plsc.subcore_barrier()

    def g_start(idx_ref, j, rbuf, sem):
        pltpu.async_copy(h_hbm.at[idx_ref.at[j]], rbuf, sem)

    def g_wait(idx_ref, j, rbuf, sem):
        pltpu.make_async_copy(h_hbm.at[idx_ref.at[j]], rbuf, sem).wait()

    def sc_add(idx_ref, j, rbuf):
        pltpu.sync_copy(rbuf, acc.at[idx_ref.at[j]], add=True)

    sblk = [(src_i0, dst_i0, isem0), (src_i1, dst_i1, isem1)]
    for b in range(NB):
        si, di, _ = sblk[b % 2]
        last = b + 1 == NB
        if not last:
            nsi, ndi, nisem = sblk[(b + 1) % 2]
            pltpu.async_copy(src_hbm.at[w, pl.ds((b + 1) * IB, IB)], nsi, nisem)
            pltpu.async_copy(dst_hbm.at[w, pl.ds((b + 1) * IB, IB)], ndi, nisem)

        @pl.loop(0, IB // 2 - 1)
        def _(t):
            i = t * 2
            g_wait(si, i, rows0, sem0)
            sc_add(di, i, rows0)
            g_start(si, i + 2, rows0, sem0)
            g_wait(si, i + 1, rows1, sem1)
            sc_add(di, i + 1, rows1)
            g_start(si, i + 3, rows1, sem1)

        if not last:
            pltpu.make_async_copy(src_hbm.at[w, pl.ds((b + 1) * IB, IB)], nsi, nisem).wait()
            pltpu.make_async_copy(dst_hbm.at[w, pl.ds((b + 1) * IB, IB)], ndi, nisem).wait()
        g_wait(si, IB - 2, rows0, sem0)
        sc_add(di, IB - 2, rows0)
        if not last:
            g_start(nsi, 0, rows0, sem0)
        g_wait(si, IB - 1, rows1, sem1)
        sc_add(di, IB - 1, rows1)
        if not last:
            g_start(nsi, 1, rows1, sem1)

    plsc.subcore_barrier()

    for t in range(N_FLUSH):
        k = t % 2
        rbuf = (rows0 if k == 0 else rows1).at[pl.ds(0, ZR)]
        sem = sem0 if k == 0 else sem1
        r = s * ROWS_PER_S + t * ZR
        if t >= 2:
            rp = s * ROWS_PER_S + (t - 2) * ZR
            pltpu.make_async_copy(rbuf, out_hbm.at[pl.ds(c * N_PAD + rp, ZR)], sem).wait()
        pltpu.sync_copy(acc.at[pl.ds(r, ZR)], rbuf)
        pltpu.async_copy(rbuf, out_hbm.at[pl.ds(c * N_PAD + r, ZR)], sem)
    for t in range(N_FLUSH - 2, N_FLUSH):
        k = t % 2
        rbuf = (rows0 if k == 0 else rows1).at[pl.ds(0, ZR)]
        sem = sem0 if k == 0 else sem1
        r = s * ROWS_PER_S + t * ZR
        pltpu.make_async_copy(rbuf, out_hbm.at[pl.ds(c * N_PAD + r, ZR)], sem).wait()


def kernel(x, edge_index, norm, weight, bias):
    h = pl.pallas_call(
        _mm_body,
        grid=(N // MM_BLK,),
        in_specs=[
            pl.BlockSpec((MM_BLK, D), lambda i: (i, 0)),
            pl.BlockSpec((D, D), lambda i: (0, 0)),
            pl.BlockSpec((MM_BLK, 1), lambda i: (i, 0)),
        ],
        out_specs=pl.BlockSpec((MM_BLK, D), lambda i: (i, 0)),
        out_shape=jax.ShapeDtypeStruct((N, D), jnp.float32),
    )(x, weight, norm)

    src = edge_index[0].reshape(NW, N_CH, CH)
    dst = edge_index[1].reshape(NW, N_CH, CH)

    mesh = plsc.VectorSubcoreMesh(core_axis_name="core", subcore_axis_name="subcore")
    seg = functools.partial(
        pl.kernel,
        mesh=mesh,
        out_type=jax.ShapeDtypeStruct((NC * N_PAD, D), jnp.float32),
        scratch_types=[
            pltpu.VMEM((IB, CH), jnp.int32),
            pltpu.VMEM((IB, CH), jnp.int32),
            pltpu.VMEM((IB, CH), jnp.int32),
            pltpu.VMEM((IB, CH), jnp.int32),
            pltpu.VMEM((CH, D), jnp.float32),
            pltpu.VMEM((CH, D), jnp.float32),
            pltpu.VMEM((ZB, D), jnp.float32),
            pltpu.VMEM_SHARED((N_PAD, D), jnp.float32),
            pltpu.SemaphoreType.DMA,
            pltpu.SemaphoreType.DMA,
            pltpu.SemaphoreType.DMA,
            pltpu.SemaphoreType.DMA,
        ],
    )(_seg_body)
    partial = seg(h, src, dst)
    partial = partial.reshape(NC, N_PAD, D)

    bias2d = bias.reshape(1, D)
    out = pl.pallas_call(
        _post_body,
        grid=(N // MM_BLK,),
        in_specs=[
            pl.BlockSpec((NC, MM_BLK, D), lambda i: (0, i, 0)),
            pl.BlockSpec((MM_BLK, 1), lambda i: (i, 0)),
            pl.BlockSpec((1, D), lambda i: (0, 0)),
        ],
        out_specs=pl.BlockSpec((MM_BLK, D), lambda i: (i, 0)),
        out_shape=jax.ShapeDtypeStruct((N, D), jnp.float32),
    )(partial, norm, bias2d)
    return out

# --- scband reference (transcript-rebuilt; emitter-appended) ---
"""Pipeline reference for scband-gcnspmvconv-7473243095263 (READ-ONLY COPY).

The authoritative reference and input builder live on the scoring server;
editing this copy changes nothing except your own understanding.
"""

import jax, jax.numpy as jnp
import numpy as np

N = 10000
E = 320000
D_IN = 128
D_OUT = 128


def setup_inputs(seed: int = 0) -> dict:
    key = jax.random.key(seed)
    k1, k2, k3, k4 = jax.random.split(key, 4)
    x = jax.random.normal(k1, (N, D_IN), dtype=jnp.float32)
    edge_index = jax.random.randint(k2, (2, E), 0, N, dtype=jnp.int32)
    norm = jax.random.uniform(k3, (N, 1), dtype=jnp.float32)
    # glorot-initialized weight, zero bias (module parameters)
    limit = np.sqrt(6.0 / (D_IN + D_OUT))
    weight = jax.random.uniform(k4, (D_IN, D_OUT), dtype=jnp.float32, minval=-limit, maxval=limit)
    bias = jnp.zeros((D_OUT,), dtype=jnp.float32)
    return {"x": x, "edge_index": edge_index, "norm": norm, "weight": weight, "bias": bias}


def reference(x, edge_index, norm, weight, bias):
    # x = x @ W
    h = jnp.matmul(x, weight)
    # pre-normalize by per-node norm (D^{-1/2})
    h = h * norm
    # DGL update_all(copy_src, sum): out[dst] = sum over incoming edges of h[src]
    src = edge_index[0]
    dst = edge_index[1]
    msgs = jnp.take(h, src, axis=0)
    agg = jax.ops.segment_sum(msgs, dst, num_segments=N)
    # post-normalize and add bias
    out = agg * norm + bias
    return out

if __name__ == "__main__":
    import jax
    _d = setup_inputs()
    print(jax.jit(kernel)(*tuple(_d.values())))

</pallas_src>

<mosaic_0001>
#map = affine_map<(d0, d1) -> (0, 0)>
#map1 = affine_map<(d0, d1) -> (0, 0, 0)>
module attributes {stable_mosaic.version = 14 : i64} {
  func.func @_seg_body(%arg0: i32, %arg1: i32, %arg2: memref<10000x128xf32, #tpu.memory_space<hbm>>, %arg3: memref<32x80x125xi32, #tpu.memory_space<hbm>>, %arg4: memref<32x80x125xi32, #tpu.memory_space<hbm>>, %arg5: memref<20480x128xf32, #tpu.memory_space<hbm>>, %arg6: memref<16x125xi32, #tpu.memory_space<vmem>>, %arg7: memref<16x125xi32, #tpu.memory_space<vmem>>, %arg8: memref<16x125xi32, #tpu.memory_space<vmem>>, %arg9: memref<16x125xi32, #tpu.memory_space<vmem>>, %arg10: memref<125x128xf32, #tpu.memory_space<vmem>>, %arg11: memref<125x128xf32, #tpu.memory_space<vmem>>, %arg12: memref<40x128xf32, #tpu.memory_space<vmem>>, %arg13: memref<10240x128xf32, #tpu.memory_space<vmem_shared>>, %arg14: memref<!tpu.dma_semaphore, #tpu.memory_space<semaphore_mem>>, %arg15: memref<!tpu.dma_semaphore, #tpu.memory_space<semaphore_mem>>, %arg16: memref<!tpu.dma_semaphore, #tpu.memory_space<semaphore_mem>>, %arg17: memref<!tpu.dma_semaphore, #tpu.memory_space<semaphore_mem>>) attributes {dimension_semantics = [#tpu.dimension_semantics<core_parallel>, #tpu.dimension_semantics<subcore_parallel>], iteration_bounds = array<i64: 2, 16>, scalar_prefetch = 0 : i64, scratch_operands = 12 : i64, tpu.core_type = #tpu.core_type<sc_vector_subcore>, window_params = [{transform_indices = #map}, {transform_indices = #map1}, {transform_indices = #map1}, {transform_indices = #map}]} {
    %mul3A = arith.constant 16 : i32
    %mul3A_0 = arith.muli %arg0, %mul3A : i32
    %add3A = arith.addi %mul3A_0, %arg1 : i32
    %dma_start3A = arith.constant 0 : i32
    %dma_start3A_1 = arith.constant 0 : i32
    %dma_start3A_2 = tpu.memref_slice %arg3[%add3A, %dma_start3A, %dma_start3A_1] : memref<32x80x125xi32, #tpu.memory_space<hbm>> -> memref<1x16x125xi32, #tpu.memory_space<hbm>>
    %dma_start3A_3 = tpu.memref_squeeze %dma_start3A_2 : memref<1x16x125xi32, #tpu.memory_space<hbm>> -> memref<16x125xi32, #tpu.memory_space<hbm>>
    %dma_start3A_4 = arith.constant 0 : i32
    %dma_start3A_5 = arith.constant 0 : i32
    %dma_start3A_6 = tpu.memref_slice %arg3[%add3A, %dma_start3A_4, %dma_start3A_5] : memref<32x80x125xi32, #tpu.memory_space<hbm>> -> memref<1x16x125xi32, #tpu.memory_space<hbm>>
    %dma_start3A_7 = tpu.memref_squeeze %dma_start3A_6 : memref<1x16x125xi32, #tpu.memory_space<hbm>> -> memref<16x125xi32, #tpu.memory_space<hbm>>
    tpu.enqueue_dma source(%dma_start3A_7 : memref<16x125xi32, #tpu.memory_space<hbm>>) target(%arg6 : memref<16x125xi32, #tpu.memory_space<vmem>>) target_semaphore(%arg16 : memref<!tpu.dma_semaphore, #tpu.memory_space<semaphore_mem>>)
    %dma_start3A_8 = arith.constant 0 : i32
    %dma_start3A_9 = arith.constant 0 : i32
    %dma_start3A_10 = tpu.memref_slice %arg4[%add3A, %dma_start3A_8, %dma_start3A_9] : memref<32x80x125xi32, #tpu.memory_space<hbm>> -> memref<1x16x125xi32, #tpu.memory_space<hbm>>
    %dma_start3A_11 = tpu.memref_squeeze %dma_start3A_10 : memref<1x16x125xi32, #tpu.memory_space<hbm>> -> memref<16x125xi32, #tpu.memory_space<hbm>>
    %dma_start3A_12 = arith.constant 0 : i32
    %dma_start3A_13 = arith.constant 0 : i32
    %dma_start3A_14 = tpu.memref_slice %arg4[%add3A, %dma_start3A_12, %dma_start3A_13] : memref<32x80x125xi32, #tpu.memory_space<hbm>> -> memref<1x16x125xi32, #tpu.memory_space<hbm>>
    %dma_start3A_15 = tpu.memref_squeeze %dma_start3A_14 : memref<1x16x125xi32, #tpu.memory_space<hbm>> -> memref<16x125xi32, #tpu.memory_space<hbm>>
    tpu.enqueue_dma source(%dma_start3A_15 : memref<16x125xi32, #tpu.memory_space<hbm>>) target(%arg7 : memref<16x125xi32, #tpu.memory_space<vmem>>) target_semaphore(%arg16 : memref<!tpu.dma_semaphore, #tpu.memory_space<semaphore_mem>>)
    %broadcast_in_dim3A = arith.constant 0.000000e+00 : f32
    %broadcast_in_dim3A_16 = vector.broadcast %broadcast_in_dim3A : f32 to vector<16xf32>
    %scan3A = arith.constant 0 : i32
    %scan3A_17 = arith.constant 40 : i32
    %scan3A_18 = arith.addi %scan3A, %scan3A_17 : i32
    %scan3A_19 = arith.constant 1 : i32
    scf.for %scan3A_621 = %scan3A to %scan3A_18 step %scan3A_19  : i32 {
      %mul3A_622 = arith.constant 1 : i32
      %mul3A_623 = arith.muli %scan3A_621, %mul3A_622 : i32
      %add3A_624 = arith.constant 0 : i32
      %add3A_625 = arith.addi %add3A_624, %mul3A_623 : i32
      %scan3A_626 = arith.constant 0 : i32
      %scan3A_627 = arith.constant 8 : i32
      %scan3A_628 = arith.addi %scan3A_626, %scan3A_627 : i32
      %scan3A_629 = arith.constant 1 : i32
      scf.for %scan3A_631 = %scan3A_626 to %scan3A_628 step %scan3A_629  : i32 {
        %mul3A_632 = arith.constant 1 : i32
        %mul3A_633 = arith.muli %scan3A_631, %mul3A_632 : i32
        %add3A_634 = arith.constant 0 : i32
        %add3A_635 = arith.addi %add3A_634, %mul3A_633 : i32
        %mul3A_636 = arith.constant 16 : i32
        %mul3A_637 = arith.muli %add3A_635, %mul3A_636 : i32
        %swap3A = arith.index_cast %add3A_625 : i32 to index
        %swap3A_638 = arith.index_cast %mul3A_637 : i32 to index
        %swap3A_639 = tpu.vector_load %arg12[%swap3A, %swap3A_638] {strides = array<i32>} : memref<40x128xf32, #tpu.memory_space<vmem>>, vector<1x16xf32>,
        %swap3A_640 = vector.shape_cast %swap3A_639 : vector<1x16xf32> to vector<16xf32>
        %swap3A_641 = vector.shape_cast %broadcast_in_dim3A_16 : vector<16xf32> to vector<1x16xf32>
        tpu.vector_store %arg12[%swap3A, %swap3A_638], %swap3A_641 {strides = array<i32>} : memref<40x128xf32, #tpu.memory_space<vmem>>, vector<1x16xf32>,
      }
      %scan3A_630 = arith.constant 8 : i32
    }
    %scan3A_20 = arith.constant 40 : i32
    %scan3A_21 = arith.constant 0 : i32
    %scan3A_22 = arith.constant 16 : i32
    %scan3A_23 = arith.addi %scan3A_21, %scan3A_22 : i32
    %scan3A_24 = arith.constant 1 : i32
    scf.for %scan3A_621 = %scan3A_21 to %scan3A_23 step %scan3A_24  : i32 {
      %mul3A_622 = arith.constant 1 : i32
      %mul3A_623 = arith.muli %scan3A_621, %mul3A_622 : i32
      %add3A_624 = arith.constant 0 : i32
      %add3A_625 = arith.addi %add3A_624, %mul3A_623 : i32
      %mul3A_626 = arith.constant 640 : i32
      %mul3A_627 = arith.muli %arg1, %mul3A_626 : i32
      %mul3A_628 = arith.constant 40 : i32
      %mul3A_629 = arith.muli %add3A_625, %mul3A_628 : i32
      %add3A_630 = arith.addi %mul3A_627, %mul3A_629 : i32
      %dma_start3A_631 = arith.constant 0 : i32
      %dma_start3A_632 = tpu.memref_slice %arg13[%add3A_630, %dma_start3A_631] : memref<10240x128xf32, #tpu.memory_space<vmem_shared>> -> memref<40x128xf32, #tpu.memory_space<vmem_shared>>
      %dma_start3A_633 = arith.constant 0 : i32
      %dma_start3A_634 = tpu.memref_slice %arg13[%add3A_630, %dma_start3A_633] : memref<10240x128xf32, #tpu.memory_space<vmem_shared>> -> memref<40x128xf32, #tpu.memory_space<vmem_shared>>
      tpu.enqueue_dma source(%arg12 : memref<40x128xf32, #tpu.memory_space<vmem>>) target(%dma_start3A_634 : memref<40x128xf32, #tpu.memory_space<vmem_shared>>) target_semaphore(%arg17 : memref<!tpu.dma_semaphore, #tpu.memory_space<semaphore_mem>>)
    }
    %scan3A_25 = arith.constant 16 : i32
    %dma_wait3A = arith.constant 0 : i32
    %dma_wait3A_26 = arith.constant 0 : i32
    %dma_wait3A_27 = tpu.memref_slice %arg3[%add3A, %dma_wait3A, %dma_wait3A_26] : memref<32x80x125xi32, #tpu.memory_space<hbm>> -> memref<1x16x125xi32, #tpu.memory_space<hbm>>
    %dma_wait3A_28 = tpu.memref_squeeze %dma_wait3A_27 : memref<1x16x125xi32, #tpu.memory_space<hbm>> -> memref<16x125xi32, #tpu.memory_space<hbm>>
    %dma_wait3A_29 = arith.constant 0 : i32
    %dma_wait3A_30 = arith.constant 0 : i32
    %dma_wait3A_31 = tpu.memref_slice %arg3[%add3A, %dma_wait3A_29, %dma_wait3A_30] : memref<32x80x125xi32, #tpu.memory_space<hbm>> -> memref<1x16x125xi32, #tpu.memory_space<hbm>>
    %dma_wait3A_32 = tpu.memref_squeeze %dma_wait3A_31 : memref<1x16x125xi32, #tpu.memory_space<hbm>> -> memref<16x125xi32, #tpu.memory_space<hbm>>
    tpu.wait_dma2 semaphore(%arg16 : memref<!tpu.dma_semaphore, #tpu.memory_space<semaphore_mem>>) src(%dma_wait3A_32 : memref<16x125xi32, #tpu.memory_space<hbm>>) dst(%arg6 : memref<16x125xi32, #tpu.memory_space<vmem>>)
    %dma_wait3A_33 = arith.constant 0 : i32
    %dma_wait3A_34 = arith.constant 0 : i32
    %dma_wait3A_35 = tpu.memref_slice %arg4[%add3A, %dma_wait3A_33, %dma_wait3A_34] : memref<32x80x125xi32, #tpu.memory_space<hbm>> -> memref<1x16x125xi32, #tpu.memory_space<hbm>>
    %dma_wait3A_36 = tpu.memref_squeeze %dma_wait3A_35 : memref<1x16x125xi32, #tpu.memory_space<hbm>> -> memref<16x125xi32, #tpu.memory_space<hbm>>
    %dma_wait3A_37 = arith.constant 0 : i32
    %dma_wait3A_38 = arith.constant 0 : i32
    %dma_wait3A_39 = tpu.memref_slice %arg4[%add3A, %dma_wait3A_37, %dma_wait3A_38] : memref<32x80x125xi32, #tpu.memory_space<hbm>> -> memref<1x16x125xi32, #tpu.memory_space<hbm>>
    %dma_wait3A_40 = tpu.memref_squeeze %dma_wait3A_39 : memref<1x16x125xi32, #tpu.memory_space<hbm>> -> memref<16x125xi32, #tpu.memory_space<hbm>>
    tpu.wait_dma2 semaphore(%arg16 : memref<!tpu.dma_semaphore, #tpu.memory_space<semaphore_mem>>) src(%dma_wait3A_40 : memref<16x125xi32, #tpu.memory_space<hbm>>) dst(%arg7 : memref<16x125xi32, #tpu.memory_space<vmem>>)
    %dma_start3A_41 = arith.constant 0 : i32
    %dma_start3A_42 = arith.constant 0 : i32
    %dma_start3A_43 = tpu.memref_slice %arg6[%dma_start3A_41, %dma_start3A_42] : memref<16x125xi32, #tpu.memory_space<vmem>> -> memref<1x125xi32, #tpu.memory_space<vmem>>
    %dma_start3A_44 = tpu.memref_squeeze %dma_start3A_43 : memref<1x125xi32, #tpu.memory_space<vmem>> -> memref<125xi32, #tpu.memory_space<vmem>>
    %dma_start3A_45 = arith.constant 0 : i32
    %dma_start3A_46 = arith.constant 0 : i32
    %dma_start3A_47 = tpu.memref_slice %arg2[%dma_start3A_45, %dma_start3A_46] : memref<10000x128xf32, #tpu.memory_space<hbm>> -> memref<10000x128xf32, #tpu.memory_space<hbm>>
    tpu.enqueue_indirect_dma source(%dma_start3A_47 : memref<10000x128xf32, #tpu.memory_space<hbm>>) target(%arg10 : memref<125x128xf32, #tpu.memory_space<vmem>>) offsets(%dma_start3A_44 : memref<125xi32, #tpu.memory_space<vmem>>) semaphore(%arg14 : memref<!tpu.dma_semaphore, #tpu.memory_space<semaphore_mem>>)
    %dma_start3A_48 = arith.constant 1 : i32
    %dma_start3A_49 = arith.constant 0 : i32
    %dma_start3A_50 = tpu.memref_slice %arg6[%dma_start3A_48, %dma_start3A_49] : memref<16x125xi32, #tpu.memory_space<vmem>> -> memref<1x125xi32, #tpu.memory_space<vmem>>
    %dma_start3A_51 = tpu.memref_squeeze %dma_start3A_50 : memref<1x125xi32, #tpu.memory_space<vmem>> -> memref<125xi32, #tpu.memory_space<vmem>>
    %dma_start3A_52 = arith.constant 0 : i32
    %dma_start3A_53 = arith.constant 0 : i32
    %dma_start3A_54 = tpu.memref_slice %arg2[%dma_start3A_52, %dma_start3A_53] : memref<10000x128xf32, #tpu.memory_space<hbm>> -> memref<10000x128xf32, #tpu.memory_space<hbm>>
    tpu.enqueue_indirect_dma source(%dma_start3A_54 : memref<10000x128xf32, #tpu.memory_space<hbm>>) target(%arg11 : memref<125x128xf32, #tpu.memory_space<vmem>>) offsets(%dma_start3A_51 : memref<125xi32, #tpu.memory_space<vmem>>) semaphore(%arg15 : memref<!tpu.dma_semaphore, #tpu.memory_space<semaphore_mem>>)
    %scan3A_55 = arith.constant 0 : i32
    %scan3A_56 = arith.constant 16 : i32
    %scan3A_57 = arith.addi %scan3A_55, %scan3A_56 : i32
    %scan3A_58 = arith.constant 1 : i32
    scf.for %scan3A_621 = %scan3A_55 to %scan3A_57 step %scan3A_58  : i32 {
      %mul3A_622 = arith.constant 1 : i32
      %mul3A_623 = arith.muli %scan3A_621, %mul3A_622 : i32
      %add3A_624 = arith.constant 0 : i32
      %add3A_625 = arith.addi %add3A_624, %mul3A_623 : i32
      %mul3A_626 = arith.constant 640 : i32
      %mul3A_627 = arith.muli %arg1, %mul3A_626 : i32
      %mul3A_628 = arith.constant 40 : i32
      %mul3A_629 = arith.muli %add3A_625, %mul3A_628 : i32
      %add3A_630 = arith.addi %mul3A_627, %mul3A_629 : i32
      %dma_wait3A_631 = arith.constant 0 : i32
      %dma_wait3A_632 = tpu.memref_slice %arg13[%add3A_630, %dma_wait3A_631] : memref<10240x128xf32, #tpu.memory_space<vmem_shared>> -> memref<40x128xf32, #tpu.memory_space<vmem_shared>>
      %dma_wait3A_633 = arith.constant 0 : i32
      %dma_wait3A_634 = tpu.memref_slice %arg13[%add3A_630, %dma_wait3A_633] : memref<10240x128xf32, #tpu.memory_space<vmem_shared>> -> memref<40x128xf32, #tpu.memory_space<vmem_shared>>
      tpu.wait_dma2 semaphore(%arg17 : memref<!tpu.dma_semaphore, #tpu.memory_space<semaphore_mem>>) src(%arg12 : memref<40x128xf32, #tpu.memory_space<vmem>>) dst(%dma_wait3A_634 : memref<40x128xf32, #tpu.memory_space<vmem_shared>>)
    }
    %scan3A_59 = arith.constant 16 : i32
    %barrier3A = arith.constant 0 : index
    tpu.barrier barrier_id(%barrier3A)
    %dma_start3A_60 = arith.constant 16 : i32
    %dma_start3A_61 = arith.constant 0 : i32
    %dma_start3A_62 = tpu.memref_slice %arg3[%add3A, %dma_start3A_60, %dma_start3A_61] : memref<32x80x125xi32, #tpu.memory_space<hbm>> -> memref<1x16x125xi32, #tpu.memory_space<hbm>>
    %dma_start3A_63 = tpu.memref_squeeze %dma_start3A_62 : memref<1x16x125xi32, #tpu.memory_space<hbm>> -> memref<16x125xi32, #tpu.memory_space<hbm>>
    %dma_start3A_64 = arith.constant 16 : i32
    %dma_start3A_65 = arith.constant 0 : i32
    %dma_start3A_66 = tpu.memref_slice %arg3[%add3A, %dma_start3A_64, %dma_start3A_65] : memref<32x80x125xi32, #tpu.memory_space<hbm>> -> memref<1x16x125xi32, #tpu.memory_space<hbm>>
    %dma_start3A_67 = tpu.memref_squeeze %dma_start3A_66 : memref<1x16x125xi32, #tpu.memory_space<hbm>> -> memref<16x125xi32, #tpu.memory_space<hbm>>
    tpu.enqueue_dma source(%dma_start3A_67 : memref<16x125xi32, #tpu.memory_space<hbm>>) target(%arg8 : memref<16x125xi32, #tpu.memory_space<vmem>>) target_semaphore(%arg17 : memref<!tpu.dma_semaphore, #tpu.memory_space<semaphore_mem>>)
    %dma_start3A_68 = arith.constant 16 : i32
    %dma_start3A_69 = arith.constant 0 : i32
    %dma_start3A_70 = tpu.memref_slice %arg4[%add3A, %dma_start3A_68, %dma_start3A_69] : memref<32x80x125xi32, #tpu.memory_space<hbm>> -> memref<1x16x125xi32, #tpu.memory_space<hbm>>
    %dma_start3A_71 = tpu.memref_squeeze %dma_start3A_70 : memref<1x16x125xi32, #tpu.memory_space<hbm>> -> memref<16x125xi32, #tpu.memory_space<hbm>>
    %dma_start3A_72 = arith.constant 16 : i32
    %dma_start3A_73 = arith.constant 0 : i32
    %dma_start3A_74 = tpu.memref_slice %arg4[%add3A, %dma_start3A_72, %dma_start3A_73] : memref<32x80x125xi32, #tpu.memory_space<hbm>> -> memref<1x16x125xi32, #tpu.memory_space<hbm>>
    %dma_start3A_75 = tpu.memref_squeeze %dma_start3A_74 : memref<1x16x125xi32, #tpu.memory_space<hbm>> -> memref<16x125xi32, #tpu.memory_space<hbm>>
    tpu.enqueue_dma source(%dma_start3A_75 : memref<16x125xi32, #tpu.memory_space<hbm>>) target(%arg9 : memref<16x125xi32, #tpu.memory_space<vmem>>) target_semaphore(%arg17 : memref<!tpu.dma_semaphore, #tpu.memory_space<semaphore_mem>>)
    %scan3A_76 = arith.constant 0 : i32
    %scan3A_77 = arith.constant 7 : i32
    %scan3A_78 = arith.addi %scan3A_76, %scan3A_77 : i32
    %scan3A_79 = arith.constant 1 : i32
    scf.for %scan3A_621 = %scan3A_76 to %scan3A_78 step %scan3A_79  : i32 {
      %mul3A_622 = arith.constant 1 : i32
      %mul3A_623 = arith.muli %scan3A_621, %mul3A_622 : i32
      %add3A_624 = arith.constant 0 : i32
      %add3A_625 = arith.addi %add3A_624, %mul3A_623 : i32
      %mul3A_626 = arith.constant 2 : i32
      %mul3A_627 = arith.muli %add3A_625, %mul3A_626 : i32
      %dma_wait3A_628 = arith.constant 0 : i32
      %dma_wait3A_629 = tpu.memref_slice %arg6[%mul3A_627, %dma_wait3A_628] : memref<16x125xi32, #tpu.memory_space<vmem>> -> memref<1x125xi32, #tpu.memory_space<vmem>>
      %dma_wait3A_630 = tpu.memref_squeeze %dma_wait3A_629 : memref<1x125xi32, #tpu.memory_space<vmem>> -> memref<125xi32, #tpu.memory_space<vmem>>
      %dma_wait3A_631 = arith.constant 0 : i32
      %dma_wait3A_632 = arith.constant 0 : i32
      %dma_wait3A_633 = tpu.memref_slice %arg2[%dma_wait3A_631, %dma_wait3A_632] : memref<10000x128xf32, #tpu.memory_space<hbm>> -> memref<10000x128xf32, #tpu.memory_space<hbm>>
      tpu.wait_indirect_dma semaphore(%arg14 : memref<!tpu.dma_semaphore, #tpu.memory_space<semaphore_mem>>) src(%dma_wait3A_633 : memref<10000x128xf32, #tpu.memory_space<hbm>>) dst(%arg10 : memref<125x128xf32, #tpu.memory_space<vmem>>)
      "tpu.region"() ({
        %run_scoped3A_660 = tpu.sem_alloc : memref<!tpu.dma_semaphore, #tpu.memory_space<semaphore_mem>>
        %dma_start3A_661 = arith.constant 0 : i32
        %dma_start3A_662 = tpu.memref_slice %arg7[%mul3A_627, %dma_start3A_661] : memref<16x125xi32, #tpu.memory_space<vmem>> -> memref<1x125xi32, #tpu.memory_space<vmem>>
        %dma_start3A_663 = tpu.memref_squeeze %dma_start3A_662 : memref<1x125xi32, #tpu.memory_space<vmem>> -> memref<125xi32, #tpu.memory_space<vmem>>
        %dma_start3A_664 = arith.constant 0 : i32
        %dma_start3A_665 = arith.constant 0 : i32
        %dma_start3A_666 = tpu.memref_slice %arg13[%dma_start3A_664, %dma_start3A_665] : memref<10240x128xf32, #tpu.memory_space<vmem_shared>> -> memref<10240x128xf32, #tpu.memory_space<vmem_shared>>
        tpu.enqueue_indirect_dma source(%arg10 : memref<125x128xf32, #tpu.memory_space<vmem>>) target(%dma_start3A_666 : memref<10240x128xf32, #tpu.memory_space<vmem_shared>>) offsets(%dma_start3A_663 : memref<125xi32, #tpu.memory_space<vmem>>) semaphore(%run_scoped3A_660 : memref<!tpu.dma_semaphore, #tpu.memory_space<semaphore_mem>>) {add = true}
        %dma_wait3A_667 = arith.constant 0 : i32
        %dma_wait3A_668 = tpu.memref_slice %arg7[%mul3A_627, %dma_wait3A_667] : memref<16x125xi32, #tpu.memory_space<vmem>> -> memref<1x125xi32, #tpu.memory_space<vmem>>
        %dma_wait3A_669 = tpu.memref_squeeze %dma_wait3A_668 : memref<1x125xi32, #tpu.memory_space<vmem>> -> memref<125xi32, #tpu.memory_space<vmem>>
        %dma_wait3A_670 = arith.constant 0 : i32
        %dma_wait3A_671 = arith.constant 0 : i32
        %dma_wait3A_672 = tpu.memref_slice %arg13[%dma_wait3A_670, %dma_wait3A_671] : memref<10240x128xf32, #tpu.memory_space<vmem_shared>> -> memref<10240x128xf32, #tpu.memory_space<vmem_shared>>
        tpu.wait_indirect_dma semaphore(%run_scoped3A_660 : memref<!tpu.dma_semaphore, #tpu.memory_space<semaphore_mem>>) src(%arg10 : memref<125x128xf32, #tpu.memory_space<vmem>>) dst(%dma_wait3A_672 : memref<10240x128xf32, #tpu.memory_space<vmem_shared>>)
        tpu.yield
      }) : () -> ()
      %add3A_634 = arith.constant 2 : i32
      %add3A_635 = arith.addi %mul3A_627, %add3A_634 : i32
      %dma_start3A_636 = arith.constant 0 : i32
      %dma_start3A_637 = tpu.memref_slice %arg6[%add3A_635, %dma_start3A_636] : memref<16x125xi32, #tpu.memory_space<vmem>> -> memref<1x125xi32, #tpu.memory_space<vmem>>
      %dma_start3A_638 = tpu.memref_squeeze %dma_start3A_637 : memref<1x125xi32, #tpu.memory_space<vmem>> -> memref<125xi32, #tpu.memory_space<vmem>>
      %dma_start3A_639 = arith.constant 0 : i32
      %dma_start3A_640 = arith.constant 0 : i32
      %dma_start3A_641 = tpu.memref_slice %arg2[%dma_start3A_639, %dma_start3A_640] : memref<10000x128xf32, #tpu.memory_space<hbm>> -> memref<10000x128xf32, #tpu.memory_space<hbm>>
      tpu.enqueue_indirect_dma source(%dma_start3A_641 : memref<10000x128xf32, #tpu.memory_space<hbm>>) target(%arg10 : memref<125x128xf32, #tpu.memory_space<vmem>>) offsets(%dma_start3A_638 : memref<125xi32, #tpu.memory_space<vmem>>) semaphore(%arg14 : memref<!tpu.dma_semaphore, #tpu.memory_space<semaphore_mem>>)
      %add3A_642 = arith.constant 1 : i32
      %add3A_643 = arith.addi %mul3A_627, %add3A_642 : i32
      %dma_wait3A_644 = arith.constant 0 : i32
      %dma_wait3A_645 = tpu.memref_slice %arg6[%add3A_643, %dma_wait3A_644] : memref<16x125xi32, #tpu.memory_space<vmem>> -> memref<1x125xi32, #tpu.memory_space<vmem>>
      %dma_wait3A_646 = tpu.memref_squeeze %dma_wait3A_645 : memref<1x125xi32, #tpu.memory_space<vmem>> -> memref<125xi32, #tpu.memory_space<vmem>>
      %dma_wait3A_647 = arith.constant 0 : i32
      %dma_wait3A_648 = arith.constant 0 : i32
      %dma_wait3A_649 = tpu.memref_slice %arg2[%dma_wait3A_647, %dma_wait3A_648] : memref<10000x128xf32, #tpu.memory_space<hbm>> -> memref<10000x128xf32, #tpu.memory_space<hbm>>
      tpu.wait_indirect_dma semaphore(%arg15 : memref<!tpu.dma_semaphore, #tpu.memory_space<semaphore_mem>>) src(%dma_wait3A_649 : memref<10000x128xf32, #tpu.memory_space<hbm>>) dst(%arg11 : memref<125x128xf32, #tpu.memory_space<vmem>>)
      %add3A_650 = arith.constant 1 : i32
      %add3A_651 = arith.addi %mul3A_627, %add3A_650 : i32
      "tpu.region"() ({
        %run_scoped3A_660 = tpu.sem_alloc : memref<!tpu.dma_semaphore, #tpu.memory_space<semaphore_mem>>
        %dma_start3A_661 = arith.constant 0 : i32
        %dma_start3A_662 = tpu.memref_slice %arg7[%add3A_651, %dma_start3A_661] : memref<16x125xi32, #tpu.memory_space<vmem>> -> memref<1x125xi32, #tpu.memory_space<vmem>>
        %dma_start3A_663 = tpu.memref_squeeze %dma_start3A_662 : memref<1x125xi32, #tpu.memory_space<vmem>> -> memref<125xi32, #tpu.memory_space<vmem>>
        %dma_start3A_664 = arith.constant 0 : i32
        %dma_start3A_665 = arith.constant 0 : i32
        %dma_start3A_666 = tpu.memref_slice %arg13[%dma_start3A_664, %dma_start3A_665] : memref<10240x128xf32, #tpu.memory_space<vmem_shared>> -> memref<10240x128xf32, #tpu.memory_space<vmem_shared>>
        tpu.enqueue_indirect_dma source(%arg11 : memref<125x128xf32, #tpu.memory_space<vmem>>) target(%dma_start3A_666 : memref<10240x128xf32, #tpu.memory_space<vmem_shared>>) offsets(%dma_start3A_663 : memref<125xi32, #tpu.memory_space<vmem>>) semaphore(%run_scoped3A_660 : memref<!tpu.dma_semaphore, #tpu.memory_space<semaphore_mem>>) {add = true}
        %dma_wait3A_667 = arith.constant 0 : i32
        %dma_wait3A_668 = tpu.memref_slice %arg7[%add3A_651, %dma_wait3A_667] : memref<16x125xi32, #tpu.memory_space<vmem>> -> memref<1x125xi32, #tpu.memory_space<vmem>>
        %dma_wait3A_669 = tpu.memref_squeeze %dma_wait3A_668 : memref<1x125xi32, #tpu.memory_space<vmem>> -> memref<125xi32, #tpu.memory_space<vmem>>
        %dma_wait3A_670 = arith.constant 0 : i32
        %dma_wait3A_671 = arith.constant 0 : i32
        %dma_wait3A_672 = tpu.memref_slice %arg13[%dma_wait3A_670, %dma_wait3A_671] : memref<10240x128xf32, #tpu.memory_space<vmem_shared>> -> memref<10240x128xf32, #tpu.memory_space<vmem_shared>>
        tpu.wait_indirect_dma semaphore(%run_scoped3A_660 : memref<!tpu.dma_semaphore, #tpu.memory_space<semaphore_mem>>) src(%arg11 : memref<125x128xf32, #tpu.memory_space<vmem>>) dst(%dma_wait3A_672 : memref<10240x128xf32, #tpu.memory_space<vmem_shared>>)
        tpu.yield
      }) : () -> ()
      %add3A_652 = arith.constant 3 : i32
      %add3A_653 = arith.addi %mul3A_627, %add3A_652 : i32
      %dma_start3A_654 = arith.constant 0 : i32
      %dma_start3A_655 = tpu.memref_slice %arg6[%add3A_653, %dma_start3A_654] : memref<16x125xi32, #tpu.memory_space<vmem>> -> memref<1x125xi32, #tpu.memory_space<vmem>>
      %dma_start3A_656 = tpu.memref_squeeze %dma_start3A_655 : memref<1x125xi32, #tpu.memory_space<vmem>> -> memref<125xi32, #tpu.memory_space<vmem>>
      %dma_start3A_657 = arith.constant 0 : i32
      %dma_start3A_658 = arith.constant 0 : i32
      %dma_start3A_659 = tpu.memref_slice %arg2[%dma_start3A_657, %dma_start3A_658] : memref<10000x128xf32, #tpu.memory_space<hbm>> -> memref<10000x128xf32, #tpu.memory_space<hbm>>
      tpu.enqueue_indirect_dma source(%dma_start3A_659 : memref<10000x128xf32, #tpu.memory_space<hbm>>) target(%arg11 : memref<125x128xf32, #tpu.memory_space<vmem>>) offsets(%dma_start3A_656 : memref<125xi32, #tpu.memory_space<vmem>>) semaphore(%arg15 : memref<!tpu.dma_semaphore, #tpu.memory_space<semaphore_mem>>)
    }
    %scan3A_80 = arith.constant 7 : i32
    %dma_wait3A_81 = arith.constant 16 : i32
    %dma_wait3A_82 = arith.constant 0 : i32
    %dma_wait3A_83 = tpu.memref_slice %arg3[%add3A, %dma_wait3A_81, %dma_wait3A_82] : memref<32x80x125xi32, #tpu.memory_space<hbm>> -> memref<1x16x125xi32, #tpu.memory_space<hbm>>
    %dma_wait3A_84 = tpu.memref_squeeze %dma_wait3A_83 : memref<1x16x125xi32, #tpu.memory_space<hbm>> -> memref<16x125xi32, #tpu.memory_space<hbm>>
    %dma_wait3A_85 = arith.constant 16 : i32
    %dma_wait3A_86 = arith.constant 0 : i32
    %dma_wait3A_87 = tpu.memref_slice %arg3[%add3A, %dma_wait3A_85, %dma_wait3A_86] : memref<32x80x125xi32, #tpu.memory_space<hbm>> -> memref<1x16x125xi32, #tpu.memory_space<hbm>>
    %dma_wait3A_88 = tpu.memref_squeeze %dma_wait3A_87 : memref<1x16x125xi32, #tpu.memory_space<hbm>> -> memref<16x125xi32, #tpu.memory_space<hbm>>
    tpu.wait_dma2 semaphore(%arg17 : memref<!tpu.dma_semaphore, #tpu.memory_space<semaphore_mem>>) src(%dma_wait3A_88 : memref<16x125xi32, #tpu.memory_space<hbm>>) dst(%arg8 : memref<16x125xi32, #tpu.memory_space<vmem>>)
    %dma_wait3A_89 = arith.constant 16 : i32
    %dma_wait3A_90 = arith.constant 0 : i32
    %dma_wait3A_91 = tpu.memref_slice %arg4[%add3A, %dma_wait3A_89, %dma_wait3A_90] : memref<32x80x125xi32, #tpu.memory_space<hbm>> -> memref<1x16x125xi32, #tpu.memory_space<hbm>>
    %dma_wait3A_92 = tpu.memref_squeeze %dma_wait3A_91 : memref<1x16x125xi32, #tpu.memory_space<hbm>> -> memref<16x125xi32, #tpu.memory_space<hbm>>
    %dma_wait3A_93 = arith.constant 16 : i32
    %dma_wait3A_94 = arith.constant 0 : i32
    %dma_wait3A_95 = tpu.memref_slice %arg4[%add3A, %dma_wait3A_93, %dma_wait3A_94] : memref<32x80x125xi32, #tpu.memory_space<hbm>> -> memref<1x16x125xi32, #tpu.memory_space<hbm>>
    %dma_wait3A_96 = tpu.memref_squeeze %dma_wait3A_95 : memref<1x16x125xi32, #tpu.memory_space<hbm>> -> memref<16x125xi32, #tpu.memory_space<hbm>>
    tpu.wait_dma2 semaphore(%arg17 : memref<!tpu.dma_semaphore, #tpu.memory_space<semaphore_mem>>) src(%dma_wait3A_96 : memref<16x125xi32, #tpu.memory_space<hbm>>) dst(%arg9 : memref<16x125xi32, #tpu.memory_space<vmem>>)
    %dma_wait3A_97 = arith.constant 14 : i32
    %dma_wait3A_98 = arith.constant 0 : i32
    %dma_wait3A_99 = tpu.memref_slice %arg6[%dma_wait3A_97, %dma_wait3A_98] : memref<16x125xi32, #tpu.memory_space<vmem>> -> memref<1x125xi32, #tpu.memory_space<vmem>>
    %dma_wait3A_100 = tpu.memref_squeeze %dma_wait3A_99 : memref<1x125xi32, #tpu.memory_space<vmem>> -> memref<125xi32, #tpu.memory_space<vmem>>
    %dma_wait3A_101 = arith.constant 0 : i32
    %dma_wait3A_102 = arith.constant 0 : i32
    %dma_wait3A_103 = tpu.memref_slice %arg2[%dma_wait3A_101, %dma_wait3A_102] : memref<10000x128xf32, #tpu.memory_space<hbm>> -> memref<10000x128xf32, #tpu.memory_space<hbm>>
    tpu.wait_indirect_dma semaphore(%arg14 : memref<!tpu.dma_semaphore, #tpu.memory_space<semaphore_mem>>) src(%dma_wait3A_103 : memref<10000x128xf32, #tpu.memory_space<hbm>>) dst(%arg10 : memref<125x128xf32, #tpu.memory_space<vmem>>)
    %run_scoped3A = arith.constant 14 : i32
    "tpu.region"() ({
      %run_scoped3A_621 = tpu.sem_alloc : memref<!tpu.dma_semaphore, #tpu.memory_space<semaphore_mem>>
      %dma_start3A_622 = arith.constant 0 : i32
      %dma_start3A_623 = tpu.memref_slice %arg7[%run_scoped3A, %dma_start3A_622] : memref<16x125xi32, #tpu.memory_space<vmem>> -> memref<1x125xi32, #tpu.memory_space<vmem>>
      %dma_start3A_624 = tpu.memref_squeeze %dma_start3A_623 : memref<1x125xi32, #tpu.memory_space<vmem>> -> memref<125xi32, #tpu.memory_space<vmem>>
      %dma_start3A_625 = arith.constant 0 : i32
      %dma_start3A_626 = arith.constant 0 : i32
      %dma_start3A_627 = tpu.memref_slice %arg13[%dma_start3A_625, %dma_start3A_626] : memref<10240x128xf32, #tpu.memory_space<vmem_shared>> -> memref<10240x128xf32, #tpu.memory_space<vmem_shared>>
      tpu.enqueue_indirect_dma source(%arg10 : memref<125x128xf32, #tpu.memory_space<vmem>>) target(%dma_start3A_627 : memref<10240x128xf32, #tpu.memory_space<vmem_shared>>) offsets(%dma_start3A_624 : memref<125xi32, #tpu.memory_space<vmem>>) semaphore(%run_scoped3A_621 : memref<!tpu.dma_semaphore, #tpu.memory_space<semaphore_mem>>) {add = true}
      %dma_wait3A_628 = arith.constant 0 : i32
      %dma_wait3A_629 = tpu.memref_slice %arg7[%run_scoped3A, %dma_wait3A_628] : memref<16x125xi32, #tpu.memory_space<vmem>> -> memref<1x125xi32, #tpu.memory_space<vmem>>
      %dma_wait3A_630 = tpu.memref_squeeze %dma_wait3A_629 : memref<1x125xi32, #tpu.memory_space<vmem>> -> memref<125xi32, #tpu.memory_space<vmem>>
      %dma_wait3A_631 = arith.constant 0 : i32
      %dma_wait3A_632 = arith.constant 0 : i32
      %dma_wait3A_633 = tpu.memref_slice %arg13[%dma_wait3A_631, %dma_wait3A_632] : memref<10240x128xf32, #tpu.memory_space<vmem_shared>> -> memref<10240x128xf32, #tpu.memory_space<vmem_shared>>
      tpu.wait_indirect_dma semaphore(%run_scoped3A_621 : memref<!tpu.dma_semaphore, #tpu.memory_space<semaphore_mem>>) src(%arg10 : memref<125x128xf32, #tpu.memory_space<vmem>>) dst(%dma_wait3A_633 : memref<10240x128xf32, #tpu.memory_space<vmem_shared>>)
      tpu.yield
    }) : () -> ()
    %dma_start3A_104 = arith.constant 0 : i32
    %dma_start3A_105 = arith.constant 0 : i32
    %dma_start3A_106 = tpu.memref_slice %arg8[%dma_start3A_104, %dma_start3A_105] : memref<16x125xi32, #tpu.memory_space<vmem>> -> memref<1x125xi32, #tpu.memory_space<vmem>>
    %dma_start3A_107 = tpu.memref_squeeze %dma_start3A_106 : memref<1x125xi32, #tpu.memory_space<vmem>> -> memref<125xi32, #tpu.memory_space<vmem>>
    %dma_start3A_108 = arith.constant 0 : i32
    %dma_start3A_109 = arith.constant 0 : i32
    %dma_start3A_110 = tpu.memref_slice %arg2[%dma_start3A_108, %dma_start3A_109] : memref<10000x128xf32, #tpu.memory_space<hbm>> -> memref<10000x128xf32, #tpu.memory_space<hbm>>
    tpu.enqueue_indirect_dma source(%dma_start3A_110 : memref<10000x128xf32, #tpu.memory_space<hbm>>) target(%arg10 : memref<125x128xf32, #tpu.memory_space<vmem>>) offsets(%dma_start3A_107 : memref<125xi32, #tpu.memory_space<vmem>>) semaphore(%arg14 : memref<!tpu.dma_semaphore, #tpu.memory_space<semaphore_mem>>)
    %dma_wait3A_111 = arith.constant 15 : i32
    %dma_wait3A_112 = arith.constant 0 : i32
    %dma_wait3A_113 = tpu.memref_slice %arg6[%dma_wait3A_111, %dma_wait3A_112] : memref<16x125xi32, #tpu.memory_space<vmem>> -> memref<1x125xi32, #tpu.memory_space<vmem>>
    %dma_wait3A_114 = tpu.memref_squeeze %dma_wait3A_113 : memref<1x125xi32, #tpu.memory_space<vmem>> -> memref<125xi32, #tpu.memory_space<vmem>>
    %dma_wait3A_115 = arith.constant 0 : i32
    %dma_wait3A_116 = arith.constant 0 : i32
    %dma_wait3A_117 = tpu.memref_slice %arg2[%dma_wait3A_115, %dma_wait3A_116] : memref<10000x128xf32, #tpu.memory_space<hbm>> -> memref<10000x128xf32, #tpu.memory_space<hbm>>
    tpu.wait_indirect_dma semaphore(%arg15 : memref<!tpu.dma_semaphore, #tpu.memory_space<semaphore_mem>>) src(%dma_wait3A_117 : memref<10000x128xf32, #tpu.memory_space<hbm>>) dst(%arg11 : memref<125x128xf32, #tpu.memory_space<vmem>>)
    %run_scoped3A_118 = arith.constant 15 : i32
    "tpu.region"() ({
      %run_scoped3A_621 = tpu.sem_alloc : memref<!tpu.dma_semaphore, #tpu.memory_space<semaphore_mem>>
      %dma_start3A_622 = arith.constant 0 : i32
      %dma_start3A_623 = tpu.memref_slice %arg7[%run_scoped3A_118, %dma_start3A_622] : memref<16x125xi32, #tpu.memory_space<vmem>> -> memref<1x125xi32, #tpu.memory_space<vmem>>
      %dma_start3A_624 = tpu.memref_squeeze %dma_start3A_623 : memref<1x125xi32, #tpu.memory_space<vmem>> -> memref<125xi32, #tpu.memory_space<vmem>>
      %dma_start3A_625 = arith.constant 0 : i32
      %dma_start3A_626 = arith.constant 0 : i32
      %dma_start3A_627 = tpu.memref_slice %arg13[%dma_start3A_625, %dma_start3A_626] : memref<10240x128xf32, #tpu.memory_space<vmem_shared>> -> memref<10240x128xf32, #tpu.memory_space<vmem_shared>>
      tpu.enqueue_indirect_dma source(%arg11 : memref<125x128xf32, #tpu.memory_space<vmem>>) target(%dma_start3A_627 : memref<10240x128xf32, #tpu.memory_space<vmem_shared>>) offsets(%dma_start3A_624 : memref<125xi32, #tpu.memory_space<vmem>>) semaphore(%run_scoped3A_621 : memref<!tpu.dma_semaphore, #tpu.memory_space<semaphore_mem>>) {add = true}
      %dma_wait3A_628 = arith.constant 0 : i32
      %dma_wait3A_629 = tpu.memref_slice %arg7[%run_scoped3A_118, %dma_wait3A_628] : memref<16x125xi32, #tpu.memory_space<vmem>> -> memref<1x125xi32, #tpu.memory_space<vmem>>
      %dma_wait3A_630 = tpu.memref_squeeze %dma_wait3A_629 : memref<1x125xi32, #tpu.memory_space<vmem>> -> memref<125xi32, #tpu.memory_space<vmem>>
      %dma_wait3A_631 = arith.constant 0 : i32
      %dma_wait3A_632 = arith.constant 0 : i32
      %dma_wait3A_633 = tpu.memref_slice %arg13[%dma_wait3A_631, %dma_wait3A_632] : memref<10240x128xf32, #tpu.memory_space<vmem_shared>> -> memref<10240x128xf32, #tpu.memory_space<vmem_shared>>
      tpu.wait_indirect_dma semaphore(%run_scoped3A_621 : memref<!tpu.dma_semaphore, #tpu.memory_space<semaphore_mem>>) src(%arg11 : memref<125x128xf32, #tpu.memory_space<vmem>>) dst(%dma_wait3A_633 : memref<10240x128xf32, #tpu.memory_space<vmem_shared>>)
      tpu.yield
    }) : () -> ()
    %dma_start3A_119 = arith.constant 1 : i32
    %dma_start3A_120 = arith.constant 0 : i32
    %dma_start3A_121 = tpu.memref_slice %arg8[%dma_start3A_119, %dma_start3A_120] : memref<16x125xi32, #tpu.memory_space<vmem>> -> memref<1x125xi32, #tpu.memory_space<vmem>>
    %dma_start3A_122 = tpu.memref_squeeze %dma_start3A_121 : memref<1x125xi32, #tpu.memory_space<vmem>> -> memref<125xi32, #tpu.memory_space<vmem>>
    %dma_start3A_123 = arith.constant 0 : i32
    %dma_start3A_124 = arith.constant 0 : i32
    %dma_start3A_125 = tpu.memref_slice %arg2[%dma_start3A_123, %dma_start3A_124] : memref<10000x128xf32, #tpu.memory_space<hbm>> -> memref<10000x128xf32, #tpu.memory_space<hbm>>
    tpu.enqueue_indirect_dma source(%dma_start3A_125 : memref<10000x128xf32, #tpu.memory_space<hbm>>) target(%arg11 : memref<125x128xf32, #tpu.memory_space<vmem>>) offsets(%dma_start3A_122 : memref<125xi32, #tpu.memory_space<vmem>>) semaphore(%arg15 : memref<!tpu.dma_semaphore, #tpu.memory_space<semaphore_mem>>)
    %dma_start3A_126 = arith.constant 32 : i32
    %dma_start3A_127 = arith.constant 0 : i32
    %dma_start3A_128 = tpu.memref_slice %arg3[%add3A, %dma_start3A_126, %dma_start3A_127] : memref<32x80x125xi32, #tpu.memory_space<hbm>> -> memref<1x16x125xi32, #tpu.memory_space<hbm>>
    %dma_start3A_129 = tpu.memref_squeeze %dma_start3A_128 : memref<1x16x125xi32, #tpu.memory_space<hbm>> -> memref<16x125xi32, #tpu.memory_space<hbm>>
    %dma_start3A_130 = arith.constant 32 : i32
    %dma_start3A_131 = arith.constant 0 : i32
    %dma_start3A_132 = tpu.memref_slice %arg3[%add3A, %dma_start3A_130, %dma_start3A_131] : memref<32x80x125xi32, #tpu.memory_space<hbm>> -> memref<1x16x125xi32, #tpu.memory_space<hbm>>
    %dma_start3A_133 = tpu.memref_squeeze %dma_start3A_132 : memref<1x16x125xi32, #tpu.memory_space<hbm>> -> memref<16x125xi32, #tpu.memory_space<hbm>>
    tpu.enqueue_dma source(%dma_start3A_133 : memref<16x125xi32, #tpu.memory_space<hbm>>) target(%arg6 : memref<16x125xi32, #tpu.memory_space<vmem>>) target_semaphore(%arg16 : memref<!tpu.dma_semaphore, #tpu.memory_space<semaphore_mem>>)
    %dma_start3A_134 = arith.constant 32 : i32
    %dma_start3A_135 = arith.constant 0 : i32
    %dma_start3A_136 = tpu.memref_slice %arg4[%add3A, %dma_start3A_134, %dma_start3A_135] : memref<32x80x125xi32, #tpu.memory_space<hbm>> -> memref<1x16x125xi32, #tpu.memory_space<hbm>>
    %dma_start3A_137 = tpu.memref_squeeze %dma_start3A_136 : memref<1x16x125xi32, #tpu.memory_space<hbm>> -> memref<16x125xi32, #tpu.memory_space<hbm>>
    %dma_start3A_138 = arith.constant 32 : i32
    %dma_start3A_139 = arith.constant 0 : i32
    %dma_start3A_140 = tpu.memref_slice %arg4[%add3A, %dma_start3A_138, %dma_start3A_139] : memref<32x80x125xi32, #tpu.memory_space<hbm>> -> memref<1x16x125xi32, #tpu.memory_space<hbm>>
    %dma_start3A_141 = tpu.memref_squeeze %dma_start3A_140 : memref<1x16x125xi32, #tpu.memory_space<hbm>> -> memref<16x125xi32, #tpu.memory_space<hbm>>
    tpu.enqueue_dma source(%dma_start3A_141 : memref<16x125xi32, #tpu.memory_space<hbm>>) target(%arg7 : memref<16x125xi32, #tpu.memory_space<vmem>>) target_semaphore(%arg16 : memref<!tpu.dma_semaphore, #tpu.memory_space<semaphore_mem>>)
    %scan3A_142 = arith.constant 0 : i32
    %scan3A_143 = arith.constant 7 : i32
    %scan3A_144 = arith.addi %scan3A_142, %scan3A_143 : i32
    %scan3A_145 = arith.constant 1 : i32
    scf.for %scan3A_621 = %scan3A_142 to %scan3A_144 step %scan3A_145  : i32 {
      %mul3A_622 = arith.constant 1 : i32
      %mul3A_623 = arith.muli %scan3A_621, %mul3A_622 : i32
      %add3A_624 = arith.constant 0 : i32
      %add3A_625 = arith.addi %add3A_624, %mul3A_623 : i32
      %mul3A_626 = arith.constant 2 : i32
      %mul3A_627 = arith.muli %add3A_625, %mul3A_626 : i32
      %dma_wait3A_628 = arith.constant 0 : i32
      %dma_wait3A_629 = tpu.memref_slice %arg8[%mul3A_627, %dma_wait3A_628] : memref<16x125xi32, #tpu.memory_space<vmem>> -> memref<1x125xi32, #tpu.memory_space<vmem>>
      %dma_wait3A_630 = tpu.memref_squeeze %dma_wait3A_629 : memref<1x125xi32, #tpu.memory_space<vmem>> -> memref<125xi32, #tpu.memory_space<vmem>>
      %dma_wait3A_631 = arith.constant 0 : i32
      %dma_wait3A_632 = arith.constant 0 : i32
      %dma_wait3A_633 = tpu.memref_slice %arg2[%dma_wait3A_631, %dma_wait3A_632] : memref<10000x128xf32, #tpu.memory_space<hbm>> -> memref<10000x128xf32, #tpu.memory_space<hbm>>
      tpu.wait_indirect_dma semaphore(%arg14 : memref<!tpu.dma_semaphore, #tpu.memory_space<semaphore_mem>>) src(%dma_wait3A_633 : memref<10000x128xf32, #tpu.memory_space<hbm>>) dst(%arg10 : memref<125x128xf32, #tpu.memory_space<vmem>>)
      "tpu.region"() ({
        %run_scoped3A_660 = tpu.sem_alloc : memref<!tpu.dma_semaphore, #tpu.memory_space<semaphore_mem>>
        %dma_start3A_661 = arith.constant 0 : i32
        %dma_start3A_662 = tpu.memref_slice %arg9[%mul3A_627, %dma_start3A_661] : memref<16x125xi32, #tpu.memory_space<vmem>> -> memref<1x125xi32, #tpu.memory_space<vmem>>
        %dma_start3A_663 = tpu.memref_squeeze %dma_start3A_662 : memref<1x125xi32, #tpu.memory_space<vmem>> -> memref<125xi32, #tpu.memory_space<vmem>>
        %dma_start3A_664 = arith.constant 0 : i32
        %dma_start3A_665 = arith.constant 0 : i32
        %dma_start3A_666 = tpu.memref_slice %arg13[%dma_start3A_664, %dma_start3A_665] : memref<10240x128xf32, #tpu.memory_space<vmem_shared>> -> memref<10240x128xf32, #tpu.memory_space<vmem_shared>>
        tpu.enqueue_indirect_dma source(%arg10 : memref<125x128xf32, #tpu.memory_space<vmem>>) target(%dma_start3A_666 : memref<10240x128xf32, #tpu.memory_space<vmem_shared>>) offsets(%dma_start3A_663 : memref<125xi32, #tpu.memory_space<vmem>>) semaphore(%run_scoped3A_660 : memref<!tpu.dma_semaphore, #tpu.memory_space<semaphore_mem>>) {add = true}
        %dma_wait3A_667 = arith.constant 0 : i32
        %dma_wait3A_668 = tpu.memref_slice %arg9[%mul3A_627, %dma_wait3A_667] : memref<16x125xi32, #tpu.memory_space<vmem>> -> memref<1x125xi32, #tpu.memory_space<vmem>>
        %dma_wait3A_669 = tpu.memref_squeeze %dma_wait3A_668 : memref<1x125xi32, #tpu.memory_space<vmem>> -> memref<125xi32, #tpu.memory_space<vmem>>
        %dma_wait3A_670 = arith.constant 0 : i32
        %dma_wait3A_671 = arith.constant 0 : i32
        %dma_wait3A_672 = tpu.memref_slice %arg13[%dma_wait3A_670, %dma_wait3A_671] : memref<10240x128xf32, #tpu.memory_space<vmem_shared>> -> memref<10240x128xf32, #tpu.memory_space<vmem_shared>>
        tpu.wait_indirect_dma semaphore(%run_scoped3A_660 : memref<!tpu.dma_semaphore, #tpu.memory_space<semaphore_mem>>) src(%arg10 : memref<125x128xf32, #tpu.memory_space<vmem>>) dst(%dma_wait3A_672 : memref<10240x128xf32, #tpu.memory_space<vmem_shared>>)
        tpu.yield
      }) : () -> ()
      %add3A_634 = arith.constant 2 : i32
      %add3A_635 = arith.addi %mul3A_627, %add3A_634 : i32
      %dma_start3A_636 = arith.constant 0 : i32
      %dma_start3A_637 = tpu.memref_slice %arg8[%add3A_635, %dma_start3A_636] : memref<16x125xi32, #tpu.memory_space<vmem>> -> memref<1x125xi32, #tpu.memory_space<vmem>>
      %dma_start3A_638 = tpu.memref_squeeze %dma_start3A_637 : memref<1x125xi32, #tpu.memory_space<vmem>> -> memref<125xi32, #tpu.memory_space<vmem>>
      %dma_start3A_639 = arith.constant 0 : i32
      %dma_start3A_640 = arith.constant 0 : i32
      %dma_start3A_641 = tpu.memref_slice %arg2[%dma_start3A_639, %dma_start3A_640] : memref<10000x128xf32, #tpu.memory_space<hbm>> -> memref<10000x128xf32, #tpu.memory_space<hbm>>
      tpu.enqueue_indirect_dma source(%dma_start3A_641 : memref<10000x128xf32, #tpu.memory_space<hbm>>) target(%arg10 : memref<125x128xf32, #tpu.memory_space<vmem>>) offsets(%dma_start3A_638 : memref<125xi32, #tpu.memory_space<vmem>>) semaphore(%arg14 : memref<!tpu.dma_semaphore, #tpu.memory_space<semaphore_mem>>)
      %add3A_642 = arith.constant 1 : i32
      %add3A_643 = arith.addi %mul3A_627, %add3A_642 : i32
      %dma_wait3A_644 = arith.constant 0 : i32
      %dma_wait3A_645 = tpu.memref_slice %arg8[%add3A_643, %dma_wait3A_644] : memref<16x125xi32, #tpu.memory_space<vmem>> -> memref<1x125xi32, #tpu.memory_space<vmem>>
      %dma_wait3A_646 = tpu.memref_squeeze %dma_wait3A_645 : memref<1x125xi32, #tpu.memory_space<vmem>> -> memref<125xi32, #tpu.memory_space<vmem>>
      %dma_wait3A_647 = arith.constant 0 : i32
      %dma_wait3A_648 = arith.constant 0 : i32
      %dma_wait3A_649 = tpu.memref_slice %arg2[%dma_wait3A_647, %dma_wait3A_648] : memref<10000x128xf32, #tpu.memory_space<hbm>> -> memref<10000x128xf32, #tpu.memory_space<hbm>>
      tpu.wait_indirect_dma semaphore(%arg15 : memref<!tpu.dma_semaphore, #tpu.memory_space<semaphore_mem>>) src(%dma_wait3A_649 : memref<10000x128xf32, #tpu.memory_space<hbm>>) dst(%arg11 : memref<125x128xf32, #tpu.memory_space<vmem>>)
      %add3A_650 = arith.constant 1 : i32
      %add3A_651 = arith.addi %mul3A_627, %add3A_650 : i32
      "tpu.region"() ({
        %run_scoped3A_660 = tpu.sem_alloc : memref<!tpu.dma_semaphore, #tpu.memory_space<semaphore_mem>>
        %dma_start3A_661 = arith.constant 0 : i32
        %dma_start3A_662 = tpu.memref_slice %arg9[%add3A_651, %dma_start3A_661] : memref<16x125xi32, #tpu.memory_space<vmem>> -> memref<1x125xi32, #tpu.memory_space<vmem>>
        %dma_start3A_663 = tpu.memref_squeeze %dma_start3A_662 : memref<1x125xi32, #tpu.memory_space<vmem>> -> memref<125xi32, #tpu.memory_space<vmem>>
        %dma_start3A_664 = arith.constant 0 : i32
        %dma_start3A_665 = arith.constant 0 : i32
        %dma_start3A_666 = tpu.memref_slice %arg13[%dma_start3A_664, %dma_start3A_665] : memref<10240x128xf32, #tpu.memory_space<vmem_shared>> -> memref<10240x128xf32, #tpu.memory_space<vmem_shared>>
        tpu.enqueue_indirect_dma source(%arg11 : memref<125x128xf32, #tpu.memory_space<vmem>>) target(%dma_start3A_666 : memref<10240x128xf32, #tpu.memory_space<vmem_shared>>) offsets(%dma_start3A_663 : memref<125xi32, #tpu.memory_space<vmem>>) semaphore(%run_scoped3A_660 : memref<!tpu.dma_semaphore, #tpu.memory_space<semaphore_mem>>) {add = true}
        %dma_wait3A_667 = arith.constant 0 : i32
        %dma_wait3A_668 = tpu.memref_slice %arg9[%add3A_651, %dma_wait3A_667] : memref<16x125xi32, #tpu.memory_space<vmem>> -> memref<1x125xi32, #tpu.memory_space<vmem>>
        %dma_wait3A_669 = tpu.memref_squeeze %dma_wait3A_668 : memref<1x125xi32, #tpu.memory_space<vmem>> -> memref<125xi32, #tpu.memory_space<vmem>>
        %dma_wait3A_670 = arith.constant 0 : i32
        %dma_wait3A_671 = arith.constant 0 : i32
        %dma_wait3A_672 = tpu.memref_slice %arg13[%dma_wait3A_670, %dma_wait3A_671] : memref<10240x128xf32, #tpu.memory_space<vmem_shared>> -> memref<10240x128xf32, #tpu.memory_space<vmem_shared>>
        tpu.wait_indirect_dma semaphore(%run_scoped3A_660 : memref<!tpu.dma_semaphore, #tpu.memory_space<semaphore_mem>>) src(%arg11 : memref<125x128xf32, #tpu.memory_space<vmem>>) dst(%dma_wait3A_672 : memref<10240x128xf32, #tpu.memory_space<vmem_shared>>)
        tpu.yield
      }) : () -> ()
      %add3A_652 = arith.constant 3 : i32
      %add3A_653 = arith.addi %mul3A_627, %add3A_652 : i32
      %dma_start3A_654 = arith.constant 0 : i32
      %dma_start3A_655 = tpu.memref_slice %arg8[%add3A_653, %dma_start3A_654] : memref<16x125xi32, #tpu.memory_space<vmem>> -> memref<1x125xi32, #tpu.memory_space<vmem>>
      %dma_start3A_656 = tpu.memref_squeeze %dma_start3A_655 : memref<1x125xi32, #tpu.memory_space<vmem>> -> memref<125xi32, #tpu.memory_space<vmem>>
      %dma_start3A_657 = arith.constant 0 : i32
      %dma_start3A_658 = arith.constant 0 : i32
      %dma_start3A_659 = tpu.memref_slice %arg2[%dma_start3A_657, %dma_start3A_658] : memref<10000x128xf32, #tpu.memory_space<hbm>> -> memref<10000x128xf32, #tpu.memory_space<hbm>>
      tpu.enqueue_indirect_dma source(%dma_start3A_659 : memref<10000x128xf32, #tpu.memory_space<hbm>>) target(%arg11 : memref<125x128xf32, #tpu.memory_space<vmem>>) offsets(%dma_start3A_656 : memref<125xi32, #tpu.memory_space<vmem>>) semaphore(%arg15 : memref<!tpu.dma_semaphore, #tpu.memory_space<semaphore_mem>>)
    }
    %scan3A_146 = arith.constant 7 : i32
    %dma_wait3A_147 = arith.constant 32 : i32
    %dma_wait3A_148 = arith.constant 0 : i32
    %dma_wait3A_149 = tpu.memref_slice %arg3[%add3A, %dma_wait3A_147, %dma_wait3A_148] : memref<32x80x125xi32, #tpu.memory_space<hbm>> -> memref<1x16x125xi32, #tpu.memory_space<hbm>>
    %dma_wait3A_150 = tpu.memref_squeeze %dma_wait3A_149 : memref<1x16x125xi32, #tpu.memory_space<hbm>> -> memref<16x125xi32, #tpu.memory_space<hbm>>
    %dma_wait3A_151 = arith.constant 32 : i32
    %dma_wait3A_152 = arith.constant 0 : i32
    %dma_wait3A_153 = tpu.memref_slice %arg3[%add3A, %dma_wait3A_151, %dma_wait3A_152] : memref<32x80x125xi32, #tpu.memory_space<hbm>> -> memref<1x16x125xi32, #tpu.memory_space<hbm>>
    %dma_wait3A_154 = tpu.memref_squeeze %dma_wait3A_153 : memref<1x16x125xi32, #tpu.memory_space<hbm>> -> memref<16x125xi32, #tpu.memory_space<hbm>>
    tpu.wait_dma2 semaphore(%arg16 : memref<!tpu.dma_semaphore, #tpu.memory_space<semaphore_mem>>) src(%dma_wait3A_154 : memref<16x125xi32, #tpu.memory_space<hbm>>) dst(%arg6 : memref<16x125xi32, #tpu.memory_space<vmem>>)
    %dma_wait3A_155 = arith.constant 32 : i32
    %dma_wait3A_156 = arith.constant 0 : i32
    %dma_wait3A_157 = tpu.memref_slice %arg4[%add3A, %dma_wait3A_155, %dma_wait3A_156] : memref<32x80x125xi32, #tpu.memory_space<hbm>> -> memref<1x16x125xi32, #tpu.memory_space<hbm>>
    %dma_wait3A_158 = tpu.memref_squeeze %dma_wait3A_157 : memref<1x16x125xi32, #tpu.memory_space<hbm>> -> memref<16x125xi32, #tpu.memory_space<hbm>>
    %dma_wait3A_159 = arith.constant 32 : i32
    %dma_wait3A_160 = arith.constant 0 : i32
    %dma_wait3A_161 = tpu.memref_slice %arg4[%add3A, %dma_wait3A_159, %dma_wait3A_160] : memref<32x80x125xi32, #tpu.memory_space<hbm>> -> memref<1x16x125xi32, #tpu.memory_space<hbm>>
    %dma_wait3A_162 = tpu.memref_squeeze %dma_wait3A_161 : memref<1x16x125xi32, #tpu.memory_space<hbm>> -> memref<16x125xi32, #tpu.memory_space<hbm>>
    tpu.wait_dma2 semaphore(%arg16 : memref<!tpu.dma_semaphore, #tpu.memory_space<semaphore_mem>>) src(%dma_wait3A_162 : memref<16x125xi32, #tpu.memory_space<hbm>>) dst(%arg7 : memref<16x125xi32, #tpu.memory_space<vmem>>)
    %dma_wait3A_163 = arith.constant 14 : i32
    %dma_wait3A_164 = arith.constant 0 : i32
    %dma_wait3A_165 = tpu.memref_slice %arg8[%dma_wait3A_163, %dma_wait3A_164] : memref<16x125xi32, #tpu.memory_space<vmem>> -> memref<1x125xi32, #tpu.memory_space<vmem>>
    %dma_wait3A_166 = tpu.memref_squeeze %dma_wait3A_165 : memref<1x125xi32, #tpu.memory_space<vmem>> -> memref<125xi32, #tpu.memory_space<vmem>>
    %dma_wait3A_167 = arith.constant 0 : i32
    %dma_wait3A_168 = arith.constant 0 : i32
    %dma_wait3A_169 = tpu.memref_slice %arg2[%dma_wait3A_167, %dma_wait3A_168] : memref<10000x128xf32, #tpu.memory_space<hbm>> -> memref<10000x128xf32, #tpu.memory_space<hbm>>
    tpu.wait_indirect_dma semaphore(%arg14 : memref<!tpu.dma_semaphore, #tpu.memory_space<semaphore_mem>>) src(%dma_wait3A_169 : memref<10000x128xf32, #tpu.memory_space<hbm>>) dst(%arg10 : memref<125x128xf32, #tpu.memory_space<vmem>>)
    %run_scoped3A_170 = arith.constant 14 : i32
    "tpu.region"() ({
      %run_scoped3A_621 = tpu.sem_alloc : memref<!tpu.dma_semaphore, #tpu.memory_space<semaphore_mem>>
      %dma_start3A_622 = arith.constant 0 : i32
      %dma_start3A_623 = tpu.memref_slice %arg9[%run_scoped3A_170, %dma_start3A_622] : memref<16x125xi32, #tpu.memory_space<vmem>> -> memref<1x125xi32, #tpu.memory_space<vmem>>
      %dma_start3A_624 = tpu.memref_squeeze %dma_start3A_623 : memref<1x125xi32, #tpu.memory_space<vmem>> -> memref<125xi32, #tpu.memory_space<vmem>>
      %dma_start3A_625 = arith.constant 0 : i32
      %dma_start3A_626 = arith.constant 0 : i32
      %dma_start3A_627 = tpu.memref_slice %arg13[%dma_start3A_625, %dma_start3A_626] : memref<10240x128xf32, #tpu.memory_space<vmem_shared>> -> memref<10240x128xf32, #tpu.memory_space<vmem_shared>>
      tpu.enqueue_indirect_dma source(%arg10 : memref<125x128xf32, #tpu.memory_space<vmem>>) target(%dma_start3A_627 : memref<10240x128xf32, #tpu.memory_space<vmem_shared>>) offsets(%dma_start3A_624 : memref<125xi32, #tpu.memory_space<vmem>>) semaphore(%run_scoped3A_621 : memref<!tpu.dma_semaphore, #tpu.memory_space<semaphore_mem>>) {add = true}
      %dma_wait3A_628 = arith.constant 0 : i32
      %dma_wait3A_629 = tpu.memref_slice %arg9[%run_scoped3A_170, %dma_wait3A_628] : memref<16x125xi32, #tpu.memory_space<vmem>> -> memref<1x125xi32, #tpu.memory_space<vmem>>
      %dma_wait3A_630 = tpu.memref_squeeze %dma_wait3A_629 : memref<1x125xi32, #tpu.memory_space<vmem>> -> memref<125xi32, #tpu.memory_space<vmem>>
      %dma_wait3A_631 = arith.constant 0 : i32
      %dma_wait3A_632 = arith.constant 0 : i32
      %dma_wait3A_633 = tpu.memref_slice %arg13[%dma_wait3A_631, %dma_wait3A_632] : memref<10240x128xf32, #tpu.memory_space<vmem_shared>> -> memref<10240x128xf32, #tpu.memory_space<vmem_shared>>
      tpu.wait_indirect_dma semaphore(%run_scoped3A_621 : memref<!tpu.dma_semaphore, #tpu.memory_space<semaphore_mem>>) src(%arg10 : memref<125x128xf32, #tpu.memory_space<vmem>>) dst(%dma_wait3A_633 : memref<10240x128xf32, #tpu.memory_space<vmem_shared>>)
      tpu.yield
    }) : () -> ()
    %dma_start3A_171 = arith.constant 0 : i32
    %dma_start3A_172 = arith.constant 0 : i32
    %dma_start3A_173 = tpu.memref_slice %arg6[%dma_start3A_171, %dma_start3A_172] : memref<16x125xi32, #tpu.memory_space<vmem>> -> memref<1x125xi32, #tpu.memory_space<vmem>>
    %dma_start3A_174 = tpu.memref_squeeze %dma_start3A_173 : memref<1x125xi32, #tpu.memory_space<vmem>> -> memref<125xi32, #tpu.memory_space<vmem>>
    %dma_start3A_175 = arith.constant 0 : i32
    %dma_start3A_176 = arith.constant 0 : i32
    %dma_start3A_177 = tpu.memref_slice %arg2[%dma_start3A_175, %dma_start3A_176] : memref<10000x128xf32, #tpu.memory_space<hbm>> -> memref<10000x128xf32, #tpu.memory_space<hbm>>
    tpu.enqueue_indirect_dma source(%dma_start3A_177 : memref<10000x128xf32, #tpu.memory_space<hbm>>) target(%arg10 : memref<125x128xf32, #tpu.memory_space<vmem>>) offsets(%dma_start3A_174 : memref<125xi32, #tpu.memory_space<vmem>>) semaphore(%arg14 : memref<!tpu.dma_semaphore, #tpu.memory_space<semaphore_mem>>)
    %dma_wait3A_178 = arith.constant 15 : i32
    %dma_wait3A_179 = arith.constant 0 : i32
    %dma_wait3A_180 = tpu.memref_slice %arg8[%dma_wait3A_178, %dma_wait3A_179] : memref<16x125xi32, #tpu.memory_space<vmem>> -> memref<1x125xi32, #tpu.memory_space<vmem>>
    %dma_wait3A_181 = tpu.memref_squeeze %dma_wait3A_180 : memref<1x125xi32, #tpu.memory_space<vmem>> -> memref<125xi32, #tpu.memory_space<vmem>>
    %dma_wait3A_182 = arith.constant 0 : i32
    %dma_wait3A_183 = arith.constant 0 : i32
    %dma_wait3A_184 = tpu.memref_slice %arg2[%dma_wait3A_182, %dma_wait3A_183] : memref<10000x128xf32, #tpu.memory_space<hbm>> -> memref<10000x128xf32, #tpu.memory_space<hbm>>
    tpu.wait_indirect_dma semaphore(%arg15 : memref<!tpu.dma_semaphore, #tpu.memory_space<semaphore_mem>>) src(%dma_wait3A_184 : memref<10000x128xf32, #tpu.memory_space<hbm>>) dst(%arg11 : memref<125x128xf32, #tpu.memory_space<vmem>>)
    %run_scoped3A_185 = arith.constant 15 : i32
    "tpu.region"() ({
      %run_scoped3A_621 = tpu.sem_alloc : memref<!tpu.dma_semaphore, #tpu.memory_space<semaphore_mem>>
      %dma_start3A_622 = arith.constant 0 : i32
      %dma_start3A_623 = tpu.memref_slice %arg9[%run_scoped3A_185, %dma_start3A_622] : memref<16x125xi32, #tpu.memory_space<vmem>> -> memref<1x125xi32, #tpu.memory_space<vmem>>
      %dma_start3A_624 = tpu.memref_squeeze %dma_start3A_623 : memref<1x125xi32, #tpu.memory_space<vmem>> -> memref<125xi32, #tpu.memory_space<vmem>>
      %dma_start3A_625 = arith.constant 0 : i32
      %dma_start3A_626 = arith.constant 0 : i32
      %dma_start3A_627 = tpu.memref_slice %arg13[%dma_start3A_625, %dma_start3A_626] : memref<10240x128xf32, #tpu.memory_space<vmem_shared>> -> memref<10240x128xf32, #tpu.memory_space<vmem_shared>>
      tpu.enqueue_indirect_dma source(%arg11 : memref<125x128xf32, #tpu.memory_space<vmem>>) target(%dma_start3A_627 : memref<10240x128xf32, #tpu.memory_space<vmem_shared>>) offsets(%dma_start3A_624 : memref<125xi32, #tpu.memory_space<vmem>>) semaphore(%run_scoped3A_621 : memref<!tpu.dma_semaphore, #tpu.memory_space<semaphore_mem>>) {add = true}
      %dma_wait3A_628 = arith.constant 0 : i32
      %dma_wait3A_629 = tpu.memref_slice %arg9[%run_scoped3A_185, %dma_wait3A_628] : memref<16x125xi32, #tpu.memory_space<vmem>> -> memref<1x125xi32, #tpu.memory_space<vmem>>
      %dma_wait3A_630 = tpu.memref_squeeze %dma_wait3A_629 : memref<1x125xi32, #tpu.memory_space<vmem>> -> memref<125xi32, #tpu.memory_space<vmem>>
      %dma_wait3A_631 = arith.constant 0 : i32
      %dma_wait3A_632 = arith.constant 0 : i32
      %dma_wait3A_633 = tpu.memref_slice %arg13[%dma_wait3A_631, %dma_wait3A_632] : memref<10240x128xf32, #tpu.memory_space<vmem_shared>> -> memref<10240x128xf32, #tpu.memory_space<vmem_shared>>
      tpu.wait_indirect_dma semaphore(%run_scoped3A_621 : memref<!tpu.dma_semaphore, #tpu.memory_space<semaphore_mem>>) src(%arg11 : memref<125x128xf32, #tpu.memory_space<vmem>>) dst(%dma_wait3A_633 : memref<10240x128xf32, #tpu.memory_space<vmem_shared>>)
      tpu.yield
    }) : () -> ()
    %dma_start3A_186 = arith.constant 1 : i32
    %dma_start3A_187 = arith.constant 0 : i32
    %dma_start3A_188 = tpu.memref_slice %arg6[%dma_start3A_186, %dma_start3A_187] : memref<16x125xi32, #tpu.memory_space<vmem>> -> memref<1x125xi32, #tpu.memory_space<vmem>>
    %dma_start3A_189 = tpu.memref_squeeze %dma_start3A_188 : memref<1x125xi32, #tpu.memory_space<vmem>> -> memref<125xi32, #tpu.memory_space<vmem>>
    %dma_start3A_190 = arith.constant 0 : i32
    %dma_start3A_191 = arith.constant 0 : i32
    %dma_start3A_192 = tpu.memref_slice %arg2[%dma_start3A_190, %dma_start3A_191] : memref<10000x128xf32, #tpu.memory_space<hbm>> -> memref<10000x128xf32, #tpu.memory_space<hbm>>
    tpu.enqueue_indirect_dma source(%dma_start3A_192 : memref<10000x128xf32, #tpu.memory_space<hbm>>) target(%arg11 : memref<125x128xf32, #tpu.memory_space<vmem>>) offsets(%dma_start3A_189 : memref<125xi32, #tpu.memory_space<vmem>>) semaphore(%arg15 : memref<!tpu.dma_semaphore, #tpu.memory_space<semaphore_mem>>)
    %dma_start3A_193 = arith.constant 48 : i32
    %dma_start3A_194 = arith.constant 0 : i32
    %dma_start3A_195 = tpu.memref_slice %arg3[%add3A, %dma_start3A_193, %dma_start3A_194] : memref<32x80x125xi32, #tpu.memory_space<hbm>> -> memref<1x16x125xi32, #tpu.memory_space<hbm>>
    %dma_start3A_196 = tpu.memref_squeeze %dma_start3A_195 : memref<1x16x125xi32, #tpu.memory_space<hbm>> -> memref<16x125xi32, #tpu.memory_space<hbm>>
    %dma_start3A_197 = arith.constant 48 : i32
    %dma_start3A_198 = arith.constant 0 : i32
    %dma_start3A_199 = tpu.memref_slice %arg3[%add3A, %dma_start3A_197, %dma_start3A_198] : memref<32x80x125xi32, #tpu.memory_space<hbm>> -> memref<1x16x125xi32, #tpu.memory_space<hbm>>
    %dma_start3A_200 = tpu.memref_squeeze %dma_start3A_199 : memref<1x16x125xi32, #tpu.memory_space<hbm>> -> memref<16x125xi32, #tpu.memory_space<hbm>>
    tpu.enqueue_dma source(%dma_start3A_200 : memref<16x125xi32, #tpu.memory_space<hbm>>) target(%arg8 : memref<16x125xi32, #tpu.memory_space<vmem>>) target_semaphore(%arg17 : memref<!tpu.dma_semaphore, #tpu.memory_space<semaphore_mem>>)
    %dma_start3A_201 = arith.constant 48 : i32
    %dma_start3A_202 = arith.constant 0 : i32
    %dma_start3A_203 = tpu.memref_slice %arg4[%add3A, %dma_start3A_201, %dma_start3A_202] : memref<32x80x125xi32, #tpu.memory_space<hbm>> -> memref<1x16x125xi32, #tpu.memory_space<hbm>>
    %dma_start3A_204 = tpu.memref_squeeze %dma_start3A_203 : memref<1x16x125xi32, #tpu.memory_space<hbm>> -> memref<16x125xi32, #tpu.memory_space<hbm>>
    %dma_start3A_205 = arith.constant 48 : i32
    %dma_start3A_206 = arith.constant 0 : i32
    %dma_start3A_207 = tpu.memref_slice %arg4[%add3A, %dma_start3A_205, %dma_start3A_206] : memref<32x80x125xi32, #tpu.memory_space<hbm>> -> memref<1x16x125xi32, #tpu.memory_space<hbm>>
    %dma_start3A_208 = tpu.memref_squeeze %dma_start3A_207 : memref<1x16x125xi32, #tpu.memory_space<hbm>> -> memref<16x125xi32, #tpu.memory_space<hbm>>
    tpu.enqueue_dma source(%dma_start3A_208 : memref<16x125xi32, #tpu.memory_space<hbm>>) target(%arg9 : memref<16x125xi32, #tpu.memory_space<vmem>>) target_semaphore(%arg17 : memref<!tpu.dma_semaphore, #tpu.memory_space<semaphore_mem>>)
    %scan3A_209 = arith.constant 0 : i32
    %scan3A_210 = arith.constant 7 : i32
    %scan3A_211 = arith.addi %scan3A_209, %scan3A_210 : i32
    %scan3A_212 = arith.constant 1 : i32
    scf.for %scan3A_621 = %scan3A_209 to %scan3A_211 step %scan3A_212  : i32 {
      %mul3A_622 = arith.constant 1 : i32
      %mul3A_623 = arith.muli %scan3A_621, %mul3A_622 : i32
      %add3A_624 = arith.constant 0 : i32
      %add3A_625 = arith.addi %add3A_624, %mul3A_623 : i32
      %mul3A_626 = arith.constant 2 : i32
      %mul3A_627 = arith.muli %add3A_625, %mul3A_626 : i32
      %dma_wait3A_628 = arith.constant 0 : i32
      %dma_wait3A_629 = tpu.memref_slice %arg6[%mul3A_627, %dma_wait3A_628] : memref<16x125xi32, #tpu.memory_space<vmem>> -> memref<1x125xi32, #tpu.memory_space<vmem>>
      %dma_wait3A_630 = tpu.memref_squeeze %dma_wait3A_629 : memref<1x125xi32, #tpu.memory_space<vmem>> -> memref<125xi32, #tpu.memory_space<vmem>>
      %dma_wait3A_631 = arith.constant 0 : i32
      %dma_wait3A_632 = arith.constant 0 : i32
      %dma_wait3A_633 = tpu.memref_slice %arg2[%dma_wait3A_631, %dma_wait3A_632] : memref<10000x128xf32, #tpu.memory_space<hbm>> -> memref<10000x128xf32, #tpu.memory_space<hbm>>
      tpu.wait_indirect_dma semaphore(%arg14 : memref<!tpu.dma_semaphore, #tpu.memory_space<semaphore_mem>>) src(%dma_wait3A_633 : memref<10000x128xf32, #tpu.memory_space<hbm>>) dst(%arg10 : memref<125x128xf32, #tpu.memory_space<vmem>>)
      "tpu.region"() ({
        %run_scoped3A_660 = tpu.sem_alloc : memref<!tpu.dma_semaphore, #tpu.memory_space<semaphore_mem>>
        %dma_start3A_661 = arith.constant 0 : i32
        %dma_start3A_662 = tpu.memref_slice %arg7[%mul3A_627, %dma_start3A_661] : memref<16x125xi32, #tpu.memory_space<vmem>> -> memref<1x125xi32, #tpu.memory_space<vmem>>
        %dma_start3A_663 = tpu.memref_squeeze %dma_start3A_662 : memref<1x125xi32, #tpu.memory_space<vmem>> -> memref<125xi32, #tpu.memory_space<vmem>>
        %dma_start3A_664 = arith.constant 0 : i32
        %dma_start3A_665 = arith.constant 0 : i32
        %dma_start3A_666 = tpu.memref_slice %arg13[%dma_start3A_664, %dma_start3A_665] : memref<10240x128xf32, #tpu.memory_space<vmem_shared>> -> memref<10240x128xf32, #tpu.memory_space<vmem_shared>>
        tpu.enqueue_indirect_dma source(%arg10 : memref<125x128xf32, #tpu.memory_space<vmem>>) target(%dma_start3A_666 : memref<10240x128xf32, #tpu.memory_space<vmem_shared>>) offsets(%dma_start3A_663 : memref<125xi32, #tpu.memory_space<vmem>>) semaphore(%run_scoped3A_660 : memref<!tpu.dma_semaphore, #tpu.memory_space<semaphore_mem>>) {add = true}
        %dma_wait3A_667 = arith.constant 0 : i32
        %dma_wait3A_668 = tpu.memref_slice %arg7[%mul3A_627, %dma_wait3A_667] : memref<16x125xi32, #tpu.memory_space<vmem>> -> memref<1x125xi32, #tpu.memory_space<vmem>>
        %dma_wait3A_669 = tpu.memref_squeeze %dma_wait3A_668 : memref<1x125xi32, #tpu.memory_space<vmem>> -> memref<125xi32, #tpu.memory_space<vmem>>
        %dma_wait3A_670 = arith.constant 0 : i32
        %dma_wait3A_671 = arith.constant 0 : i32
        %dma_wait3A_672 = tpu.memref_slice %arg13[%dma_wait3A_670, %dma_wait3A_671] : memref<10240x128xf32, #tpu.memory_space<vmem_shared>> -> memref<10240x128xf32, #tpu.memory_space<vmem_shared>>
        tpu.wait_indirect_dma semaphore(%run_scoped3A_660 : memref<!tpu.dma_semaphore, #tpu.memory_space<semaphore_mem>>) src(%arg10 : memref<125x128xf32, #tpu.memory_space<vmem>>) dst(%dma_wait3A_672 : memref<10240x128xf32, #tpu.memory_space<vmem_shared>>)
        tpu.yield
      }) : () -> ()
      %add3A_634 = arith.constant 2 : i32
      %add3A_635 = arith.addi %mul3A_627, %add3A_634 : i32
      %dma_start3A_636 = arith.constant 0 : i32
      %dma_start3A_637 = tpu.memref_slice %arg6[%add3A_635, %dma_start3A_636] : memref<16x125xi32, #tpu.memory_space<vmem>> -> memref<1x125xi32, #tpu.memory_space<vmem>>
      %dma_start3A_638 = tpu.memref_squeeze %dma_start3A_637 : memref<1x125xi32, #tpu.memory_space<vmem>> -> memref<125xi32, #tpu.memory_space<vmem>>
      %dma_start3A_639 = arith.constant 0 : i32
      %dma_start3A_640 = arith.constant 0 : i32
      %dma_start3A_641 = tpu.memref_slice %arg2[%dma_start3A_639, %dma_start3A_640] : memref<10000x128xf32, #tpu.memory_space<hbm>> -> memref<10000x128xf32, #tpu.memory_space<hbm>>
      tpu.enqueue_indirect_dma source(%dma_start3A_641 : memref<10000x128xf32, #tpu.memory_space<hbm>>) target(%arg10 : memref<125x128xf32, #tpu.memory_space<vmem>>) offsets(%dma_start3A_638 : memref<125xi32, #tpu.memory_space<vmem>>) semaphore(%arg14 : memref<!tpu.dma_semaphore, #tpu.memory_space<semaphore_mem>>)
      %add3A_642 = arith.constant 1 : i32
      %add3A_643 = arith.addi %mul3A_627, %add3A_642 : i32
      %dma_wait3A_644 = arith.constant 0 : i32
      %dma_wait3A_645 = tpu.memref_slice %arg6[%add3A_643, %dma_wait3A_644] : memref<16x125xi32, #tpu.memory_space<vmem>> -> memref<1x125xi32, #tpu.memory_space<vmem>>
      %dma_wait3A_646 = tpu.memref_squeeze %dma_wait3A_645 : memref<1x125xi32, #tpu.memory_space<vmem>> -> memref<125xi32, #tpu.memory_space<vmem>>
      %dma_wait3A_647 = arith.constant 0 : i32
      %dma_wait3A_648 = arith.constant 0 : i32
      %dma_wait3A_649 = tpu.memref_slice %arg2[%dma_wait3A_647, %dma_wait3A_648] : memref<10000x128xf32, #tpu.memory_space<hbm>> -> memref<10000x128xf32, #tpu.memory_space<hbm>>
      tpu.wait_indirect_dma semaphore(%arg15 : memref<!tpu.dma_semaphore, #tpu.memory_space<semaphore_mem>>) src(%dma_wait3A_649 : memref<10000x128xf32, #tpu.memory_space<hbm>>) dst(%arg11 : memref<125x128xf32, #tpu.memory_space<vmem>>)
      %add3A_650 = arith.constant 1 : i32
      %add3A_651 = arith.addi %mul3A_627, %add3A_650 : i32
      "tpu.region"() ({
        %run_scoped3A_660 = tpu.sem_alloc : memref<!tpu.dma_semaphore, #tpu.memory_space<semaphore_mem>>
        %dma_start3A_661 = arith.constant 0 : i32
        %dma_start3A_662 = tpu.memref_slice %arg7[%add3A_651, %dma_start3A_661] : memref<16x125xi32, #tpu.memory_space<vmem>> -> memref<1x125xi32, #tpu.memory_space<vmem>>
        %dma_start3A_663 = tpu.memref_squeeze %dma_start3A_662 : memref<1x125xi32, #tpu.memory_space<vmem>> -> memref<125xi32, #tpu.memory_space<vmem>>
        %dma_start3A_664 = arith.constant 0 : i32
        %dma_start3A_665 = arith.constant 0 : i32
        %dma_start3A_666 = tpu.memref_slice %arg13[%dma_start3A_664, %dma_start3A_665] : memref<10240x128xf32, #tpu.memory_space<vmem_shared>> -> memref<10240x128xf32, #tpu.memory_space<vmem_shared>>
        tpu.enqueue_indirect_dma source(%arg11 : memref<125x128xf32, #tpu.memory_space<vmem>>) target(%dma_start3A_666 : memref<10240x128xf32, #tpu.memory_space<vmem_shared>>) offsets(%dma_start3A_663 : memref<125xi32, #tpu.memory_space<vmem>>) semaphore(%run_scoped3A_660 : memref<!tpu.dma_semaphore, #tpu.memory_space<semaphore_mem>>) {add = true}
        %dma_wait3A_667 = arith.constant 0 : i32
        %dma_wait3A_668 = tpu.memref_slice %arg7[%add3A_651, %dma_wait3A_667] : memref<16x125xi32, #tpu.memory_space<vmem>> -> memref<1x125xi32, #tpu.memory_space<vmem>>
        %dma_wait3A_669 = tpu.memref_squeeze %dma_wait3A_668 : memref<1x125xi32, #tpu.memory_space<vmem>> -> memref<125xi32, #tpu.memory_space<vmem>>
        %dma_wait3A_670 = arith.constant 0 : i32
        %dma_wait3A_671 = arith.constant 0 : i32
        %dma_wait3A_672 = tpu.memref_slice %arg13[%dma_wait3A_670, %dma_wait3A_671] : memref<10240x128xf32, #tpu.memory_space<vmem_shared>> -> memref<10240x128xf32, #tpu.memory_space<vmem_shared>>
        tpu.wait_indirect_dma semaphore(%run_scoped3A_660 : memref<!tpu.dma_semaphore, #tpu.memory_space<semaphore_mem>>) src(%arg11 : memref<125x128xf32, #tpu.memory_space<vmem>>) dst(%dma_wait3A_672 : memref<10240x128xf32, #tpu.memory_space<vmem_shared>>)
        tpu.yield
      }) : () -> ()
      %add3A_652 = arith.constant 3 : i32
      %add3A_653 = arith.addi %mul3A_627, %add3A_652 : i32
      %dma_start3A_654 = arith.constant 0 : i32
      %dma_start3A_655 = tpu.memref_slice %arg6[%add3A_653, %dma_start3A_654] : memref<16x125xi32, #tpu.memory_space<vmem>> -> memref<1x125xi32, #tpu.memory_space<vmem>>
      %dma_start3A_656 = tpu.memref_squeeze %dma_start3A_655 : memref<1x125xi32, #tpu.memory_space<vmem>> -> memref<125xi32, #tpu.memory_space<vmem>>
      %dma_start3A_657 = arith.constant 0 : i32
      %dma_start3A_658 = arith.constant 0 : i32
      %dma_start3A_659 = tpu.memref_slice %arg2[%dma_start3A_657, %dma_start3A_658] : memref<10000x128xf32, #tpu.memory_space<hbm>> -> memref<10000x128xf32, #tpu.memory_space<hbm>>
      tpu.enqueue_indirect_dma source(%dma_start3A_659 : memref<10000x128xf32, #tpu.memory_space<hbm>>) target(%arg11 : memref<125x128xf32, #tpu.memory_space<vmem>>) offsets(%dma_start3A_656 : memref<125xi32, #tpu.memory_space<vmem>>) semaphore(%arg15 : memref<!tpu.dma_semaphore, #tpu.memory_space<semaphore_mem>>)
    }
    %scan3A_213 = arith.constant 7 : i32
    %dma_wait3A_214 = arith.constant 48 : i32
    %dma_wait3A_215 = arith.constant 0 : i32
    %dma_wait3A_216 = tpu.memref_slice %arg3[%add3A, %dma_wait3A_214, %dma_wait3A_215] : memref<32x80x125xi32, #tpu.memory_space<hbm>> -> memref<1x16x125xi32, #tpu.memory_space<hbm>>
    %dma_wait3A_217 = tpu.memref_squeeze %dma_wait3A_216 : memref<1x16x125xi32, #tpu.memory_space<hbm>> -> memref<16x125xi32, #tpu.memory_space<hbm>>
    %dma_wait3A_218 = arith.constant 48 : i32
    %dma_wait3A_219 = arith.constant 0 : i32
    %dma_wait3A_220 = tpu.memref_slice %arg3[%add3A, %dma_wait3A_218, %dma_wait3A_219] : memref<32x80x125xi32, #tpu.memory_space<hbm>> -> memref<1x16x125xi32, #tpu.memory_space<hbm>>
    %dma_wait3A_221 = tpu.memref_squeeze %dma_wait3A_220 : memref<1x16x125xi32, #tpu.memory_space<hbm>> -> memref<16x125xi32, #tpu.memory_space<hbm>>
    tpu.wait_dma2 semaphore(%arg17 : memref<!tpu.dma_semaphore, #tpu.memory_space<semaphore_mem>>) src(%dma_wait3A_221 : memref<16x125xi32, #tpu.memory_space<hbm>>) dst(%arg8 : memref<16x125xi32, #tpu.memory_space<vmem>>)
    %dma_wait3A_222 = arith.constant 48 : i32
    %dma_wait3A_223 = arith.constant 0 : i32
    %dma_wait3A_224 = tpu.memref_slice %arg4[%add3A, %dma_wait3A_222, %dma_wait3A_223] : memref<32x80x125xi32, #tpu.memory_space<hbm>> -> memref<1x16x125xi32, #tpu.memory_space<hbm>>
    %dma_wait3A_225 = tpu.memref_squeeze %dma_wait3A_224 : memref<1x16x125xi32, #tpu.memory_space<hbm>> -> memref<16x125xi32, #tpu.memory_space<hbm>>
    %dma_wait3A_226 = arith.constant 48 : i32
    %dma_wait3A_227 = arith.constant 0 : i32
    %dma_wait3A_228 = tpu.memref_slice %arg4[%add3A, %dma_wait3A_226, %dma_wait3A_227] : memref<32x80x125xi32, #tpu.memory_space<hbm>> -> memref<1x16x125xi32, #tpu.memory_space<hbm>>
    %dma_wait3A_229 = tpu.memref_squeeze %dma_wait3A_228 : memref<1x16x125xi32, #tpu.memory_space<hbm>> -> memref<16x125xi32, #tpu.memory_space<hbm>>
    tpu.wait_dma2 semaphore(%arg17 : memref<!tpu.dma_semaphore, #tpu.memory_space<semaphore_mem>>) src(%dma_wait3A_229 : memref<16x125xi32, #tpu.memory_space<hbm>>) dst(%arg9 : memref<16x125xi32, #tpu.memory_space<vmem>>)
    %dma_wait3A_230 = arith.constant 14 : i32
    %dma_wait3A_231 = arith.constant 0 : i32
    %dma_wait3A_232 = tpu.memref_slice %arg6[%dma_wait3A_230, %dma_wait3A_231] : memref<16x125xi32, #tpu.memory_space<vmem>> -> memref<1x125xi32, #tpu.memory_space<vmem>>
    %dma_wait3A_233 = tpu.memref_squeeze %dma_wait3A_232 : memref<1x125xi32, #tpu.memory_space<vmem>> -> memref<125xi32, #tpu.memory_space<vmem>>
    %dma_wait3A_234 = arith.constant 0 : i32
    %dma_wait3A_235 = arith.constant 0 : i32
    %dma_wait3A_236 = tpu.memref_slice %arg2[%dma_wait3A_234, %dma_wait3A_235] : memref<10000x128xf32, #tpu.memory_space<hbm>> -> memref<10000x128xf32, #tpu.memory_space<hbm>>
    tpu.wait_indirect_dma semaphore(%arg14 : memref<!tpu.dma_semaphore, #tpu.memory_space<semaphore_mem>>) src(%dma_wait3A_236 : memref<10000x128xf32, #tpu.memory_space<hbm>>) dst(%arg10 : memref<125x128xf32, #tpu.memory_space<vmem>>)
    %run_scoped3A_237 = arith.constant 14 : i32
    "tpu.region"() ({
      %run_scoped3A_621 = tpu.sem_alloc : memref<!tpu.dma_semaphore, #tpu.memory_space<semaphore_mem>>
      %dma_start3A_622 = arith.constant 0 : i32
      %dma_start3A_623 = tpu.memref_slice %arg7[%run_scoped3A_237, %dma_start3A_622] : memref<16x125xi32, #tpu.memory_space<vmem>> -> memref<1x125xi32, #tpu.memory_space<vmem>>
      %dma_start3A_624 = tpu.memref_squeeze %dma_start3A_623 : memref<1x125xi32, #tpu.memory_space<vmem>> -> memref<125xi32, #tpu.memory_space<vmem>>
      %dma_start3A_625 = arith.constant 0 : i32
      %dma_start3A_626 = arith.constant 0 : i32
      %dma_start3A_627 = tpu.memref_slice %arg13[%dma_start3A_625, %dma_start3A_626] : memref<10240x128xf32, #tpu.memory_space<vmem_shared>> -> memref<10240x128xf32, #tpu.memory_space<vmem_shared>>
      tpu.enqueue_indirect_dma source(%arg10 : memref<125x128xf32, #tpu.memory_space<vmem>>) target(%dma_start3A_627 : memref<10240x128xf32, #tpu.memory_space<vmem_shared>>) offsets(%dma_start3A_624 : memref<125xi32, #tpu.memory_space<vmem>>) semaphore(%run_scoped3A_621 : memref<!tpu.dma_semaphore, #tpu.memory_space<semaphore_mem>>) {add = true}
      %dma_wait3A_628 = arith.constant 0 : i32
      %dma_wait3A_629 = tpu.memref_slice %arg7[%run_scoped3A_237, %dma_wait3A_628] : memref<16x125xi32, #tpu.memory_space<vmem>> -> memref<1x125xi32, #tpu.memory_space<vmem>>
      %dma_wait3A_630 = tpu.memref_squeeze %dma_wait3A_629 : memref<1x125xi32, #tpu.memory_space<vmem>> -> memref<125xi32, #tpu.memory_space<vmem>>
      %dma_wait3A_631 = arith.constant 0 : i32
      %dma_wait3A_632 = arith.constant 0 : i32
      %dma_wait3A_633 = tpu.memref_slice %arg13[%dma_wait3A_631, %dma_wait3A_632] : memref<10240x128xf32, #tpu.memory_space<vmem_shared>> -> memref<10240x128xf32, #tpu.memory_space<vmem_shared>>
      tpu.wait_indirect_dma semaphore(%run_scoped3A_621 : memref<!tpu.dma_semaphore, #tpu.memory_space<semaphore_mem>>) src(%arg10 : memref<125x128xf32, #tpu.memory_space<vmem>>) dst(%dma_wait3A_633 : memref<10240x128xf32, #tpu.memory_space<vmem_shared>>)
      tpu.yield
    }) : () -> ()
    %dma_start3A_238 = arith.constant 0 : i32
    %dma_start3A_239 = arith.constant 0 : i32
    %dma_start3A_240 = tpu.memref_slice %arg8[%dma_start3A_238, %dma_start3A_239] : memref<16x125xi32, #tpu.memory_space<vmem>> -> memref<1x125xi32, #tpu.memory_space<vmem>>
    %dma_start3A_241 = tpu.memref_squeeze %dma_start3A_240 : memref<1x125xi32, #tpu.memory_space<vmem>> -> memref<125xi32, #tpu.memory_space<vmem>>
    %dma_start3A_242 = arith.constant 0 : i32
    %dma_start3A_243 = arith.constant 0 : i32
    %dma_start3A_244 = tpu.memref_slice %arg2[%dma_start3A_242, %dma_start3A_243] : memref<10000x128xf32, #tpu.memory_space<hbm>> -> memref<10000x128xf32, #tpu.memory_space<hbm>>
    tpu.enqueue_indirect_dma source(%dma_start3A_244 : memref<10000x128xf32, #tpu.memory_space<hbm>>) target(%arg10 : memref<125x128xf32, #tpu.memory_space<vmem>>) offsets(%dma_start3A_241 : memref<125xi32, #tpu.memory_space<vmem>>) semaphore(%arg14 : memref<!tpu.dma_semaphore, #tpu.memory_space<semaphore_mem>>)
    %dma_wait3A_245 = arith.constant 15 : i32
    %dma_wait3A_246 = arith.constant 0 : i32
    %dma_wait3A_247 = tpu.memref_slice %arg6[%dma_wait3A_245, %dma_wait3A_246] : memref<16x125xi32, #tpu.memory_space<vmem>> -> memref<1x125xi32, #tpu.memory_space<vmem>>
    %dma_wait3A_248 = tpu.memref_squeeze %dma_wait3A_247 : memref<1x125xi32, #tpu.memory_space<vmem>> -> memref<125xi32, #tpu.memory_space<vmem>>
    %dma_wait3A_249 = arith.constant 0 : i32
    %dma_wait3A_250 = arith.constant 0 : i32
    %dma_wait3A_251 = tpu.memref_slice %arg2[%dma_wait3A_249, %dma_wait3A_250] : memref<10000x128xf32, #tpu.memory_space<hbm>> -> memref<10000x128xf32, #tpu.memory_space<hbm>>
    tpu.wait_indirect_dma semaphore(%arg15 : memref<!tpu.dma_semaphore, #tpu.memory_space<semaphore_mem>>) src(%dma_wait3A_251 : memref<10000x128xf32, #tpu.memory_space<hbm>>) dst(%arg11 : memref<125x128xf32, #tpu.memory_space<vmem>>)
    %run_scoped3A_252 = arith.constant 15 : i32
    "tpu.region"() ({
      %run_scoped3A_621 = tpu.sem_alloc : memref<!tpu.dma_semaphore, #tpu.memory_space<semaphore_mem>>
      %dma_start3A_622 = arith.constant 0 : i32
      %dma_start3A_623 = tpu.memref_slice %arg7[%run_scoped3A_252, %dma_start3A_622] : memref<16x125xi32, #tpu.memory_space<vmem>> -> memref<1x125xi32, #tpu.memory_space<vmem>>
      %dma_start3A_624 = tpu.memref_squeeze %dma_start3A_623 : memref<1x125xi32, #tpu.memory_space<vmem>> -> memref<125xi32, #tpu.memory_space<vmem>>
      %dma_start3A_625 = arith.constant 0 : i32
      %dma_start3A_626 = arith.constant 0 : i32
      %dma_start3A_627 = tpu.memref_slice %arg13[%dma_start3A_625, %dma_start3A_626] : memref<10240x128xf32, #tpu.memory_space<vmem_shared>> -> memref<10240x128xf32, #tpu.memory_space<vmem_shared>>
      tpu.enqueue_indirect_dma source(%arg11 : memref<125x128xf32, #tpu.memory_space<vmem>>) target(%dma_start3A_627 : memref<10240x128xf32, #tpu.memory_space<vmem_shared>>) offsets(%dma_start3A_624 : memref<125xi32, #tpu.memory_space<vmem>>) semaphore(%run_scoped3A_621 : memref<!tpu.dma_semaphore, #tpu.memory_space<semaphore_mem>>) {add = true}
      %dma_wait3A_628 = arith.constant 0 : i32
      %dma_wait3A_629 = tpu.memref_slice %arg7[%run_scoped3A_252, %dma_wait3A_628] : memref<16x125xi32, #tpu.memory_space<vmem>> -> memref<1x125xi32, #tpu.memory_space<vmem>>
      %dma_wait3A_630 = tpu.memref_squeeze %dma_wait3A_629 : memref<1x125xi32, #tpu.memory_space<vmem>> -> memref<125xi32, #tpu.memory_space<vmem>>
      %dma_wait3A_631 = arith.constant 0 : i32
      %dma_wait3A_632 = arith.constant 0 : i32
      %dma_wait3A_633 = tpu.memref_slice %arg13[%dma_wait3A_631, %dma_wait3A_632] : memref<10240x128xf32, #tpu.memory_space<vmem_shared>> -> memref<10240x128xf32, #tpu.memory_space<vmem_shared>>
      tpu.wait_indirect_dma semaphore(%run_scoped3A_621 : memref<!tpu.dma_semaphore, #tpu.memory_space<semaphore_mem>>) src(%arg11 : memref<125x128xf32, #tpu.memory_space<vmem>>) dst(%dma_wait3A_633 : memref<10240x128xf32, #tpu.memory_space<vmem_shared>>)
      tpu.yield
    }) : () -> ()
    %dma_start3A_253 = arith.constant 1 : i32
    %dma_start3A_254 = arith.constant 0 : i32
    %dma_start3A_255 = tpu.memref_slice %arg8[%dma_start3A_253, %dma_start3A_254] : memref<16x125xi32, #tpu.memory_space<vmem>> -> memref<1x125xi32, #tpu.memory_space<vmem>>
    %dma_start3A_256 = tpu.memref_squeeze %dma_start3A_255 : memref<1x125xi32, #tpu.memory_space<vmem>> -> memref<125xi32, #tpu.memory_space<vmem>>
    %dma_start3A_257 = arith.constant 0 : i32
    %dma_start3A_258 = arith.constant 0 : i32
    %dma_start3A_259 = tpu.memref_slice %arg2[%dma_start3A_257, %dma_start3A_258] : memref<10000x128xf32, #tpu.memory_space<hbm>> -> memref<10000x128xf32, #tpu.memory_space<hbm>>
    tpu.enqueue_indirect_dma source(%dma_start3A_259 : memref<10000x128xf32, #tpu.memory_space<hbm>>) target(%arg11 : memref<125x128xf32, #tpu.memory_space<vmem>>) offsets(%dma_start3A_256 : memref<125xi32, #tpu.memory_space<vmem>>) semaphore(%arg15 : memref<!tpu.dma_semaphore, #tpu.memory_space<semaphore_mem>>)
    %dma_start3A_260 = arith.constant 64 : i32
    %dma_start3A_261 = arith.constant 0 : i32
    %dma_start3A_262 = tpu.memref_slice %arg3[%add3A, %dma_start3A_260, %dma_start3A_261] : memref<32x80x125xi32, #tpu.memory_space<hbm>> -> memref<1x16x125xi32, #tpu.memory_space<hbm>>
    %dma_start3A_263 = tpu.memref_squeeze %dma_start3A_262 : memref<1x16x125xi32, #tpu.memory_space<hbm>> -> memref<16x125xi32, #tpu.memory_space<hbm>>
    %dma_start3A_264 = arith.constant 64 : i32
    %dma_start3A_265 = arith.constant 0 : i32
    %dma_start3A_266 = tpu.memref_slice %arg3[%add3A, %dma_start3A_264, %dma_start3A_265] : memref<32x80x125xi32, #tpu.memory_space<hbm>> -> memref<1x16x125xi32, #tpu.memory_space<hbm>>
    %dma_start3A_267 = tpu.memref_squeeze %dma_start3A_266 : memref<1x16x125xi32, #tpu.memory_space<hbm>> -> memref<16x125xi32, #tpu.memory_space<hbm>>
    tpu.enqueue_dma source(%dma_start3A_267 : memref<16x125xi32, #tpu.memory_space<hbm>>) target(%arg6 : memref<16x125xi32, #tpu.memory_space<vmem>>) target_semaphore(%arg16 : memref<!tpu.dma_semaphore, #tpu.memory_space<semaphore_mem>>)
    %dma_start3A_268 = arith.constant 64 : i32
    %dma_start3A_269 = arith.constant 0 : i32
    %dma_start3A_270 = tpu.memref_slice %arg4[%add3A, %dma_start3A_268, %dma_start3A_269] : memref<32x80x125xi32, #tpu.memory_space<hbm>> -> memref<1x16x125xi32, #tpu.memory_space<hbm>>
    %dma_start3A_271 = tpu.memref_squeeze %dma_start3A_270 : memref<1x16x125xi32, #tpu.memory_space<hbm>> -> memref<16x125xi32, #tpu.memory_space<hbm>>
    %dma_start3A_272 = arith.constant 64 : i32
    %dma_start3A_273 = arith.constant 0 : i32
    %dma_start3A_274 = tpu.memref_slice %arg4[%add3A, %dma_start3A_272, %dma_start3A_273] : memref<32x80x125xi32, #tpu.memory_space<hbm>> -> memref<1x16x125xi32, #tpu.memory_space<hbm>>
    %dma_start3A_275 = tpu.memref_squeeze %dma_start3A_274 : memref<1x16x125xi32, #tpu.memory_space<hbm>> -> memref<16x125xi32, #tpu.memory_space<hbm>>
    tpu.enqueue_dma source(%dma_start3A_275 : memref<16x125xi32, #tpu.memory_space<hbm>>) target(%arg7 : memref<16x125xi32, #tpu.memory_space<vmem>>) target_semaphore(%arg16 : memref<!tpu.dma_semaphore, #tpu.memory_space<semaphore_mem>>)
    %scan3A_276 = arith.constant 0 : i32
    %scan3A_277 = arith.constant 7 : i32
    %scan3A_278 = arith.addi %scan3A_276, %scan3A_277 : i32
    %scan3A_279 = arith.constant 1 : i32
    scf.for %scan3A_621 = %scan3A_276 to %scan3A_278 step %scan3A_279  : i32 {
      %mul3A_622 = arith.constant 1 : i32
      %mul3A_623 = arith.muli %scan3A_621, %mul3A_622 : i32
      %add3A_624 = arith.constant 0 : i32
      %add3A_625 = arith.addi %add3A_624, %mul3A_623 : i32
      %mul3A_626 = arith.constant 2 : i32
      %mul3A_627 = arith.muli %add3A_625, %mul3A_626 : i32
      %dma_wait3A_628 = arith.constant 0 : i32
      %dma_wait3A_629 = tpu.memref_slice %arg8[%mul3A_627, %dma_wait3A_628] : memref<16x125xi32, #tpu.memory_space<vmem>> -> memref<1x125xi32, #tpu.memory_space<vmem>>
      %dma_wait3A_630 = tpu.memref_squeeze %dma_wait3A_629 : memref<1x125xi32, #tpu.memory_space<vmem>> -> memref<125xi32, #tpu.memory_space<vmem>>
      %dma_wait3A_631 = arith.constant 0 : i32
      %dma_wait3A_632 = arith.constant 0 : i32
      %dma_wait3A_633 = tpu.memref_slice %arg2[%dma_wait3A_631, %dma_wait3A_632] : memref<10000x128xf32, #tpu.memory_space<hbm>> -> memref<10000x128xf32, #tpu.memory_space<hbm>>
      tpu.wait_indirect_dma semaphore(%arg14 : memref<!tpu.dma_semaphore, #tpu.memory_space<semaphore_mem>>) src(%dma_wait3A_633 : memref<10000x128xf32, #tpu.memory_space<hbm>>) dst(%arg10 : memref<125x128xf32, #tpu.memory_space<vmem>>)
      "tpu.region"() ({
        %run_scoped3A_660 = tpu.sem_alloc : memref<!tpu.dma_semaphore, #tpu.memory_space<semaphore_mem>>
        %dma_start3A_661 = arith.constant 0 : i32
        %dma_start3A_662 = tpu.memref_slice %arg9[%mul3A_627, %dma_start3A_661] : memref<16x125xi32, #tpu.memory_space<vmem>> -> memref<1x125xi32, #tpu.memory_space<vmem>>
        %dma_start3A_663 = tpu.memref_squeeze %dma_start3A_662 : memref<1x125xi32, #tpu.memory_space<vmem>> -> memref<125xi32, #tpu.memory_space<vmem>>
        %dma_start3A_664 = arith.constant 0 : i32
        %dma_start3A_665 = arith.constant 0 : i32
        %dma_start3A_666 = tpu.memref_slice %arg13[%dma_start3A_664, %dma_start3A_665] : memref<10240x128xf32, #tpu.memory_space<vmem_shared>> -> memref<10240x128xf32, #tpu.memory_space<vmem_shared>>
        tpu.enqueue_indirect_dma source(%arg10 : memref<125x128xf32, #tpu.memory_space<vmem>>) target(%dma_start3A_666 : memref<10240x128xf32, #tpu.memory_space<vmem_shared>>) offsets(%dma_start3A_663 : memref<125xi32, #tpu.memory_space<vmem>>) semaphore(%run_scoped3A_660 : memref<!tpu.dma_semaphore, #tpu.memory_space<semaphore_mem>>) {add = true}
        %dma_wait3A_667 = arith.constant 0 : i32
        %dma_wait3A_668 = tpu.memref_slice %arg9[%mul3A_627, %dma_wait3A_667] : memref<16x125xi32, #tpu.memory_space<vmem>> -> memref<1x125xi32, #tpu.memory_space<vmem>>
        %dma_wait3A_669 = tpu.memref_squeeze %dma_wait3A_668 : memref<1x125xi32, #tpu.memory_space<vmem>> -> memref<125xi32, #tpu.memory_space<vmem>>
        %dma_wait3A_670 = arith.constant 0 : i32
        %dma_wait3A_671 = arith.constant 0 : i32
        %dma_wait3A_672 = tpu.memref_slice %arg13[%dma_wait3A_670, %dma_wait3A_671] : memref<10240x128xf32, #tpu.memory_space<vmem_shared>> -> memref<10240x128xf32, #tpu.memory_space<vmem_shared>>
        tpu.wait_indirect_dma semaphore(%run_scoped3A_660 : memref<!tpu.dma_semaphore, #tpu.memory_space<semaphore_mem>>) src(%arg10 : memref<125x128xf32, #tpu.memory_space<vmem>>) dst(%dma_wait3A_672 : memref<10240x128xf32, #tpu.memory_space<vmem_shared>>)
        tpu.yield
      }) : () -> ()
      %add3A_634 = arith.constant 2 : i32
      %add3A_635 = arith.addi %mul3A_627, %add3A_634 : i32
      %dma_start3A_636 = arith.constant 0 : i32
      %dma_start3A_637 = tpu.memref_slice %arg8[%add3A_635, %dma_start3A_636] : memref<16x125xi32, #tpu.memory_space<vmem>> -> memref<1x125xi32, #tpu.memory_space<vmem>>
      %dma_start3A_638 = tpu.memref_squeeze %dma_start3A_637 : memref<1x125xi32, #tpu.memory_space<vmem>> -> memref<125xi32, #tpu.memory_space<vmem>>
      %dma_start3A_639 = arith.constant 0 : i32
      %dma_start3A_640 = arith.constant 0 : i32
      %dma_start3A_641 = tpu.memref_slice %arg2[%dma_start3A_639, %dma_start3A_640] : memref<10000x128xf32, #tpu.memory_space<hbm>> -> memref<10000x128xf32, #tpu.memory_space<hbm>>
      tpu.enqueue_indirect_dma source(%dma_start3A_641 : memref<10000x128xf32, #tpu.memory_space<hbm>>) target(%arg10 : memref<125x128xf32, #tpu.memory_space<vmem>>) offsets(%dma_start3A_638 : memref<125xi32, #tpu.memory_space<vmem>>) semaphore(%arg14 : memref<!tpu.dma_semaphore, #tpu.memory_space<semaphore_mem>>)
      %add3A_642 = arith.constant 1 : i32
      %add3A_643 = arith.addi %mul3A_627, %add3A_642 : i32
      %dma_wait3A_644 = arith.constant 0 : i32
      %dma_wait3A_645 = tpu.memref_slice %arg8[%add3A_643, %dma_wait3A_644] : memref<16x125xi32, #tpu.memory_space<vmem>> -> memref<1x125xi32, #tpu.memory_space<vmem>>
      %dma_wait3A_646 = tpu.memref_squeeze %dma_wait3A_645 : memref<1x125xi32, #tpu.memory_space<vmem>> -> memref<125xi32, #tpu.memory_space<vmem>>
      %dma_wait3A_647 = arith.constant 0 : i32
      %dma_wait3A_648 = arith.constant 0 : i32
      %dma_wait3A_649 = tpu.memref_slice %arg2[%dma_wait3A_647, %dma_wait3A_648] : memref<10000x128xf32, #tpu.memory_space<hbm>> -> memref<10000x128xf32, #tpu.memory_space<hbm>>
      tpu.wait_indirect_dma semaphore(%arg15 : memref<!tpu.dma_semaphore, #tpu.memory_space<semaphore_mem>>) src(%dma_wait3A_649 : memref<10000x128xf32, #tpu.memory_space<hbm>>) dst(%arg11 : memref<125x128xf32, #tpu.memory_space<vmem>>)
      %add3A_650 = arith.constant 1 : i32
      %add3A_651 = arith.addi %mul3A_627, %add3A_650 : i32
      "tpu.region"() ({
        %run_scoped3A_660 = tpu.sem_alloc : memref<!tpu.dma_semaphore, #tpu.memory_space<semaphore_mem>>
        %dma_start3A_661 = arith.constant 0 : i32
        %dma_start3A_662 = tpu.memref_slice %arg9[%add3A_651, %dma_start3A_661] : memref<16x125xi32, #tpu.memory_space<vmem>> -> memref<1x125xi32, #tpu.memory_space<vmem>>
        %dma_start3A_663 = tpu.memref_squeeze %dma_start3A_662 : memref<1x125xi32, #tpu.memory_space<vmem>> -> memref<125xi32, #tpu.memory_space<vmem>>
        %dma_start3A_664 = arith.constant 0 : i32
        %dma_start3A_665 = arith.constant 0 : i32
        %dma_start3A_666 = tpu.memref_slice %arg13[%dma_start3A_664, %dma_start3A_665] : memref<10240x128xf32, #tpu.memory_space<vmem_shared>> -> memref<10240x128xf32, #tpu.memory_space<vmem_shared>>
        tpu.enqueue_indirect_dma source(%arg11 : memref<125x128xf32, #tpu.memory_space<vmem>>) target(%dma_start3A_666 : memref<10240x128xf32, #tpu.memory_space<vmem_shared>>) offsets(%dma_start3A_663 : memref<125xi32, #tpu.memory_space<vmem>>) semaphore(%run_scoped3A_660 : memref<!tpu.dma_semaphore, #tpu.memory_space<semaphore_mem>>) {add = true}
        %dma_wait3A_667 = arith.constant 0 : i32
        %dma_wait3A_668 = tpu.memref_slice %arg9[%add3A_651, %dma_wait3A_667] : memref<16x125xi32, #tpu.memory_space<vmem>> -> memref<1x125xi32, #tpu.memory_space<vmem>>
        %dma_wait3A_669 = tpu.memref_squeeze %dma_wait3A_668 : memref<1x125xi32, #tpu.memory_space<vmem>> -> memref<125xi32, #tpu.memory_space<vmem>>
        %dma_wait3A_670 = arith.constant 0 : i32
        %dma_wait3A_671 = arith.constant 0 : i32
        %dma_wait3A_672 = tpu.memref_slice %arg13[%dma_wait3A_670, %dma_wait3A_671] : memref<10240x128xf32, #tpu.memory_space<vmem_shared>> -> memref<10240x128xf32, #tpu.memory_space<vmem_shared>>
        tpu.wait_indirect_dma semaphore(%run_scoped3A_660 : memref<!tpu.dma_semaphore, #tpu.memory_space<semaphore_mem>>) src(%arg11 : memref<125x128xf32, #tpu.memory_space<vmem>>) dst(%dma_wait3A_672 : memref<10240x128xf32, #tpu.memory_space<vmem_shared>>)
        tpu.yield
      }) : () -> ()
      %add3A_652 = arith.constant 3 : i32
      %add3A_653 = arith.addi %mul3A_627, %add3A_652 : i32
      %dma_start3A_654 = arith.constant 0 : i32
      %dma_start3A_655 = tpu.memref_slice %arg8[%add3A_653, %dma_start3A_654] : memref<16x125xi32, #tpu.memory_space<vmem>> -> memref<1x125xi32, #tpu.memory_space<vmem>>
      %dma_start3A_656 = tpu.memref_squeeze %dma_start3A_655 : memref<1x125xi32, #tpu.memory_space<vmem>> -> memref<125xi32, #tpu.memory_space<vmem>>
      %dma_start3A_657 = arith.constant 0 : i32
      %dma_start3A_658 = arith.constant 0 : i32
      %dma_start3A_659 = tpu.memref_slice %arg2[%dma_start3A_657, %dma_start3A_658] : memref<10000x128xf32, #tpu.memory_space<hbm>> -> memref<10000x128xf32, #tpu.memory_space<hbm>>
      tpu.enqueue_indirect_dma source(%dma_start3A_659 : memref<10000x128xf32, #tpu.memory_space<hbm>>) target(%arg11 : memref<125x128xf32, #tpu.memory_space<vmem>>) offsets(%dma_start3A_656 : memref<125xi32, #tpu.memory_space<vmem>>) semaphore(%arg15 : memref<!tpu.dma_semaphore, #tpu.memory_space<semaphore_mem>>)
    }
    %scan3A_280 = arith.constant 7 : i32
    %dma_wait3A_281 = arith.constant 64 : i32
    %dma_wait3A_282 = arith.constant 0 : i32
    %dma_wait3A_283 = tpu.memref_slice %arg3[%add3A, %dma_wait3A_281, %dma_wait3A_282] : memref<32x80x125xi32, #tpu.memory_space<hbm>> -> memref<1x16x125xi32, #tpu.memory_space<hbm>>
    %dma_wait3A_284 = tpu.memref_squeeze %dma_wait3A_283 : memref<1x16x125xi32, #tpu.memory_space<hbm>> -> memref<16x125xi32, #tpu.memory_space<hbm>>
    %dma_wait3A_285 = arith.constant 64 : i32
    %dma_wait3A_286 = arith.constant 0 : i32
    %dma_wait3A_287 = tpu.memref_slice %arg3[%add3A, %dma_wait3A_285, %dma_wait3A_286] : memref<32x80x125xi32, #tpu.memory_space<hbm>> -> memref<1x16x125xi32, #tpu.memory_space<hbm>>
    %dma_wait3A_288 = tpu.memref_squeeze %dma_wait3A_287 : memref<1x16x125xi32, #tpu.memory_space<hbm>> -> memref<16x125xi32, #tpu.memory_space<hbm>>
    tpu.wait_dma2 semaphore(%arg16 : memref<!tpu.dma_semaphore, #tpu.memory_space<semaphore_mem>>) src(%dma_wait3A_288 : memref<16x125xi32, #tpu.memory_space<hbm>>) dst(%arg6 : memref<16x125xi32, #tpu.memory_space<vmem>>)
    %dma_wait3A_289 = arith.constant 64 : i32
    %dma_wait3A_290 = arith.constant 0 : i32
    %dma_wait3A_291 = tpu.memref_slice %arg4[%add3A, %dma_wait3A_289, %dma_wait3A_290] : memref<32x80x125xi32, #tpu.memory_space<hbm>> -> memref<1x16x125xi32, #tpu.memory_space<hbm>>
    %dma_wait3A_292 = tpu.memref_squeeze %dma_wait3A_291 : memref<1x16x125xi32, #tpu.memory_space<hbm>> -> memref<16x125xi32, #tpu.memory_space<hbm>>
    %dma_wait3A_293 = arith.constant 64 : i32
    %dma_wait3A_294 = arith.constant 0 : i32
    %dma_wait3A_295 = tpu.memref_slice %arg4[%add3A, %dma_wait3A_293, %dma_wait3A_294] : memref<32x80x125xi32, #tpu.memory_space<hbm>> -> memref<1x16x125xi32, #tpu.memory_space<hbm>>
    %dma_wait3A_296 = tpu.memref_squeeze %dma_wait3A_295 : memref<1x16x125xi32, #tpu.memory_space<hbm>> -> memref<16x125xi32, #tpu.memory_space<hbm>>
    tpu.wait_dma2 semaphore(%arg16 : memref<!tpu.dma_semaphore, #tpu.memory_space<semaphore_mem>>) src(%dma_wait3A_296 : memref<16x125xi32, #tpu.memory_space<hbm>>) dst(%arg7 : memref<16x125xi32, #tpu.memory_space<vmem>>)
    %dma_wait3A_297 = arith.constant 14 : i32
    %dma_wait3A_298 = arith.constant 0 : i32
    %dma_wait3A_299 = tpu.memref_slice %arg8[%dma_wait3A_297, %dma_wait3A_298] : memref<16x125xi32, #tpu.memory_space<vmem>> -> memref<1x125xi32, #tpu.memory_space<vmem>>
    %dma_wait3A_300 = tpu.memref_squeeze %dma_wait3A_299 : memref<1x125xi32, #tpu.memory_space<vmem>> -> memref<125xi32, #tpu.memory_space<vmem>>
    %dma_wait3A_301 = arith.constant 0 : i32
    %dma_wait3A_302 = arith.constant 0 : i32
    %dma_wait3A_303 = tpu.memref_slice %arg2[%dma_wait3A_301, %dma_wait3A_302] : memref<10000x128xf32, #tpu.memory_space<hbm>> -> memref<10000x128xf32, #tpu.memory_space<hbm>>
    tpu.wait_indirect_dma semaphore(%arg14 : memref<!tpu.dma_semaphore, #tpu.memory_space<semaphore_mem>>) src(%dma_wait3A_303 : memref<10000x128xf32, #tpu.memory_space<hbm>>) dst(%arg10 : memref<125x128xf32, #tpu.memory_space<vmem>>)
    %run_scoped3A_304 = arith.constant 14 : i32
    "tpu.region"() ({
      %run_scoped3A_621 = tpu.sem_alloc : memref<!tpu.dma_semaphore, #tpu.memory_space<semaphore_mem>>
      %dma_start3A_622 = arith.constant 0 : i32
      %dma_start3A_623 = tpu.memref_slice %arg9[%run_scoped3A_304, %dma_start3A_622] : memref<16x125xi32, #tpu.memory_space<vmem>> -> memref<1x125xi32, #tpu.memory_space<vmem>>
      %dma_start3A_624 = tpu.memref_squeeze %dma_start3A_623 : memref<1x125xi32, #tpu.memory_space<vmem>> -> memref<125xi32, #tpu.memory_space<vmem>>
      %dma_start3A_625 = arith.constant 0 : i32
      %dma_start3A_626 = arith.constant 0 : i32
      %dma_start3A_627 = tpu.memref_slice %arg13[%dma_start3A_625, %dma_start3A_626] : memref<10240x128xf32, #tpu.memory_space<vmem_shared>> -> memref<10240x128xf32, #tpu.memory_space<vmem_shared>>
      tpu.enqueue_indirect_dma source(%arg10 : memref<125x128xf32, #tpu.memory_space<vmem>>) target(%dma_start3A_627 : memref<10240x128xf32, #tpu.memory_space<vmem_shared>>) offsets(%dma_start3A_624 : memref<125xi32, #tpu.memory_space<vmem>>) semaphore(%run_scoped3A_621 : memref<!tpu.dma_semaphore, #tpu.memory_space<semaphore_mem>>) {add = true}
      %dma_wait3A_628 = arith.constant 0 : i32
      %dma_wait3A_629 = tpu.memref_slice %arg9[%run_scoped3A_304, %dma_wait3A_628] : memref<16x125xi32, #tpu.memory_space<vmem>> -> memref<1x125xi32, #tpu.memory_space<vmem>>
      %dma_wait3A_630 = tpu.memref_squeeze %dma_wait3A_629 : memref<1x125xi32, #tpu.memory_space<vmem>> -> memref<125xi32, #tpu.memory_space<vmem>>
      %dma_wait3A_631 = arith.constant 0 : i32
      %dma_wait3A_632 = arith.constant 0 : i32
      %dma_wait3A_633 = tpu.memref_slice %arg13[%dma_wait3A_631, %dma_wait3A_632] : memref<10240x128xf32, #tpu.memory_space<vmem_shared>> -> memref<10240x128xf32, #tpu.memory_space<vmem_shared>>
      tpu.wait_indirect_dma semaphore(%run_scoped3A_621 : memref<!tpu.dma_semaphore, #tpu.memory_space<semaphore_mem>>) src(%arg10 : memref<125x128xf32, #tpu.memory_space<vmem>>) dst(%dma_wait3A_633 : memref<10240x128xf32, #tpu.memory_space<vmem_shared>>)
      tpu.yield
    }) : () -> ()
    %dma_start3A_305 = arith.constant 0 : i32
    %dma_start3A_306 = arith.constant 0 : i32
    %dma_start3A_307 = tpu.memref_slice %arg6[%dma_start3A_305, %dma_start3A_306] : memref<16x125xi32, #tpu.memory_space<vmem>> -> memref<1x125xi32, #tpu.memory_space<vmem>>
    %dma_start3A_308 = tpu.memref_squeeze %dma_start3A_307 : memref<1x125xi32, #tpu.memory_space<vmem>> -> memref<125xi32, #tpu.memory_space<vmem>>
    %dma_start3A_309 = arith.constant 0 : i32
    %dma_start3A_310 = arith.constant 0 : i32
    %dma_start3A_311 = tpu.memref_slice %arg2[%dma_start3A_309, %dma_start3A_310] : memref<10000x128xf32, #tpu.memory_space<hbm>> -> memref<10000x128xf32, #tpu.memory_space<hbm>>
    tpu.enqueue_indirect_dma source(%dma_start3A_311 : memref<10000x128xf32, #tpu.memory_space<hbm>>) target(%arg10 : memref<125x128xf32, #tpu.memory_space<vmem>>) offsets(%dma_start3A_308 : memref<125xi32, #tpu.memory_space<vmem>>) semaphore(%arg14 : memref<!tpu.dma_semaphore, #tpu.memory_space<semaphore_mem>>)
    %dma_wait3A_312 = arith.constant 15 : i32
    %dma_wait3A_313 = arith.constant 0 : i32
    %dma_wait3A_314 = tpu.memref_slice %arg8[%dma_wait3A_312, %dma_wait3A_313] : memref<16x125xi32, #tpu.memory_space<vmem>> -> memref<1x125xi32, #tpu.memory_space<vmem>>
    %dma_wait3A_315 = tpu.memref_squeeze %dma_wait3A_314 : memref<1x125xi32, #tpu.memory_space<vmem>> -> memref<125xi32, #tpu.memory_space<vmem>>
    %dma_wait3A_316 = arith.constant 0 : i32
    %dma_wait3A_317 = arith.constant 0 : i32
    %dma_wait3A_318 = tpu.memref_slice %arg2[%dma_wait3A_316, %dma_wait3A_317] : memref<10000x128xf32, #tpu.memory_space<hbm>> -> memref<10000x128xf32, #tpu.memory_space<hbm>>
    tpu.wait_indirect_dma semaphore(%arg15 : memref<!tpu.dma_semaphore, #tpu.memory_space<semaphore_mem>>) src(%dma_wait3A_318 : memref<10000x128xf32, #tpu.memory_space<hbm>>) dst(%arg11 : memref<125x128xf32, #tpu.memory_space<vmem>>)
    %run_scoped3A_319 = arith.constant 15 : i32
    "tpu.region"() ({
      %run_scoped3A_621 = tpu.sem_alloc : memref<!tpu.dma_semaphore, #tpu.memory_space<semaphore_mem>>
      %dma_start3A_622 = arith.constant 0 : i32
      %dma_start3A_623 = tpu.memref_slice %arg9[%run_scoped3A_319, %dma_start3A_622] : memref<16x125xi32, #tpu.memory_space<vmem>> -> memref<1x125xi32, #tpu.memory_space<vmem>>
      %dma_start3A_624 = tpu.memref_squeeze %dma_start3A_623 : memref<1x125xi32, #tpu.memory_space<vmem>> -> memref<125xi32, #tpu.memory_space<vmem>>
      %dma_start3A_625 = arith.constant 0 : i32
      %dma_start3A_626 = arith.constant 0 : i32
      %dma_start3A_627 = tpu.memref_slice %arg13[%dma_start3A_625, %dma_start3A_626] : memref<10240x128xf32, #tpu.memory_space<vmem_shared>> -> memref<10240x128xf32, #tpu.memory_space<vmem_shared>>
      tpu.enqueue_indirect_dma source(%arg11 : memref<125x128xf32, #tpu.memory_space<vmem>>) target(%dma_start3A_627 : memref<10240x128xf32, #tpu.memory_space<vmem_shared>>) offsets(%dma_start3A_624 : memref<125xi32, #tpu.memory_space<vmem>>) semaphore(%run_scoped3A_621 : memref<!tpu.dma_semaphore, #tpu.memory_space<semaphore_mem>>) {add = true}
      %dma_wait3A_628 = arith.constant 0 : i32
      %dma_wait3A_629 = tpu.memref_slice %arg9[%run_scoped3A_319, %dma_wait3A_628] : memref<16x125xi32, #tpu.memory_space<vmem>> -> memref<1x125xi32, #tpu.memory_space<vmem>>
      %dma_wait3A_630 = tpu.memref_squeeze %dma_wait3A_629 : memref<1x125xi32, #tpu.memory_space<vmem>> -> memref<125xi32, #tpu.memory_space<vmem>>
      %dma_wait3A_631 = arith.constant 0 : i32
      %dma_wait3A_632 = arith.constant 0 : i32
      %dma_wait3A_633 = tpu.memref_slice %arg13[%dma_wait3A_631, %dma_wait3A_632] : memref<10240x128xf32, #tpu.memory_space<vmem_shared>> -> memref<10240x128xf32, #tpu.memory_space<vmem_shared>>
      tpu.wait_indirect_dma semaphore(%run_scoped3A_621 : memref<!tpu.dma_semaphore, #tpu.memory_space<semaphore_mem>>) src(%arg11 : memref<125x128xf32, #tpu.memory_space<vmem>>) dst(%dma_wait3A_633 : memref<10240x128xf32, #tpu.memory_space<vmem_shared>>)
      tpu.yield
    }) : () -> ()
    %dma_start3A_320 = arith.constant 1 : i32
    %dma_start3A_321 = arith.constant 0 : i32
    %dma_start3A_322 = tpu.memref_slice %arg6[%dma_start3A_320, %dma_start3A_321] : memref<16x125xi32, #tpu.memory_space<vmem>> -> memref<1x125xi32, #tpu.memory_space<vmem>>
    %dma_start3A_323 = tpu.memref_squeeze %dma_start3A_322 : memref<1x125xi32, #tpu.memory_space<vmem>> -> memref<125xi32, #tpu.memory_space<vmem>>
    %dma_start3A_324 = arith.constant 0 : i32
    %dma_start3A_325 = arith.constant 0 : i32
    %dma_start3A_326 = tpu.memref_slice %arg2[%dma_start3A_324, %dma_start3A_325] : memref<10000x128xf32, #tpu.memory_space<hbm>> -> memref<10000x128xf32, #tpu.memory_space<hbm>>
    tpu.enqueue_indirect_dma source(%dma_start3A_326 : memref<10000x128xf32, #tpu.memory_space<hbm>>) target(%arg11 : memref<125x128xf32, #tpu.memory_space<vmem>>) offsets(%dma_start3A_323 : memref<125xi32, #tpu.memory_space<vmem>>) semaphore(%arg15 : memref<!tpu.dma_semaphore, #tpu.memory_space<semaphore_mem>>)
    %scan3A_327 = arith.constant 0 : i32
    %scan3A_328 = arith.constant 7 : i32
    %scan3A_329 = arith.addi %scan3A_327, %scan3A_328 : i32
    %scan3A_330 = arith.constant 1 : i32
    scf.for %scan3A_621 = %scan3A_327 to %scan3A_329 step %scan3A_330  : i32 {
      %mul3A_622 = arith.constant 1 : i32
      %mul3A_623 = arith.muli %scan3A_621, %mul3A_622 : i32
      %add3A_624 = arith.constant 0 : i32
      %add3A_625 = arith.addi %add3A_624, %mul3A_623 : i32
      %mul3A_626 = arith.constant 2 : i32
      %mul3A_627 = arith.muli %add3A_625, %mul3A_626 : i32
      %dma_wait3A_628 = arith.constant 0 : i32
      %dma_wait3A_629 = tpu.memref_slice %arg6[%mul3A_627, %dma_wait3A_628] : memref<16x125xi32, #tpu.memory_space<vmem>> -> memref<1x125xi32, #tpu.memory_space<vmem>>
      %dma_wait3A_630 = tpu.memref_squeeze %dma_wait3A_629 : memref<1x125xi32, #tpu.memory_space<vmem>> -> memref<125xi32, #tpu.memory_space<vmem>>
      %dma_wait3A_631 = arith.constant 0 : i32
      %dma_wait3A_632 = arith.constant 0 : i32
      %dma_wait3A_633 = tpu.memref_slice %arg2[%dma_wait3A_631, %dma_wait3A_632] : memref<10000x128xf32, #tpu.memory_space<hbm>> -> memref<10000x128xf32, #tpu.memory_space<hbm>>
      tpu.wait_indirect_dma semaphore(%arg14 : memref<!tpu.dma_semaphore, #tpu.memory_space<semaphore_mem>>) src(%dma_wait3A_633 : memref<10000x128xf32, #tpu.memory_space<hbm>>) dst(%arg10 : memref<125x128xf32, #tpu.memory_space<vmem>>)
      "tpu.region"() ({
        %run_scoped3A_660 = tpu.sem_alloc : memref<!tpu.dma_semaphore, #tpu.memory_space<semaphore_mem>>
        %dma_start3A_661 = arith.constant 0 : i32
        %dma_start3A_662 = tpu.memref_slice %arg7[%mul3A_627, %dma_start3A_661] : memref<16x125xi32, #tpu.memory_space<vmem>> -> memref<1x125xi32, #tpu.memory_space<vmem>>
        %dma_start3A_663 = tpu.memref_squeeze %dma_start3A_662 : memref<1x125xi32, #tpu.memory_space<vmem>> -> memref<125xi32, #tpu.memory_space<vmem>>
        %dma_start3A_664 = arith.constant 0 : i32
        %dma_start3A_665 = arith.constant 0 : i32
        %dma_start3A_666 = tpu.memref_slice %arg13[%dma_start3A_664, %dma_start3A_665] : memref<10240x128xf32, #tpu.memory_space<vmem_shared>> -> memref<10240x128xf32, #tpu.memory_space<vmem_shared>>
        tpu.enqueue_indirect_dma source(%arg10 : memref<125x128xf32, #tpu.memory_space<vmem>>) target(%dma_start3A_666 : memref<10240x128xf32, #tpu.memory_space<vmem_shared>>) offsets(%dma_start3A_663 : memref<125xi32, #tpu.memory_space<vmem>>) semaphore(%run_scoped3A_660 : memref<!tpu.dma_semaphore, #tpu.memory_space<semaphore_mem>>) {add = true}
        %dma_wait3A_667 = arith.constant 0 : i32
        %dma_wait3A_668 = tpu.memref_slice %arg7[%mul3A_627, %dma_wait3A_667] : memref<16x125xi32, #tpu.memory_space<vmem>> -> memref<1x125xi32, #tpu.memory_space<vmem>>
        %dma_wait3A_669 = tpu.memref_squeeze %dma_wait3A_668 : memref<1x125xi32, #tpu.memory_space<vmem>> -> memref<125xi32, #tpu.memory_space<vmem>>
        %dma_wait3A_670 = arith.constant 0 : i32
        %dma_wait3A_671 = arith.constant 0 : i32
        %dma_wait3A_672 = tpu.memref_slice %arg13[%dma_wait3A_670, %dma_wait3A_671] : memref<10240x128xf32, #tpu.memory_space<vmem_shared>> -> memref<10240x128xf32, #tpu.memory_space<vmem_shared>>
        tpu.wait_indirect_dma semaphore(%run_scoped3A_660 : memref<!tpu.dma_semaphore, #tpu.memory_space<semaphore_mem>>) src(%arg10 : memref<125x128xf32, #tpu.memory_space<vmem>>) dst(%dma_wait3A_672 : memref<10240x128xf32, #tpu.memory_space<vmem_shared>>)
        tpu.yield
      }) : () -> ()
      %add3A_634 = arith.constant 2 : i32
      %add3A_635 = arith.addi %mul3A_627, %add3A_634 : i32
      %dma_start3A_636 = arith.constant 0 : i32
      %dma_start3A_637 = tpu.memref_slice %arg6[%add3A_635, %dma_start3A_636] : memref<16x125xi32, #tpu.memory_space<vmem>> -> memref<1x125xi32, #tpu.memory_space<vmem>>
      %dma_start3A_638 = tpu.memref_squeeze %dma_start3A_637 : memref<1x125xi32, #tpu.memory_space<vmem>> -> memref<125xi32, #tpu.memory_space<vmem>>
      %dma_start3A_639 = arith.constant 0 : i32
      %dma_start3A_640 = arith.constant 0 : i32
      %dma_start3A_641 = tpu.memref_slice %arg2[%dma_start3A_639, %dma_start3A_640] : memref<10000x128xf32, #tpu.memory_space<hbm>> -> memref<10000x128xf32, #tpu.memory_space<hbm>>
      tpu.enqueue_indirect_dma source(%dma_start3A_641 : memref<10000x128xf32, #tpu.memory_space<hbm>>) target(%arg10 : memref<125x128xf32, #tpu.memory_space<vmem>>) offsets(%dma_start3A_638 : memref<125xi32, #tpu.memory_space<vmem>>) semaphore(%arg14 : memref<!tpu.dma_semaphore, #tpu.memory_space<semaphore_mem>>)
      %add3A_642 = arith.constant 1 : i32
      %add3A_643 = arith.addi %mul3A_627, %add3A_642 : i32
      %dma_wait3A_644 = arith.constant 0 : i32
      %dma_wait3A_645 = tpu.memref_slice %arg6[%add3A_643, %dma_wait3A_644] : memref<16x125xi32, #tpu.memory_space<vmem>> -> memref<1x125xi32, #tpu.memory_space<vmem>>
      %dma_wait3A_646 = tpu.memref_squeeze %dma_wait3A_645 : memref<1x125xi32, #tpu.memory_space<vmem>> -> memref<125xi32, #tpu.memory_space<vmem>>
      %dma_wait3A_647 = arith.constant 0 : i32
      %dma_wait3A_648 = arith.constant 0 : i32
      %dma_wait3A_649 = tpu.memref_slice %arg2[%dma_wait3A_647, %dma_wait3A_648] : memref<10000x128xf32, #tpu.memory_space<hbm>> -> memref<10000x128xf32, #tpu.memory_space<hbm>>
      tpu.wait_indirect_dma semaphore(%arg15 : memref<!tpu.dma_semaphore, #tpu.memory_space<semaphore_mem>>) src(%dma_wait3A_649 : memref<10000x128xf32, #tpu.memory_space<hbm>>) dst(%arg11 : memref<125x128xf32, #tpu.memory_space<vmem>>)
      %add3A_650 = arith.constant 1 : i32
      %add3A_651 = arith.addi %mul3A_627, %add3A_650 : i32
      "tpu.region"() ({
        %run_scoped3A_660 = tpu.sem_alloc : memref<!tpu.dma_semaphore, #tpu.memory_space<semaphore_mem>>
        %dma_start3A_661 = arith.constant 0 : i32
        %dma_start3A_662 = tpu.memref_slice %arg7[%add3A_651, %dma_start3A_661] : memref<16x125xi32, #tpu.memory_space<vmem>> -> memref<1x125xi32, #tpu.memory_space<vmem>>
        %dma_start3A_663 = tpu.memref_squeeze %dma_start3A_662 : memref<1x125xi32, #tpu.memory_space<vmem>> -> memref<125xi32, #tpu.memory_space<vmem>>
        %dma_start3A_664 = arith.constant 0 : i32
        %dma_start3A_665 = arith.constant 0 : i32
        %dma_start3A_666 = tpu.memref_slice %arg13[%dma_start3A_664, %dma_start3A_665] : memref<10240x128xf32, #tpu.memory_space<vmem_shared>> -> memref<10240x128xf32, #tpu.memory_space<vmem_shared>>
        tpu.enqueue_indirect_dma source(%arg11 : memref<125x128xf32, #tpu.memory_space<vmem>>) target(%dma_start3A_666 : memref<10240x128xf32, #tpu.memory_space<vmem_shared>>) offsets(%dma_start3A_663 : memref<125xi32, #tpu.memory_space<vmem>>) semaphore(%run_scoped3A_660 : memref<!tpu.dma_semaphore, #tpu.memory_space<semaphore_mem>>) {add = true}
        %dma_wait3A_667 = arith.constant 0 : i32
        %dma_wait3A_668 = tpu.memref_slice %arg7[%add3A_651, %dma_wait3A_667] : memref<16x125xi32, #tpu.memory_space<vmem>> -> memref<1x125xi32, #tpu.memory_space<vmem>>
        %dma_wait3A_669 = tpu.memref_squeeze %dma_wait3A_668 : memref<1x125xi32, #tpu.memory_space<vmem>> -> memref<125xi32, #tpu.memory_space<vmem>>
        %dma_wait3A_670 = arith.constant 0 : i32
        %dma_wait3A_671 = arith.constant 0 : i32
        %dma_wait3A_672 = tpu.memref_slice %arg13[%dma_wait3A_670, %dma_wait3A_671] : memref<10240x128xf32, #tpu.memory_space<vmem_shared>> -> memref<10240x128xf32, #tpu.memory_space<vmem_shared>>
        tpu.wait_indirect_dma semaphore(%run_scoped3A_660 : memref<!tpu.dma_semaphore, #tpu.memory_space<semaphore_mem>>) src(%arg11 : memref<125x128xf32, #tpu.memory_space<vmem>>) dst(%dma_wait3A_672 : memref<10240x128xf32, #tpu.memory_space<vmem_shared>>)
        tpu.yield
      }) : () -> ()
      %add3A_652 = arith.constant 3 : i32
      %add3A_653 = arith.addi %mul3A_627, %add3A_652 : i32
      %dma_start3A_654 = arith.constant 0 : i32
      %dma_start3A_655 = tpu.memref_slice %arg6[%add3A_653, %dma_start3A_654] : memref<16x125xi32, #tpu.memory_space<vmem>> -> memref<1x125xi32, #tpu.memory_space<vmem>>
      %dma_start3A_656 = tpu.memref_squeeze %dma_start3A_655 : memref<1x125xi32, #tpu.memory_space<vmem>> -> memref<125xi32, #tpu.memory_space<vmem>>
      %dma_start3A_657 = arith.constant 0 : i32
      %dma_start3A_658 = arith.constant 0 : i32
      %dma_start3A_659 = tpu.memref_slice %arg2[%dma_start3A_657, %dma_start3A_658] : memref<10000x128xf32, #tpu.memory_space<hbm>> -> memref<10000x128xf32, #tpu.memory_space<hbm>>
      tpu.enqueue_indirect_dma source(%dma_start3A_659 : memref<10000x128xf32, #tpu.memory_space<hbm>>) target(%arg11 : memref<125x128xf32, #tpu.memory_space<vmem>>) offsets(%dma_start3A_656 : memref<125xi32, #tpu.memory_space<vmem>>) semaphore(%arg15 : memref<!tpu.dma_semaphore, #tpu.memory_space<semaphore_mem>>)
    }
    %scan3A_331 = arith.constant 7 : i32
    %dma_wait3A_332 = arith.constant 14 : i32
    %dma_wait3A_333 = arith.constant 0 : i32
    %dma_wait3A_334 = tpu.memref_slice %arg6[%dma_wait3A_332, %dma_wait3A_333] : memref<16x125xi32, #tpu.memory_space<vmem>> -> memref<1x125xi32, #tpu.memory_space<vmem>>
    %dma_wait3A_335 = tpu.memref_squeeze %dma_wait3A_334 : memref<1x125xi32, #tpu.memory_space<vmem>> -> memref<125xi32, #tpu.memory_space<vmem>>
    %dma_wait3A_336 = arith.constant 0 : i32
    %dma_wait3A_337 = arith.constant 0 : i32
    %dma_wait3A_338 = tpu.memref_slice %arg2[%dma_wait3A_336, %dma_wait3A_337] : memref<10000x128xf32, #tpu.memory_space<hbm>> -> memref<10000x128xf32, #tpu.memory_space<hbm>>
    tpu.wait_indirect_dma semaphore(%arg14 : memref<!tpu.dma_semaphore, #tpu.memory_space<semaphore_mem>>) src(%dma_wait3A_338 : memref<10000x128xf32, #tpu.memory_space<hbm>>) dst(%arg10 : memref<125x128xf32, #tpu.memory_space<vmem>>)
    %run_scoped3A_339 = arith.constant 14 : i32
    "tpu.region"() ({
      %run_scoped3A_621 = tpu.sem_alloc : memref<!tpu.dma_semaphore, #tpu.memory_space<semaphore_mem>>
      %dma_start3A_622 = arith.constant 0 : i32
      %dma_start3A_623 = tpu.memref_slice %arg7[%run_scoped3A_339, %dma_start3A_622] : memref<16x125xi32, #tpu.memory_space<vmem>> -> memref<1x125xi32, #tpu.memory_space<vmem>>
      %dma_start3A_624 = tpu.memref_squeeze %dma_start3A_623 : memref<1x125xi32, #tpu.memory_space<vmem>> -> memref<125xi32, #tpu.memory_space<vmem>>
      %dma_start3A_625 = arith.constant 0 : i32
      %dma_start3A_626 = arith.constant 0 : i32
      %dma_start3A_627 = tpu.memref_slice %arg13[%dma_start3A_625, %dma_start3A_626] : memref<10240x128xf32, #tpu.memory_space<vmem_shared>> -> memref<10240x128xf32, #tpu.memory_space<vmem_shared>>
      tpu.enqueue_indirect_dma source(%arg10 : memref<125x128xf32, #tpu.memory_space<vmem>>) target(%dma_start3A_627 : memref<10240x128xf32, #tpu.memory_space<vmem_shared>>) offsets(%dma_start3A_624 : memref<125xi32, #tpu.memory_space<vmem>>) semaphore(%run_scoped3A_621 : memref<!tpu.dma_semaphore, #tpu.memory_space<semaphore_mem>>) {add = true}
      %dma_wait3A_628 = arith.constant 0 : i32
      %dma_wait3A_629 = tpu.memref_slice %arg7[%run_scoped3A_339, %dma_wait3A_628] : memref<16x125xi32, #tpu.memory_space<vmem>> -> memref<1x125xi32, #tpu.memory_space<vmem>>
      %dma_wait3A_630 = tpu.memref_squeeze %dma_wait3A_629 : memref<1x125xi32, #tpu.memory_space<vmem>> -> memref<125xi32, #tpu.memory_space<vmem>>
      %dma_wait3A_631 = arith.constant 0 : i32
      %dma_wait3A_632 = arith.constant 0 : i32
      %dma_wait3A_633 = tpu.memref_slice %arg13[%dma_wait3A_631, %dma_wait3A_632] : memref<10240x128xf32, #tpu.memory_space<vmem_shared>> -> memref<10240x128xf32, #tpu.memory_space<vmem_shared>>
      tpu.wait_indirect_dma semaphore(%run_scoped3A_621 : memref<!tpu.dma_semaphore, #tpu.memory_space<semaphore_mem>>) src(%arg10 : memref<125x128xf32, #tpu.memory_space<vmem>>) dst(%dma_wait3A_633 : memref<10240x128xf32, #tpu.memory_space<vmem_shared>>)
      tpu.yield
    }) : () -> ()
    %dma_wait3A_340 = arith.constant 15 : i32
    %dma_wait3A_341 = arith.constant 0 : i32
    %dma_wait3A_342 = tpu.memref_slice %arg6[%dma_wait3A_340, %dma_wait3A_341] : memref<16x125xi32, #tpu.memory_space<vmem>> -> memref<1x125xi32, #tpu.memory_space<vmem>>
    %dma_wait3A_343 = tpu.memref_squeeze %dma_wait3A_342 : memref<1x125xi32, #tpu.memory_space<vmem>> -> memref<125xi32, #tpu.memory_space<vmem>>
    %dma_wait3A_344 = arith.constant 0 : i32
    %dma_wait3A_345 = arith.constant 0 : i32
    %dma_wait3A_346 = tpu.memref_slice %arg2[%dma_wait3A_344, %dma_wait3A_345] : memref<10000x128xf32, #tpu.memory_space<hbm>> -> memref<10000x128xf32, #tpu.memory_space<hbm>>
    tpu.wait_indirect_dma semaphore(%arg15 : memref<!tpu.dma_semaphore, #tpu.memory_space<semaphore_mem>>) src(%dma_wait3A_346 : memref<10000x128xf32, #tpu.memory_space<hbm>>) dst(%arg11 : memref<125x128xf32, #tpu.memory_space<vmem>>)
    %run_scoped3A_347 = arith.constant 15 : i32
    "tpu.region"() ({
      %run_scoped3A_621 = tpu.sem_alloc : memref<!tpu.dma_semaphore, #tpu.memory_space<semaphore_mem>>
      %dma_start3A_622 = arith.constant 0 : i32
      %dma_start3A_623 = tpu.memref_slice %arg7[%run_scoped3A_347, %dma_start3A_622] : memref<16x125xi32, #tpu.memory_space<vmem>> -> memref<1x125xi32, #tpu.memory_space<vmem>>
      %dma_start3A_624 = tpu.memref_squeeze %dma_start3A_623 : memref<1x125xi32, #tpu.memory_space<vmem>> -> memref<125xi32, #tpu.memory_space<vmem>>
      %dma_start3A_625 = arith.constant 0 : i32
      %dma_start3A_626 = arith.constant 0 : i32
      %dma_start3A_627 = tpu.memref_slice %arg13[%dma_start3A_625, %dma_start3A_626] : memref<10240x128xf32, #tpu.memory_space<vmem_shared>> -> memref<10240x128xf32, #tpu.memory_space<vmem_shared>>
      tpu.enqueue_indirect_dma source(%arg11 : memref<125x128xf32, #tpu.memory_space<vmem>>) target(%dma_start3A_627 : memref<10240x128xf32, #tpu.memory_space<vmem_shared>>) offsets(%dma_start3A_624 : memref<125xi32, #tpu.memory_space<vmem>>) semaphore(%run_scoped3A_621 : memref<!tpu.dma_semaphore, #tpu.memory_space<semaphore_mem>>) {add = true}
      %dma_wait3A_628 = arith.constant 0 : i32
      %dma_wait3A_629 = tpu.memref_slice %arg7[%run_scoped3A_347, %dma_wait3A_628] : memref<16x125xi32, #tpu.memory_space<vmem>> -> memref<1x125xi32, #tpu.memory_space<vmem>>
      %dma_wait3A_630 = tpu.memref_squeeze %dma_wait3A_629 : memref<1x125xi32, #tpu.memory_space<vmem>> -> memref<125xi32, #tpu.memory_space<vmem>>
      %dma_wait3A_631 = arith.constant 0 : i32
      %dma_wait3A_632 = arith.constant 0 : i32
      %dma_wait3A_633 = tpu.memref_slice %arg13[%dma_wait3A_631, %dma_wait3A_632] : memref<10240x128xf32, #tpu.memory_space<vmem_shared>> -> memref<10240x128xf32, #tpu.memory_space<vmem_shared>>
      tpu.wait_indirect_dma semaphore(%run_scoped3A_621 : memref<!tpu.dma_semaphore, #tpu.memory_space<semaphore_mem>>) src(%arg11 : memref<125x128xf32, #tpu.memory_space<vmem>>) dst(%dma_wait3A_633 : memref<10240x128xf32, #tpu.memory_space<vmem_shared>>)
      tpu.yield
    }) : () -> ()
    %barrier3A_348 = arith.constant 0 : index
    tpu.barrier barrier_id(%barrier3A_348)
    %mul3A_349 = arith.constant 640 : i32
    %mul3A_350 = arith.muli %arg1, %mul3A_349 : i32
    %add3A_351 = arith.constant 0 : i32
    %add3A_352 = arith.addi %mul3A_350, %add3A_351 : i32
    "tpu.region"() ({
      %run_scoped3A_621 = tpu.sem_alloc : memref<!tpu.dma_semaphore, #tpu.memory_space<semaphore_mem>>
      %dma_start3A_622 = arith.constant 0 : i32
      %dma_start3A_623 = arith.constant 0 : i32
      %dma_start3A_624 = tpu.memref_slice %arg10[%dma_start3A_622, %dma_start3A_623] : memref<125x128xf32, #tpu.memory_space<vmem>> -> memref<80x128xf32, #tpu.memory_space<vmem>>
      %dma_start3A_625 = arith.constant 0 : i32
      %dma_start3A_626 = tpu.memref_slice %arg13[%add3A_352, %dma_start3A_625] : memref<10240x128xf32, #tpu.memory_space<vmem_shared>> -> memref<80x128xf32, #tpu.memory_space<vmem_shared>>
      %dma_start3A_627 = arith.constant 0 : i32
      %dma_start3A_628 = arith.constant 0 : i32
      %dma_start3A_629 = tpu.memref_slice %arg10[%dma_start3A_627, %dma_start3A_628] : memref<125x128xf32, #tpu.memory_space<vmem>> -> memref<80x128xf32, #tpu.memory_space<vmem>>
      %dma_start3A_630 = arith.constant 0 : i32
      %dma_start3A_631 = tpu.memref_slice %arg13[%add3A_352, %dma_start3A_630] : memref<10240x128xf32, #tpu.memory_space<vmem_shared>> -> memref<80x128xf32, #tpu.memory_space<vmem_shared>>
      tpu.enqueue_dma source(%dma_start3A_631 : memref<80x128xf32, #tpu.memory_space<vmem_shared>>) target(%dma_start3A_629 : memref<80x128xf32, #tpu.memory_space<vmem>>) target_semaphore(%run_scoped3A_621 : memref<!tpu.dma_semaphore, #tpu.memory_space<semaphore_mem>>)
      %dma_wait3A_632 = arith.constant 0 : i32
      %dma_wait3A_633 = arith.constant 0 : i32
      %dma_wait3A_634 = tpu.memref_slice %arg10[%dma_wait3A_632, %dma_wait3A_633] : memref<125x128xf32, #tpu.memory_space<vmem>> -> memref<80x128xf32, #tpu.memory_space<vmem>>
      %dma_wait3A_635 = arith.constant 0 : i32
      %dma_wait3A_636 = tpu.memref_slice %arg13[%add3A_352, %dma_wait3A_635] : memref<10240x128xf32, #tpu.memory_space<vmem_shared>> -> memref<80x128xf32, #tpu.memory_space<vmem_shared>>
      %dma_wait3A_637 = arith.constant 0 : i32
      %dma_wait3A_638 = arith.constant 0 : i32
      %dma_wait3A_639 = tpu.memref_slice %arg10[%dma_wait3A_637, %dma_wait3A_638] : memref<125x128xf32, #tpu.memory_space<vmem>> -> memref<80x128xf32, #tpu.memory_space<vmem>>
      %dma_wait3A_640 = arith.constant 0 : i32
      %dma_wait3A_641 = tpu.memref_slice %arg13[%add3A_352, %dma_wait3A_640] : memref<10240x128xf32, #tpu.memory_space<vmem_shared>> -> memref<80x128xf32, #tpu.memory_space<vmem_shared>>
      tpu.wait_dma2 semaphore(%run_scoped3A_621 : memref<!tpu.dma_semaphore, #tpu.memory_space<semaphore_mem>>) src(%dma_wait3A_641 : memref<80x128xf32, #tpu.memory_space<vmem_shared>>) dst(%dma_wait3A_639 : memref<80x128xf32, #tpu.memory_space<vmem>>)
      tpu.yield
    }) : () -> ()
    %mul3A_353 = arith.constant 10240 : i32
    %mul3A_354 = arith.muli %arg0, %mul3A_353 : i32
    %add3A_355 = arith.addi %mul3A_354, %add3A_352 : i32
    %dma_start3A_356 = arith.constant 0 : i32
    %dma_start3A_357 = arith.constant 0 : i32
    %dma_start3A_358 = tpu.memref_slice %arg10[%dma_start3A_356, %dma_start3A_357] : memref<125x128xf32, #tpu.memory_space<vmem>> -> memref<80x128xf32, #tpu.memory_space<vmem>>
    %dma_start3A_359 = arith.constant 0 : i32
    %dma_start3A_360 = tpu.memref_slice %arg5[%add3A_355, %dma_start3A_359] : memref<20480x128xf32, #tpu.memory_space<hbm>> -> memref<80x128xf32, #tpu.memory_space<hbm>>
    %dma_start3A_361 = arith.constant 0 : i32
    %dma_start3A_362 = tpu.memref_slice %arg5[%add3A_355, %dma_start3A_361] : memref<20480x128xf32, #tpu.memory_space<hbm>> -> memref<80x128xf32, #tpu.memory_space<hbm>>
    %dma_start3A_363 = arith.constant 0 : i32
    %dma_start3A_364 = arith.constant 0 : i32
    %dma_start3A_365 = tpu.memref_slice %arg10[%dma_start3A_363, %dma_start3A_364] : memref<125x128xf32, #tpu.memory_space<vmem>> -> memref<80x128xf32, #tpu.memory_space<vmem>>
    tpu.enqueue_dma source(%dma_start3A_365 : memref<80x128xf32, #tpu.memory_space<vmem>>) target(%dma_start3A_362 : memref<80x128xf32, #tpu.memory_space<hbm>>) target_semaphore(%arg14 : memref<!tpu.dma_semaphore, #tpu.memory_space<semaphore_mem>>)
    %mul3A_366 = arith.constant 640 : i32
    %mul3A_367 = arith.muli %arg1, %mul3A_366 : i32
    %add3A_368 = arith.constant 80 : i32
    %add3A_369 = arith.addi %mul3A_367, %add3A_368 : i32
    "tpu.region"() ({
      %run_scoped3A_621 = tpu.sem_alloc : memref<!tpu.dma_semaphore, #tpu.memory_space<semaphore_mem>>
      %dma_start3A_622 = arith.constant 0 : i32
      %dma_start3A_623 = arith.constant 0 : i32
      %dma_start3A_624 = tpu.memref_slice %arg11[%dma_start3A_622, %dma_start3A_623] : memref<125x128xf32, #tpu.memory_space<vmem>> -> memref<80x128xf32, #tpu.memory_space<vmem>>
      %dma_start3A_625 = arith.constant 0 : i32
      %dma_start3A_626 = tpu.memref_slice %arg13[%add3A_369, %dma_start3A_625] : memref<10240x128xf32, #tpu.memory_space<vmem_shared>> -> memref<80x128xf32, #tpu.memory_space<vmem_shared>>
      %dma_start3A_627 = arith.constant 0 : i32
      %dma_start3A_628 = arith.constant 0 : i32
      %dma_start3A_629 = tpu.memref_slice %arg11[%dma_start3A_627, %dma_start3A_628] : memref<125x128xf32, #tpu.memory_space<vmem>> -> memref<80x128xf32, #tpu.memory_space<vmem>>
      %dma_start3A_630 = arith.constant 0 : i32
      %dma_start3A_631 = tpu.memref_slice %arg13[%add3A_369, %dma_start3A_630] : memref<10240x128xf32, #tpu.memory_space<vmem_shared>> -> memref<80x128xf32, #tpu.memory_space<vmem_shared>>
      tpu.enqueue_dma source(%dma_start3A_631 : memref<80x128xf32, #tpu.memory_space<vmem_shared>>) target(%dma_start3A_629 : memref<80x128xf32, #tpu.memory_space<vmem>>) target_semaphore(%run_scoped3A_621 : memref<!tpu.dma_semaphore, #tpu.memory_space<semaphore_mem>>)
      %dma_wait3A_632 = arith.constant 0 : i32
      %dma_wait3A_633 = arith.constant 0 : i32
      %dma_wait3A_634 = tpu.memref_slice %arg11[%dma_wait3A_632, %dma_wait3A_633] : memref<125x128xf32, #tpu.memory_space<vmem>> -> memref<80x128xf32, #tpu.memory_space<vmem>>
      %dma_wait3A_635 = arith.constant 0 : i32
      %dma_wait3A_636 = tpu.memref_slice %arg13[%add3A_369, %dma_wait3A_635] : memref<10240x128xf32, #tpu.memory_space<vmem_shared>> -> memref<80x128xf32, #tpu.memory_space<vmem_shared>>
      %dma_wait3A_637 = arith.constant 0 : i32
      %dma_wait3A_638 = arith.constant 0 : i32
      %dma_wait3A_639 = tpu.memref_slice %arg11[%dma_wait3A_637, %dma_wait3A_638] : memref<125x128xf32, #tpu.memory_space<vmem>> -> memref<80x128xf32, #tpu.memory_space<vmem>>
      %dma_wait3A_640 = arith.constant 0 : i32
      %dma_wait3A_641 = tpu.memref_slice %arg13[%add3A_369, %dma_wait3A_640] : memref<10240x128xf32, #tpu.memory_space<vmem_shared>> -> memref<80x128xf32, #tpu.memory_space<vmem_shared>>
      tpu.wait_dma2 semaphore(%run_scoped3A_621 : memref<!tpu.dma_semaphore, #tpu.memory_space<semaphore_mem>>) src(%dma_wait3A_641 : memref<80x128xf32, #tpu.memory_space<vmem_shared>>) dst(%dma_wait3A_639 : memref<80x128xf32, #tpu.memory_space<vmem>>)
      tpu.yield
    }) : () -> ()
    %mul3A_370 = arith.constant 10240 : i32
    %mul3A_371 = arith.muli %arg0, %mul3A_370 : i32
    %add3A_372 = arith.addi %mul3A_371, %add3A_369 : i32
    %dma_start3A_373 = arith.constant 0 : i32
    %dma_start3A_374 = arith.constant 0 : i32
    %dma_start3A_375 = tpu.memref_slice %arg11[%dma_start3A_373, %dma_start3A_374] : memref<125x128xf32, #tpu.memory_space<vmem>> -> memref<80x128xf32, #tpu.memory_space<vmem>>
    %dma_start3A_376 = arith.constant 0 : i32
    %dma_start3A_377 = tpu.memref_slice %arg5[%add3A_372, %dma_start3A_376] : memref<20480x128xf32, #tpu.memory_space<hbm>> -> memref<80x128xf32, #tpu.memory_space<hbm>>
    %dma_start3A_378 = arith.constant 0 : i32
    %dma_start3A_379 = tpu.memref_slice %arg5[%add3A_372, %dma_start3A_378] : memref<20480x128xf32, #tpu.memory_space<hbm>> -> memref<80x128xf32, #tpu.memory_space<hbm>>
    %dma_start3A_380 = arith.constant 0 : i32
    %dma_start3A_381 = arith.constant 0 : i32
    %dma_start3A_382 = tpu.memref_slice %arg11[%dma_start3A_380, %dma_start3A_381] : memref<125x128xf32, #tpu.memory_space<vmem>> -> memref<80x128xf32, #tpu.memory_space<vmem>>
    tpu.enqueue_dma source(%dma_start3A_382 : memref<80x128xf32, #tpu.memory_space<vmem>>) target(%dma_start3A_379 : memref<80x128xf32, #tpu.memory_space<hbm>>) target_semaphore(%arg15 : memref<!tpu.dma_semaphore, #tpu.memory_space<semaphore_mem>>)
    %mul3A_383 = arith.constant 640 : i32
    %mul3A_384 = arith.muli %arg1, %mul3A_383 : i32
    %add3A_385 = arith.constant 160 : i32
    %add3A_386 = arith.addi %mul3A_384, %add3A_385 : i32
    %mul3A_387 = arith.constant 640 : i32
    %mul3A_388 = arith.muli %arg1, %mul3A_387 : i32
    %add3A_389 = arith.constant 0 : i32
    %add3A_390 = arith.addi %mul3A_388, %add3A_389 : i32
    %mul3A_391 = arith.constant 10240 : i32
    %mul3A_392 = arith.muli %arg0, %mul3A_391 : i32
    %add3A_393 = arith.addi %mul3A_392, %add3A_390 : i32
    %dma_wait3A_394 = arith.constant 0 : i32
    %dma_wait3A_395 = arith.constant 0 : i32
    %dma_wait3A_396 = tpu.memref_slice %arg10[%dma_wait3A_394, %dma_wait3A_395] : memref<125x128xf32, #tpu.memory_space<vmem>> -> memref<80x128xf32, #tpu.memory_space<vmem>>
    %dma_wait3A_397 = arith.constant 0 : i32
    %dma_wait3A_398 = tpu.memref_slice %arg5[%add3A_393, %dma_wait3A_397] : memref<20480x128xf32, #tpu.memory_space<hbm>> -> memref<80x128xf32, #tpu.memory_space<hbm>>
    %dma_wait3A_399 = arith.constant 0 : i32
    %dma_wait3A_400 = tpu.memref_slice %arg5[%add3A_393, %dma_wait3A_399] : memref<20480x128xf32, #tpu.memory_space<hbm>> -> memref<80x128xf32, #tpu.memory_space<hbm>>
    %dma_wait3A_401 = arith.constant 0 : i32
    %dma_wait3A_402 = arith.constant 0 : i32
    %dma_wait3A_403 = tpu.memref_slice %arg10[%dma_wait3A_401, %dma_wait3A_402] : memref<125x128xf32, #tpu.memory_space<vmem>> -> memref<80x128xf32, #tpu.memory_space<vmem>>
    tpu.wait_dma2 semaphore(%arg14 : memref<!tpu.dma_semaphore, #tpu.memory_space<semaphore_mem>>) src(%dma_wait3A_403 : memref<80x128xf32, #tpu.memory_space<vmem>>) dst(%dma_wait3A_400 : memref<80x128xf32, #tpu.memory_space<hbm>>)
    "tpu.region"() ({
      %run_scoped3A_621 = tpu.sem_alloc : memref<!tpu.dma_semaphore, #tpu.memory_space<semaphore_mem>>
      %dma_start3A_622 = arith.constant 0 : i32
      %dma_start3A_623 = arith.constant 0 : i32
      %dma_start3A_624 = tpu.memref_slice %arg10[%dma_start3A_622, %dma_start3A_623] : memref<125x128xf32, #tpu.memory_space<vmem>> -> memref<80x128xf32, #tpu.memory_space<vmem>>
      %dma_start3A_625 = arith.constant 0 : i32
      %dma_start3A_626 = tpu.memref_slice %arg13[%add3A_386, %dma_start3A_625] : memref<10240x128xf32, #tpu.memory_space<vmem_shared>> -> memref<80x128xf32, #tpu.memory_space<vmem_shared>>
      %dma_start3A_627 = arith.constant 0 : i32
      %dma_start3A_628 = arith.constant 0 : i32
      %dma_start3A_629 = tpu.memref_slice %arg10[%dma_start3A_627, %dma_start3A_628] : memref<125x128xf32, #tpu.memory_space<vmem>> -> memref<80x128xf32, #tpu.memory_space<vmem>>
      %dma_start3A_630 = arith.constant 0 : i32
      %dma_start3A_631 = tpu.memref_slice %arg13[%add3A_386, %dma_start3A_630] : memref<10240x128xf32, #tpu.memory_space<vmem_shared>> -> memref<80x128xf32, #tpu.memory_space<vmem_shared>>
      tpu.enqueue_dma source(%dma_start3A_631 : memref<80x128xf32, #tpu.memory_space<vmem_shared>>) target(%dma_start3A_629 : memref<80x128xf32, #tpu.memory_space<vmem>>) target_semaphore(%run_scoped3A_621 : memref<!tpu.dma_semaphore, #tpu.memory_space<semaphore_mem>>)
      %dma_wait3A_632 = arith.constant 0 : i32
      %dma_wait3A_633 = arith.constant 0 : i32
      %dma_wait3A_634 = tpu.memref_slice %arg10[%dma_wait3A_632, %dma_wait3A_633] : memref<125x128xf32, #tpu.memory_space<vmem>> -> memref<80x128xf32, #tpu.memory_space<vmem>>
      %dma_wait3A_635 = arith.constant 0 : i32
      %dma_wait3A_636 = tpu.memref_slice %arg13[%add3A_386, %dma_wait3A_635] : memref<10240x128xf32, #tpu.memory_space<vmem_shared>> -> memref<80x128xf32, #tpu.memory_space<vmem_shared>>
      %dma_wait3A_637 = arith.constant 0 : i32
      %dma_wait3A_638 = arith.constant 0 : i32
      %dma_wait3A_639 = tpu.memref_slice %arg10[%dma_wait3A_637, %dma_wait3A_638] : memref<125x128xf32, #tpu.memory_space<vmem>> -> memref<80x128xf32, #tpu.memory_space<vmem>>
      %dma_wait3A_640 = arith.constant 0 : i32
      %dma_wait3A_641 = tpu.memref_slice %arg13[%add3A_386, %dma_wait3A_640] : memref<10240x128xf32, #tpu.memory_space<vmem_shared>> -> memref<80x128xf32, #tpu.memory_space<vmem_shared>>
      tpu.wait_dma2 semaphore(%run_scoped3A_621 : memref<!tpu.dma_semaphore, #tpu.memory_space<semaphore_mem>>) src(%dma_wait3A_641 : memref<80x128xf32, #tpu.memory_space<vmem_shared>>) dst(%dma_wait3A_639 : memref<80x128xf32, #tpu.memory_space<vmem>>)
      tpu.yield
    }) : () -> ()
    %mul3A_404 = arith.constant 10240 : i32
    %mul3A_405 = arith.muli %arg0, %mul3A_404 : i32
    %add3A_406 = arith.addi %mul3A_405, %add3A_386 : i32
    %dma_start3A_407 = arith.constant 0 : i32
    %dma_start3A_408 = arith.constant 0 : i32
    %dma_start3A_409 = tpu.memref_slice %arg10[%dma_start3A_407, %dma_start3A_408] : memref<125x128xf32, #tpu.memory_space<vmem>> -> memref<80x128xf32, #tpu.memory_space<vmem>>
    %dma_start3A_410 = arith.constant 0 : i32
    %dma_start3A_411 = tpu.memref_slice %arg5[%add3A_406, %dma_start3A_410] : memref<20480x128xf32, #tpu.memory_space<hbm>> -> memref<80x128xf32, #tpu.memory_space<hbm>>
    %dma_start3A_412 = arith.constant 0 : i32
    %dma_start3A_413 = tpu.memref_slice %arg5[%add3A_406, %dma_start3A_412] : memref<20480x128xf32, #tpu.memory_space<hbm>> -> memref<80x128xf32, #tpu.memory_space<hbm>>
    %dma_start3A_414 = arith.constant 0 : i32
    %dma_start3A_415 = arith.constant 0 : i32
    %dma_start3A_416 = tpu.memref_slice %arg10[%dma_start3A_414, %dma_start3A_415] : memref<125x128xf32, #tpu.memory_space<vmem>> -> memref<80x128xf32, #tpu.memory_space<vmem>>
    tpu.enqueue_dma source(%dma_start3A_416 : memref<80x128xf32, #tpu.memory_space<vmem>>) target(%dma_start3A_413 : memref<80x128xf32, #tpu.memory_space<hbm>>) target_semaphore(%arg14 : memref<!tpu.dma_semaphore, #tpu.memory_space<semaphore_mem>>)
    %mul3A_417 = arith.constant 640 : i32
    %mul3A_418 = arith.muli %arg1, %mul3A_417 : i32
    %add3A_419 = arith.constant 240 : i32
    %add3A_420 = arith.addi %mul3A_418, %add3A_419 : i32
    %mul3A_421 = arith.constant 640 : i32
    %mul3A_422 = arith.muli %arg1, %mul3A_421 : i32
    %add3A_423 = arith.constant 80 : i32
    %add3A_424 = arith.addi %mul3A_422, %add3A_423 : i32
    %mul3A_425 = arith.constant 10240 : i32
    %mul3A_426 = arith.muli %arg0, %mul3A_425 : i32
    %add3A_427 = arith.addi %mul3A_426, %add3A_424 : i32
    %dma_wait3A_428 = arith.constant 0 : i32
    %dma_wait3A_429 = arith.constant 0 : i32
    %dma_wait3A_430 = tpu.memref_slice %arg11[%dma_wait3A_428, %dma_wait3A_429] : memref<125x128xf32, #tpu.memory_space<vmem>> -> memref<80x128xf32, #tpu.memory_space<vmem>>
    %dma_wait3A_431 = arith.constant 0 : i32
    %dma_wait3A_432 = tpu.memref_slice %arg5[%add3A_427, %dma_wait3A_431] : memref<20480x128xf32, #tpu.memory_space<hbm>> -> memref<80x128xf32, #tpu.memory_space<hbm>>
    %dma_wait3A_433 = arith.constant 0 : i32
    %dma_wait3A_434 = tpu.memref_slice %arg5[%add3A_427, %dma_wait3A_433] : memref<20480x128xf32, #tpu.memory_space<hbm>> -> memref<80x128xf32, #tpu.memory_space<hbm>>
    %dma_wait3A_435 = arith.constant 0 : i32
    %dma_wait3A_436 = arith.constant 0 : i32
    %dma_wait3A_437 = tpu.memref_slice %arg11[%dma_wait3A_435, %dma_wait3A_436] : memref<125x128xf32, #tpu.memory_space<vmem>> -> memref<80x128xf32, #tpu.memory_space<vmem>>
    tpu.wait_dma2 semaphore(%arg15 : memref<!tpu.dma_semaphore, #tpu.memory_space<semaphore_mem>>) src(%dma_wait3A_437 : memref<80x128xf32, #tpu.memory_space<vmem>>) dst(%dma_wait3A_434 : memref<80x128xf32, #tpu.memory_space<hbm>>)
    "tpu.region"() ({
      %run_scoped3A_621 = tpu.sem_alloc : memref<!tpu.dma_semaphore, #tpu.memory_space<semaphore_mem>>
      %dma_start3A_622 = arith.constant 0 : i32
      %dma_start3A_623 = arith.constant 0 : i32
      %dma_start3A_624 = tpu.memref_slice %arg11[%dma_start3A_622, %dma_start3A_623] : memref<125x128xf32, #tpu.memory_space<vmem>> -> memref<80x128xf32, #tpu.memory_space<vmem>>
      %dma_start3A_625 = arith.constant 0 : i32
      %dma_start3A_626 = tpu.memref_slice %arg13[%add3A_420, %dma_start3A_625] : memref<10240x128xf32, #tpu.memory_space<vmem_shared>> -> memref<80x128xf32, #tpu.memory_space<vmem_shared>>
      %dma_start3A_627 = arith.constant 0 : i32
      %dma_start3A_628 = arith.constant 0 : i32
      %dma_start3A_629 = tpu.memref_slice %arg11[%dma_start3A_627, %dma_start3A_628] : memref<125x128xf32, #tpu.memory_space<vmem>> -> memref<80x128xf32, #tpu.memory_space<vmem>>
      %dma_start3A_630 = arith.constant 0 : i32
      %dma_start3A_631 = tpu.memref_slice %arg13[%add3A_420, %dma_start3A_630] : memref<10240x128xf32, #tpu.memory_space<vmem_shared>> -> memref<80x128xf32, #tpu.memory_space<vmem_shared>>
      tpu.enqueue_dma source(%dma_start3A_631 : memref<80x128xf32, #tpu.memory_space<vmem_shared>>) target(%dma_start3A_629 : memref<80x128xf32, #tpu.memory_space<vmem>>) target_semaphore(%run_scoped3A_621 : memref<!tpu.dma_semaphore, #tpu.memory_space<semaphore_mem>>)
      %dma_wait3A_632 = arith.constant 0 : i32
      %dma_wait3A_633 = arith.constant 0 : i32
      %dma_wait3A_634 = tpu.memref_slice %arg11[%dma_wait3A_632, %dma_wait3A_633] : memref<125x128xf32, #tpu.memory_space<vmem>> -> memref<80x128xf32, #tpu.memory_space<vmem>>
      %dma_wait3A_635 = arith.constant 0 : i32
      %dma_wait3A_636 = tpu.memref_slice %arg13[%add3A_420, %dma_wait3A_635] : memref<10240x128xf32, #tpu.memory_space<vmem_shared>> -> memref<80x128xf32, #tpu.memory_space<vmem_shared>>
      %dma_wait3A_637 = arith.constant 0 : i32
      %dma_wait3A_638 = arith.constant 0 : i32
      %dma_wait3A_639 = tpu.memref_slice %arg11[%dma_wait3A_637, %dma_wait3A_638] : memref<125x128xf32, #tpu.memory_space<vmem>> -> memref<80x128xf32, #tpu.memory_space<vmem>>
      %dma_wait3A_640 = arith.constant 0 : i32
      %dma_wait3A_641 = tpu.memref_slice %arg13[%add3A_420, %dma_wait3A_640] : memref<10240x128xf32, #tpu.memory_space<vmem_shared>> -> memref<80x128xf32, #tpu.memory_space<vmem_shared>>
      tpu.wait_dma2 semaphore(%run_scoped3A_621 : memref<!tpu.dma_semaphore, #tpu.memory_space<semaphore_mem>>) src(%dma_wait3A_641 : memref<80x128xf32, #tpu.memory_space<vmem_shared>>) dst(%dma_wait3A_639 : memref<80x128xf32, #tpu.memory_space<vmem>>)
      tpu.yield
    }) : () -> ()
    %mul3A_438 = arith.constant 10240 : i32
    %mul3A_439 = arith.muli %arg0, %mul3A_438 : i32
    %add3A_440 = arith.addi %mul3A_439, %add3A_420 : i32
    %dma_start3A_441 = arith.constant 0 : i32
    %dma_start3A_442 = arith.constant 0 : i32
    %dma_start3A_443 = tpu.memref_slice %arg11[%dma_start3A_441, %dma_start3A_442] : memref<125x128xf32, #tpu.memory_space<vmem>> -> memref<80x128xf32, #tpu.memory_space<vmem>>
    %dma_start3A_444 = arith.constant 0 : i32
    %dma_start3A_445 = tpu.memref_slice %arg5[%add3A_440, %dma_start3A_444] : memref<20480x128xf32, #tpu.memory_space<hbm>> -> memref<80x128xf32, #tpu.memory_space<hbm>>
    %dma_start3A_446 = arith.constant 0 : i32
    %dma_start3A_447 = tpu.memref_slice %arg5[%add3A_440, %dma_start3A_446] : memref<20480x128xf32, #tpu.memory_space<hbm>> -> memref<80x128xf32, #tpu.memory_space<hbm>>
    %dma_start3A_448 = arith.constant 0 : i32
    %dma_start3A_449 = arith.constant 0 : i32
    %dma_start3A_450 = tpu.memref_slice %arg11[%dma_start3A_448, %dma_start3A_449] : memref<125x128xf32, #tpu.memory_space<vmem>> -> memref<80x128xf32, #tpu.memory_space<vmem>>
    tpu.enqueue_dma source(%dma_start3A_450 : memref<80x128xf32, #tpu.memory_space<vmem>>) target(%dma_start3A_447 : memref<80x128xf32, #tpu.memory_space<hbm>>) target_semaphore(%arg15 : memref<!tpu.dma_semaphore, #tpu.memory_space<semaphore_mem>>)
    %mul3A_451 = arith.constant 640 : i32
    %mul3A_452 = arith.muli %arg1, %mul3A_451 : i32
    %add3A_453 = arith.constant 320 : i32
    %add3A_454 = arith.addi %mul3A_452, %add3A_453 : i32
    %mul3A_455 = arith.constant 640 : i32
    %mul3A_456 = arith.muli %arg1, %mul3A_455 : i32
    %add3A_457 = arith.constant 160 : i32
    %add3A_458 = arith.addi %mul3A_456, %add3A_457 : i32
    %mul3A_459 = arith.constant 10240 : i32
    %mul3A_460 = arith.muli %arg0, %mul3A_459 : i32
    %add3A_461 = arith.addi %mul3A_460, %add3A_458 : i32
    %dma_wait3A_462 = arith.constant 0 : i32
    %dma_wait3A_463 = arith.constant 0 : i32
    %dma_wait3A_464 = tpu.memref_slice %arg10[%dma_wait3A_462, %dma_wait3A_463] : memref<125x128xf32, #tpu.memory_space<vmem>> -> memref<80x128xf32, #tpu.memory_space<vmem>>
    %dma_wait3A_465 = arith.constant 0 : i32
    %dma_wait3A_466 = tpu.memref_slice %arg5[%add3A_461, %dma_wait3A_465] : memref<20480x128xf32, #tpu.memory_space<hbm>> -> memref<80x128xf32, #tpu.memory_space<hbm>>
    %dma_wait3A_467 = arith.constant 0 : i32
    %dma_wait3A_468 = tpu.memref_slice %arg5[%add3A_461, %dma_wait3A_467] : memref<20480x128xf32, #tpu.memory_space<hbm>> -> memref<80x128xf32, #tpu.memory_space<hbm>>
    %dma_wait3A_469 = arith.constant 0 : i32
    %dma_wait3A_470 = arith.constant 0 : i32
    %dma_wait3A_471 = tpu.memref_slice %arg10[%dma_wait3A_469, %dma_wait3A_470] : memref<125x128xf32, #tpu.memory_space<vmem>> -> memref<80x128xf32, #tpu.memory_space<vmem>>
    tpu.wait_dma2 semaphore(%arg14 : memref<!tpu.dma_semaphore, #tpu.memory_space<semaphore_mem>>) src(%dma_wait3A_471 : memref<80x128xf32, #tpu.memory_space<vmem>>) dst(%dma_wait3A_468 : memref<80x128xf32, #tpu.memory_space<hbm>>)
    "tpu.region"() ({
      %run_scoped3A_621 = tpu.sem_alloc : memref<!tpu.dma_semaphore, #tpu.memory_space<semaphore_mem>>
      %dma_start3A_622 = arith.constant 0 : i32
      %dma_start3A_623 = arith.constant 0 : i32
      %dma_start3A_624 = tpu.memref_slice %arg10[%dma_start3A_622, %dma_start3A_623] : memref<125x128xf32, #tpu.memory_space<vmem>> -> memref<80x128xf32, #tpu.memory_space<vmem>>
      %dma_start3A_625 = arith.constant 0 : i32
      %dma_start3A_626 = tpu.memref_slice %arg13[%add3A_454, %dma_start3A_625] : memref<10240x128xf32, #tpu.memory_space<vmem_shared>> -> memref<80x128xf32, #tpu.memory_space<vmem_shared>>
      %dma_start3A_627 = arith.constant 0 : i32
      %dma_start3A_628 = arith.constant 0 : i32
      %dma_start3A_629 = tpu.memref_slice %arg10[%dma_start3A_627, %dma_start3A_628] : memref<125x128xf32, #tpu.memory_space<vmem>> -> memref<80x128xf32, #tpu.memory_space<vmem>>
      %dma_start3A_630 = arith.constant 0 : i32
      %dma_start3A_631 = tpu.memref_slice %arg13[%add3A_454, %dma_start3A_630] : memref<10240x128xf32, #tpu.memory_space<vmem_shared>> -> memref<80x128xf32, #tpu.memory_space<vmem_shared>>
      tpu.enqueue_dma source(%dma_start3A_631 : memref<80x128xf32, #tpu.memory_space<vmem_shared>>) target(%dma_start3A_629 : memref<80x128xf32, #tpu.memory_space<vmem>>) target_semaphore(%run_scoped3A_621 : memref<!tpu.dma_semaphore, #tpu.memory_space<semaphore_mem>>)
      %dma_wait3A_632 = arith.constant 0 : i32
      %dma_wait3A_633 = arith.constant 0 : i32
      %dma_wait3A_634 = tpu.memref_slice %arg10[%dma_wait3A_632, %dma_wait3A_633] : memref<125x128xf32, #tpu.memory_space<vmem>> -> memref<80x128xf32, #tpu.memory_space<vmem>>
      %dma_wait3A_635 = arith.constant 0 : i32
      %dma_wait3A_636 = tpu.memref_slice %arg13[%add3A_454, %dma_wait3A_635] : memref<10240x128xf32, #tpu.memory_space<vmem_shared>> -> memref<80x128xf32, #tpu.memory_space<vmem_shared>>
      %dma_wait3A_637 = arith.constant 0 : i32
      %dma_wait3A_638 = arith.constant 0 : i32
      %dma_wait3A_639 = tpu.memref_slice %arg10[%dma_wait3A_637, %dma_wait3A_638] : memref<125x128xf32, #tpu.memory_space<vmem>> -> memref<80x128xf32, #tpu.memory_space<vmem>>
      %dma_wait3A_640 = arith.constant 0 : i32
      %dma_wait3A_641 = tpu.memref_slice %arg13[%add3A_454, %dma_wait3A_640] : memref<10240x128xf32, #tpu.memory_space<vmem_shared>> -> memref<80x128xf32, #tpu.memory_space<vmem_shared>>
      tpu.wait_dma2 semaphore(%run_scoped3A_621 : memref<!tpu.dma_semaphore, #tpu.memory_space<semaphore_mem>>) src(%dma_wait3A_641 : memref<80x128xf32, #tpu.memory_space<vmem_shared>>) dst(%dma_wait3A_639 : memref<80x128xf32, #tpu.memory_space<vmem>>)
      tpu.yield
    }) : () -> ()
    %mul3A_472 = arith.constant 10240 : i32
    %mul3A_473 = arith.muli %arg0, %mul3A_472 : i32
    %add3A_474 = arith.addi %mul3A_473, %add3A_454 : i32
    %dma_start3A_475 = arith.constant 0 : i32
    %dma_start3A_476 = arith.constant 0 : i32
    %dma_start3A_477 = tpu.memref_slice %arg10[%dma_start3A_475, %dma_start3A_476] : memref<125x128xf32, #tpu.memory_space<vmem>> -> memref<80x128xf32, #tpu.memory_space<vmem>>
    %dma_start3A_478 = arith.constant 0 : i32
    %dma_start3A_479 = tpu.memref_slice %arg5[%add3A_474, %dma_start3A_478] : memref<20480x128xf32, #tpu.memory_space<hbm>> -> memref<80x128xf32, #tpu.memory_space<hbm>>
    %dma_start3A_480 = arith.constant 0 : i32
    %dma_start3A_481 = tpu.memref_slice %arg5[%add3A_474, %dma_start3A_480] : memref<20480x128xf32, #tpu.memory_space<hbm>> -> memref<80x128xf32, #tpu.memory_space<hbm>>
    %dma_start3A_482 = arith.constant 0 : i32
    %dma_start3A_483 = arith.constant 0 : i32
    %dma_start3A_484 = tpu.memref_slice %arg10[%dma_start3A_482, %dma_start3A_483] : memref<125x128xf32, #tpu.memory_space<vmem>> -> memref<80x128xf32, #tpu.memory_space<vmem>>
    tpu.enqueue_dma source(%dma_start3A_484 : memref<80x128xf32, #tpu.memory_space<vmem>>) target(%dma_start3A_481 : memref<80x128xf32, #tpu.memory_space<hbm>>) target_semaphore(%arg14 : memref<!tpu.dma_semaphore, #tpu.memory_space<semaphore_mem>>)
    %mul3A_485 = arith.constant 640 : i32
    %mul3A_486 = arith.muli %arg1, %mul3A_485 : i32
    %add3A_487 = arith.constant 400 : i32
    %add3A_488 = arith.addi %mul3A_486, %add3A_487 : i32
    %mul3A_489 = arith.constant 640 : i32
    %mul3A_490 = arith.muli %arg1, %mul3A_489 : i32
    %add3A_491 = arith.constant 240 : i32
    %add3A_492 = arith.addi %mul3A_490, %add3A_491 : i32
    %mul3A_493 = arith.constant 10240 : i32
    %mul3A_494 = arith.muli %arg0, %mul3A_493 : i32
    %add3A_495 = arith.addi %mul3A_494, %add3A_492 : i32
    %dma_wait3A_496 = arith.constant 0 : i32
    %dma_wait3A_497 = arith.constant 0 : i32
    %dma_wait3A_498 = tpu.memref_slice %arg11[%dma_wait3A_496, %dma_wait3A_497] : memref<125x128xf32, #tpu.memory_space<vmem>> -> memref<80x128xf32, #tpu.memory_space<vmem>>
    %dma_wait3A_499 = arith.constant 0 : i32
    %dma_wait3A_500 = tpu.memref_slice %arg5[%add3A_495, %dma_wait3A_499] : memref<20480x128xf32, #tpu.memory_space<hbm>> -> memref<80x128xf32, #tpu.memory_space<hbm>>
    %dma_wait3A_501 = arith.constant 0 : i32
    %dma_wait3A_502 = tpu.memref_slice %arg5[%add3A_495, %dma_wait3A_501] : memref<20480x128xf32, #tpu.memory_space<hbm>> -> memref<80x128xf32, #tpu.memory_space<hbm>>
    %dma_wait3A_503 = arith.constant 0 : i32
    %dma_wait3A_504 = arith.constant 0 : i32
    %dma_wait3A_505 = tpu.memref_slice %arg11[%dma_wait3A_503, %dma_wait3A_504] : memref<125x128xf32, #tpu.memory_space<vmem>> -> memref<80x128xf32, #tpu.memory_space<vmem>>
    tpu.wait_dma2 semaphore(%arg15 : memref<!tpu.dma_semaphore, #tpu.memory_space<semaphore_mem>>) src(%dma_wait3A_505 : memref<80x128xf32, #tpu.memory_space<vmem>>) dst(%dma_wait3A_502 : memref<80x128xf32, #tpu.memory_space<hbm>>)
    "tpu.region"() ({
      %run_scoped3A_621 = tpu.sem_alloc : memref<!tpu.dma_semaphore, #tpu.memory_space<semaphore_mem>>
      %dma_start3A_622 = arith.constant 0 : i32
      %dma_start3A_623 = arith.constant 0 : i32
      %dma_start3A_624 = tpu.memref_slice %arg11[%dma_start3A_622, %dma_start3A_623] : memref<125x128xf32, #tpu.memory_space<vmem>> -> memref<80x128xf32, #tpu.memory_space<vmem>>
      %dma_start3A_625 = arith.constant 0 : i32
      %dma_start3A_626 = tpu.memref_slice %arg13[%add3A_488, %dma_start3A_625] : memref<10240x128xf32, #tpu.memory_space<vmem_shared>> -> memref<80x128xf32, #tpu.memory_space<vmem_shared>>
      %dma_start3A_627 = arith.constant 0 : i32
      %dma_start3A_628 = arith.constant 0 : i32
      %dma_start3A_629 = tpu.memref_slice %arg11[%dma_start3A_627, %dma_start3A_628] : memref<125x128xf32, #tpu.memory_space<vmem>> -> memref<80x128xf32, #tpu.memory_space<vmem>>
      %dma_start3A_630 = arith.constant 0 : i32
      %dma_start3A_631 = tpu.memref_slice %arg13[%add3A_488, %dma_start3A_630] : memref<10240x128xf32, #tpu.memory_space<vmem_shared>> -> memref<80x128xf32, #tpu.memory_space<vmem_shared>>
      tpu.enqueue_dma source(%dma_start3A_631 : memref<80x128xf32, #tpu.memory_space<vmem_shared>>) target(%dma_start3A_629 : memref<80x128xf32, #tpu.memory_space<vmem>>) target_semaphore(%run_scoped3A_621 : memref<!tpu.dma_semaphore, #tpu.memory_space<semaphore_mem>>)
      %dma_wait3A_632 = arith.constant 0 : i32
      %dma_wait3A_633 = arith.constant 0 : i32
      %dma_wait3A_634 = tpu.memref_slice %arg11[%dma_wait3A_632, %dma_wait3A_633] : memref<125x128xf32, #tpu.memory_space<vmem>> -> memref<80x128xf32, #tpu.memory_space<vmem>>
      %dma_wait3A_635 = arith.constant 0 : i32
      %dma_wait3A_636 = tpu.memref_slice %arg13[%add3A_488, %dma_wait3A_635] : memref<10240x128xf32, #tpu.memory_space<vmem_shared>> -> memref<80x128xf32, #tpu.memory_space<vmem_shared>>
      %dma_wait3A_637 = arith.constant 0 : i32
      %dma_wait3A_638 = arith.constant 0 : i32
      %dma_wait3A_639 = tpu.memref_slice %arg11[%dma_wait3A_637, %dma_wait3A_638] : memref<125x128xf32, #tpu.memory_space<vmem>> -> memref<80x128xf32, #tpu.memory_space<vmem>>
      %dma_wait3A_640 = arith.constant 0 : i32
      %dma_wait3A_641 = tpu.memref_slice %arg13[%add3A_488, %dma_wait3A_640] : memref<10240x128xf32, #tpu.memory_space<vmem_shared>> -> memref<80x128xf32, #tpu.memory_space<vmem_shared>>
      tpu.wait_dma2 semaphore(%run_scoped3A_621 : memref<!tpu.dma_semaphore, #tpu.memory_space<semaphore_mem>>) src(%dma_wait3A_641 : memref<80x128xf32, #tpu.memory_space<vmem_shared>>) dst(%dma_wait3A_639 : memref<80x128xf32, #tpu.memory_space<vmem>>)
      tpu.yield
    }) : () -> ()
    %mul3A_506 = arith.constant 10240 : i32
    %mul3A_507 = arith.muli %arg0, %mul3A_506 : i32
    %add3A_508 = arith.addi %mul3A_507, %add3A_488 : i32
    %dma_start3A_509 = arith.constant 0 : i32
    %dma_start3A_510 = arith.constant 0 : i32
    %dma_start3A_511 = tpu.memref_slice %arg11[%dma_start3A_509, %dma_start3A_510] : memref<125x128xf32, #tpu.memory_space<vmem>> -> memref<80x128xf32, #tpu.memory_space<vmem>>
    %dma_start3A_512 = arith.constant 0 : i32
    %dma_start3A_513 = tpu.memref_slice %arg5[%add3A_508, %dma_start3A_512] : memref<20480x128xf32, #tpu.memory_space<hbm>> -> memref<80x128xf32, #tpu.memory_space<hbm>>
    %dma_start3A_514 = arith.constant 0 : i32
    %dma_start3A_515 = tpu.memref_slice %arg5[%add3A_508, %dma_start3A_514] : memref<20480x128xf32, #tpu.memory_space<hbm>> -> memref<80x128xf32, #tpu.memory_space<hbm>>
    %dma_start3A_516 = arith.constant 0 : i32
    %dma_start3A_517 = arith.constant 0 : i32
    %dma_start3A_518 = tpu.memref_slice %arg11[%dma_start3A_516, %dma_start3A_517] : memref<125x128xf32, #tpu.memory_space<vmem>> -> memref<80x128xf32, #tpu.memory_space<vmem>>
    tpu.enqueue_dma source(%dma_start3A_518 : memref<80x128xf32, #tpu.memory_space<vmem>>) target(%dma_start3A_515 : memref<80x128xf32, #tpu.memory_space<hbm>>) target_semaphore(%arg15 : memref<!tpu.dma_semaphore, #tpu.memory_space<semaphore_mem>>)
    %mul3A_519 = arith.constant 640 : i32
    %mul3A_520 = arith.muli %arg1, %mul3A_519 : i32
    %add3A_521 = arith.constant 480 : i32
    %add3A_522 = arith.addi %mul3A_520, %add3A_521 : i32
    %mul3A_523 = arith.constant 640 : i32
    %mul3A_524 = arith.muli %arg1, %mul3A_523 : i32
    %add3A_525 = arith.constant 320 : i32
    %add3A_526 = arith.addi %mul3A_524, %add3A_525 : i32
    %mul3A_527 = arith.constant 10240 : i32
    %mul3A_528 = arith.muli %arg0, %mul3A_527 : i32
    %add3A_529 = arith.addi %mul3A_528, %add3A_526 : i32
    %dma_wait3A_530 = arith.constant 0 : i32
    %dma_wait3A_531 = arith.constant 0 : i32
    %dma_wait3A_532 = tpu.memref_slice %arg10[%dma_wait3A_530, %dma_wait3A_531] : memref<125x128xf32, #tpu.memory_space<vmem>> -> memref<80x128xf32, #tpu.memory_space<vmem>>
    %dma_wait3A_533 = arith.constant 0 : i32
    %dma_wait3A_534 = tpu.memref_slice %arg5[%add3A_529, %dma_wait3A_533] : memref<20480x128xf32, #tpu.memory_space<hbm>> -> memref<80x128xf32, #tpu.memory_space<hbm>>
    %dma_wait3A_535 = arith.constant 0 : i32
    %dma_wait3A_536 = tpu.memref_slice %arg5[%add3A_529, %dma_wait3A_535] : memref<20480x128xf32, #tpu.memory_space<hbm>> -> memref<80x128xf32, #tpu.memory_space<hbm>>
    %dma_wait3A_537 = arith.constant 0 : i32
    %dma_wait3A_538 = arith.constant 0 : i32
    %dma_wait3A_539 = tpu.memref_slice %arg10[%dma_wait3A_537, %dma_wait3A_538] : memref<125x128xf32, #tpu.memory_space<vmem>> -> memref<80x128xf32, #tpu.memory_space<vmem>>
    tpu.wait_dma2 semaphore(%arg14 : memref<!tpu.dma_semaphore, #tpu.memory_space<semaphore_mem>>) src(%dma_wait3A_539 : memref<80x128xf32, #tpu.memory_space<vmem>>) dst(%dma_wait3A_536 : memref<80x128xf32, #tpu.memory_space<hbm>>)
    "tpu.region"() ({
      %run_scoped3A_621 = tpu.sem_alloc : memref<!tpu.dma_semaphore, #tpu.memory_space<semaphore_mem>>
      %dma_start3A_622 = arith.constant 0 : i32
      %dma_start3A_623 = arith.constant 0 : i32
      %dma_start3A_624 = tpu.memref_slice %arg10[%dma_start3A_622, %dma_start3A_623] : memref<125x128xf32, #tpu.memory_space<vmem>> -> memref<80x128xf32, #tpu.memory_space<vmem>>
      %dma_start3A_625 = arith.constant 0 : i32
      %dma_start3A_626 = tpu.memref_slice %arg13[%add3A_522, %dma_start3A_625] : memref<10240x128xf32, #tpu.memory_space<vmem_shared>> -> memref<80x128xf32, #tpu.memory_space<vmem_shared>>
      %dma_start3A_627 = arith.constant 0 : i32
      %dma_start3A_628 = arith.constant 0 : i32
      %dma_start3A_629 = tpu.memref_slice %arg10[%dma_start3A_627, %dma_start3A_628] : memref<125x128xf32, #tpu.memory_space<vmem>> -> memref<80x128xf32, #tpu.memory_space<vmem>>
      %dma_start3A_630 = arith.constant 0 : i32
      %dma_start3A_631 = tpu.memref_slice %arg13[%add3A_522, %dma_start3A_630] : memref<10240x128xf32, #tpu.memory_space<vmem_shared>> -> memref<80x128xf32, #tpu.memory_space<vmem_shared>>
      tpu.enqueue_dma source(%dma_start3A_631 : memref<80x128xf32, #tpu.memory_space<vmem_shared>>) target(%dma_start3A_629 : memref<80x128xf32, #tpu.memory_space<vmem>>) target_semaphore(%run_scoped3A_621 : memref<!tpu.dma_semaphore, #tpu.memory_space<semaphore_mem>>)
      %dma_wait3A_632 = arith.constant 0 : i32
      %dma_wait3A_633 = arith.constant 0 : i32
      %dma_wait3A_634 = tpu.memref_slice %arg10[%dma_wait3A_632, %dma_wait3A_633] : memref<125x128xf32, #tpu.memory_space<vmem>> -> memref<80x128xf32, #tpu.memory_space<vmem>>
      %dma_wait3A_635 = arith.constant 0 : i32
      %dma_wait3A_636 = tpu.memref_slice %arg13[%add3A_522, %dma_wait3A_635] : memref<10240x128xf32, #tpu.memory_space<vmem_shared>> -> memref<80x128xf32, #tpu.memory_space<vmem_shared>>
      %dma_wait3A_637 = arith.constant 0 : i32
      %dma_wait3A_638 = arith.constant 0 : i32
      %dma_wait3A_639 = tpu.memref_slice %arg10[%dma_wait3A_637, %dma_wait3A_638] : memref<125x128xf32, #tpu.memory_space<vmem>> -> memref<80x128xf32, #tpu.memory_space<vmem>>
      %dma_wait3A_640 = arith.constant 0 : i32
      %dma_wait3A_641 = tpu.memref_slice %arg13[%add3A_522, %dma_wait3A_640] : memref<10240x128xf32, #tpu.memory_space<vmem_shared>> -> memref<80x128xf32, #tpu.memory_space<vmem_shared>>
      tpu.wait_dma2 semaphore(%run_scoped3A_621 : memref<!tpu.dma_semaphore, #tpu.memory_space<semaphore_mem>>) src(%dma_wait3A_641 : memref<80x128xf32, #tpu.memory_space<vmem_shared>>) dst(%dma_wait3A_639 : memref<80x128xf32, #tpu.memory_space<vmem>>)
      tpu.yield
    }) : () -> ()
    %mul3A_540 = arith.constant 10240 : i32
    %mul3A_541 = arith.muli %arg0, %mul3A_540 : i32
    %add3A_542 = arith.addi %mul3A_541, %add3A_522 : i32
    %dma_start3A_543 = arith.constant 0 : i32
    %dma_start3A_544 = arith.constant 0 : i32
    %dma_start3A_545 = tpu.memref_slice %arg10[%dma_start3A_543, %dma_start3A_544] : memref<125x128xf32, #tpu.memory_space<vmem>> -> memref<80x128xf32, #tpu.memory_space<vmem>>
    %dma_start3A_546 = arith.constant 0 : i32
    %dma_start3A_547 = tpu.memref_slice %arg5[%add3A_542, %dma_start3A_546] : memref<20480x128xf32, #tpu.memory_space<hbm>> -> memref<80x128xf32, #tpu.memory_space<hbm>>
    %dma_start3A_548 = arith.constant 0 : i32
    %dma_start3A_549 = tpu.memref_slice %arg5[%add3A_542, %dma_start3A_548] : memref<20480x128xf32, #tpu.memory_space<hbm>> -> memref<80x128xf32, #tpu.memory_space<hbm>>
    %dma_start3A_550 = arith.constant 0 : i32
    %dma_start3A_551 = arith.constant 0 : i32
    %dma_start3A_552 = tpu.memref_slice %arg10[%dma_start3A_550, %dma_start3A_551] : memref<125x128xf32, #tpu.memory_space<vmem>> -> memref<80x128xf32, #tpu.memory_space<vmem>>
    tpu.enqueue_dma source(%dma_start3A_552 : memref<80x128xf32, #tpu.memory_space<vmem>>) target(%dma_start3A_549 : memref<80x128xf32, #tpu.memory_space<hbm>>) target_semaphore(%arg14 : memref<!tpu.dma_semaphore, #tpu.memory_space<semaphore_mem>>)
    %mul3A_553 = arith.constant 640 : i32
    %mul3A_554 = arith.muli %arg1, %mul3A_553 : i32
    %add3A_555 = arith.constant 560 : i32
    %add3A_556 = arith.addi %mul3A_554, %add3A_555 : i32
    %mul3A_557 = arith.constant 640 : i32
    %mul3A_558 = arith.muli %arg1, %mul3A_557 : i32
    %add3A_559 = arith.constant 400 : i32
    %add3A_560 = arith.addi %mul3A_558, %add3A_559 : i32
    %mul3A_561 = arith.constant 10240 : i32
    %mul3A_562 = arith.muli %arg0, %mul3A_561 : i32
    %add3A_563 = arith.addi %mul3A_562, %add3A_560 : i32
    %dma_wait3A_564 = arith.constant 0 : i32
    %dma_wait3A_565 = arith.constant 0 : i32
    %dma_wait3A_566 = tpu.memref_slice %arg11[%dma_wait3A_564, %dma_wait3A_565] : memref<125x128xf32, #tpu.memory_space<vmem>> -> memref<80x128xf32, #tpu.memory_space<vmem>>
    %dma_wait3A_567 = arith.constant 0 : i32
    %dma_wait3A_568 = tpu.memref_slice %arg5[%add3A_563, %dma_wait3A_567] : memref<20480x128xf32, #tpu.memory_space<hbm>> -> memref<80x128xf32, #tpu.memory_space<hbm>>
    %dma_wait3A_569 = arith.constant 0 : i32
    %dma_wait3A_570 = tpu.memref_slice %arg5[%add3A_563, %dma_wait3A_569] : memref<20480x128xf32, #tpu.memory_space<hbm>> -> memref<80x128xf32, #tpu.memory_space<hbm>>
    %dma_wait3A_571 = arith.constant 0 : i32
    %dma_wait3A_572 = arith.constant 0 : i32
    %dma_wait3A_573 = tpu.memref_slice %arg11[%dma_wait3A_571, %dma_wait3A_572] : memref<125x128xf32, #tpu.memory_space<vmem>> -> memref<80x128xf32, #tpu.memory_space<vmem>>
    tpu.wait_dma2 semaphore(%arg15 : memref<!tpu.dma_semaphore, #tpu.memory_space<semaphore_mem>>) src(%dma_wait3A_573 : memref<80x128xf32, #tpu.memory_space<vmem>>) dst(%dma_wait3A_570 : memref<80x128xf32, #tpu.memory_space<hbm>>)
    "tpu.region"() ({
      %run_scoped3A_621 = tpu.sem_alloc : memref<!tpu.dma_semaphore, #tpu.memory_space<semaphore_mem>>
      %dma_start3A_622 = arith.constant 0 : i32
      %dma_start3A_623 = arith.constant 0 : i32
      %dma_start3A_624 = tpu.memref_slice %arg11[%dma_start3A_622, %dma_start3A_623] : memref<125x128xf32, #tpu.memory_space<vmem>> -> memref<80x128xf32, #tpu.memory_space<vmem>>
      %dma_start3A_625 = arith.constant 0 : i32
      %dma_start3A_626 = tpu.memref_slice %arg13[%add3A_556, %dma_start3A_625] : memref<10240x128xf32, #tpu.memory_space<vmem_shared>> -> memref<80x128xf32, #tpu.memory_space<vmem_shared>>
      %dma_start3A_627 = arith.constant 0 : i32
      %dma_start3A_628 = arith.constant 0 : i32
      %dma_start3A_629 = tpu.memref_slice %arg11[%dma_start3A_627, %dma_start3A_628] : memref<125x128xf32, #tpu.memory_space<vmem>> -> memref<80x128xf32, #tpu.memory_space<vmem>>
      %dma_start3A_630 = arith.constant 0 : i32
      %dma_start3A_631 = tpu.memref_slice %arg13[%add3A_556, %dma_start3A_630] : memref<10240x128xf32, #tpu.memory_space<vmem_shared>> -> memref<80x128xf32, #tpu.memory_space<vmem_shared>>
      tpu.enqueue_dma source(%dma_start3A_631 : memref<80x128xf32, #tpu.memory_space<vmem_shared>>) target(%dma_start3A_629 : memref<80x128xf32, #tpu.memory_space<vmem>>) target_semaphore(%run_scoped3A_621 : memref<!tpu.dma_semaphore, #tpu.memory_space<semaphore_mem>>)
      %dma_wait3A_632 = arith.constant 0 : i32
      %dma_wait3A_633 = arith.constant 0 : i32
      %dma_wait3A_634 = tpu.memref_slice %arg11[%dma_wait3A_632, %dma_wait3A_633] : memref<125x128xf32, #tpu.memory_space<vmem>> -> memref<80x128xf32, #tpu.memory_space<vmem>>
      %dma_wait3A_635 = arith.constant 0 : i32
      %dma_wait3A_636 = tpu.memref_slice %arg13[%add3A_556, %dma_wait3A_635] : memref<10240x128xf32, #tpu.memory_space<vmem_shared>> -> memref<80x128xf32, #tpu.memory_space<vmem_shared>>
      %dma_wait3A_637 = arith.constant 0 : i32
      %dma_wait3A_638 = arith.constant 0 : i32
      %dma_wait3A_639 = tpu.memref_slice %arg11[%dma_wait3A_637, %dma_wait3A_638] : memref<125x128xf32, #tpu.memory_space<vmem>> -> memref<80x128xf32, #tpu.memory_space<vmem>>
      %dma_wait3A_640 = arith.constant 0 : i32
      %dma_wait3A_641 = tpu.memref_slice %arg13[%add3A_556, %dma_wait3A_640] : memref<10240x128xf32, #tpu.memory_space<vmem_shared>> -> memref<80x128xf32, #tpu.memory_space<vmem_shared>>
      tpu.wait_dma2 semaphore(%run_scoped3A_621 : memref<!tpu.dma_semaphore, #tpu.memory_space<semaphore_mem>>) src(%dma_wait3A_641 : memref<80x128xf32, #tpu.memory_space<vmem_shared>>) dst(%dma_wait3A_639 : memref<80x128xf32, #tpu.memory_space<vmem>>)
      tpu.yield
    }) : () -> ()
    %mul3A_574 = arith.constant 10240 : i32
    %mul3A_575 = arith.muli %arg0, %mul3A_574 : i32
    %add3A_576 = arith.addi %mul3A_575, %add3A_556 : i32
    %dma_start3A_577 = arith.constant 0 : i32
    %dma_start3A_578 = arith.constant 0 : i32
    %dma_start3A_579 = tpu.memref_slice %arg11[%dma_start3A_577, %dma_start3A_578] : memref<125x128xf32, #tpu.memory_space<vmem>> -> memref<80x128xf32, #tpu.memory_space<vmem>>
    %dma_start3A_580 = arith.constant 0 : i32
    %dma_start3A_581 = tpu.memref_slice %arg5[%add3A_576, %dma_start3A_580] : memref<20480x128xf32, #tpu.memory_space<hbm>> -> memref<80x128xf32, #tpu.memory_space<hbm>>
    %dma_start3A_582 = arith.constant 0 : i32
    %dma_start3A_583 = tpu.memref_slice %arg5[%add3A_576, %dma_start3A_582] : memref<20480x128xf32, #tpu.memory_space<hbm>> -> memref<80x128xf32, #tpu.memory_space<hbm>>
    %dma_start3A_584 = arith.constant 0 : i32
    %dma_start3A_585 = arith.constant 0 : i32
    %dma_start3A_586 = tpu.memref_slice %arg11[%dma_start3A_584, %dma_start3A_585] : memref<125x128xf32, #tpu.memory_space<vmem>> -> memref<80x128xf32, #tpu.memory_space<vmem>>
    tpu.enqueue_dma source(%dma_start3A_586 : memref<80x128xf32, #tpu.memory_space<vmem>>) target(%dma_start3A_583 : memref<80x128xf32, #tpu.memory_space<hbm>>) target_semaphore(%arg15 : memref<!tpu.dma_semaphore, #tpu.memory_space<semaphore_mem>>)
    %mul3A_587 = arith.constant 640 : i32
    %mul3A_588 = arith.muli %arg1, %mul3A_587 : i32
    %add3A_589 = arith.constant 480 : i32
    %add3A_590 = arith.addi %mul3A_588, %add3A_589 : i32
    %mul3A_591 = arith.constant 10240 : i32
    %mul3A_592 = arith.muli %arg0, %mul3A_591 : i32
    %add3A_593 = arith.addi %mul3A_592, %add3A_590 : i32
    %dma_wait3A_594 = arith.constant 0 : i32
    %dma_wait3A_595 = arith.constant 0 : i32
    %dma_wait3A_596 = tpu.memref_slice %arg10[%dma_wait3A_594, %dma_wait3A_595] : memref<125x128xf32, #tpu.memory_space<vmem>> -> memref<80x128xf32, #tpu.memory_space<vmem>>
    %dma_wait3A_597 = arith.constant 0 : i32
    %dma_wait3A_598 = tpu.memref_slice %arg5[%add3A_593, %dma_wait3A_597] : memref<20480x128xf32, #tpu.memory_space<hbm>> -> memref<80x128xf32, #tpu.memory_space<hbm>>
    %dma_wait3A_599 = arith.constant 0 : i32
    %dma_wait3A_600 = tpu.memref_slice %arg5[%add3A_593, %dma_wait3A_599] : memref<20480x128xf32, #tpu.memory_space<hbm>> -> memref<80x128xf32, #tpu.memory_space<hbm>>
    %dma_wait3A_601 = arith.constant 0 : i32
    %dma_wait3A_602 = arith.constant 0 : i32
    %dma_wait3A_603 = tpu.memref_slice %arg10[%dma_wait3A_601, %dma_wait3A_602] : memref<125x128xf32, #tpu.memory_space<vmem>> -> memref<80x128xf32, #tpu.memory_space<vmem>>
    tpu.wait_dma2 semaphore(%arg14 : memref<!tpu.dma_semaphore, #tpu.memory_space<semaphore_mem>>) src(%dma_wait3A_603 : memref<80x128xf32, #tpu.memory_space<vmem>>) dst(%dma_wait3A_600 : memref<80x128xf32, #tpu.memory_space<hbm>>)
    %mul3A_604 = arith.constant 640 : i32
    %mul3A_605 = arith.muli %arg1, %mul3A_604 : i32
    %add3A_606 = arith.constant 560 : i32
    %add3A_607 = arith.addi %mul3A_605, %add3A_606 : i32
    %mul3A_608 = arith.constant 10240 : i32
    %mul3A_609 = arith.muli %arg0, %mul3A_608 : i32
    %add3A_610 = arith.addi %mul3A_609, %add3A_607 : i32
    %dma_wait3A_611 = arith.constant 0 : i32
    %dma_wait3A_612 = arith.constant 0 : i32
    %dma_wait3A_613 = tpu.memref_slice %arg11[%dma_wait3A_611, %dma_wait3A_612] : memref<125x128xf32, #tpu.memory_space<vmem>> -> memref<80x128xf32, #tpu.memory_space<vmem>>
    %dma_wait3A_614 = arith.constant 0 : i32
    %dma_wait3A_615 = tpu.memref_slice %arg5[%add3A_610, %dma_wait3A_614] : memref<20480x128xf32, #tpu.memory_space<hbm>> -> memref<80x128xf32, #tpu.memory_space<hbm>>
    %dma_wait3A_616 = arith.constant 0 : i32
    %dma_wait3A_617 = tpu.memref_slice %arg5[%add3A_610, %dma_wait3A_616] : memref<20480x128xf32, #tpu.memory_space<hbm>> -> memref<80x128xf32, #tpu.memory_space<hbm>>
    %dma_wait3A_618 = arith.constant 0 : i32
    %dma_wait3A_619 = arith.constant 0 : i32
    %dma_wait3A_620 = tpu.memref_slice %arg11[%dma_wait3A_618, %dma_wait3A_619] : memref<125x128xf32, #tpu.memory_space<vmem>> -> memref<80x128xf32, #tpu.memory_space<vmem>>
    tpu.wait_dma2 semaphore(%arg15 : memref<!tpu.dma_semaphore, #tpu.memory_space<semaphore_mem>>) src(%dma_wait3A_620 : memref<80x128xf32, #tpu.memory_space<vmem>>) dst(%dma_wait3A_617 : memref<80x128xf32, #tpu.memory_space<hbm>>)
    return
  }
}

module attributes {stable_mosaic.version = 14 : i64} {
  func.func @_mm_body(%arg0: i32, %arg1: memref<2000x128xf32, #tpu.memory_space<vmem>>, %arg2: memref<128x128xf32, #tpu.memory_space<vmem>>, %arg3: memref<2000x1xf32, #tpu.memory_space<vmem>>, %arg4: memref<2000x128xf32, #tpu.memory_space<vmem>>) attributes {dimension_semantics = [#tpu.dimension_semantics<arbitrary>], iteration_bounds = array<i64: 5>, scalar_prefetch = 0 : i64, scratch_operands = 0 : i64, tpu.core_type = #tpu.core_type<tc>, window_params = [{transform_indices = @transform_0, window_bounds = array<i64: 2000, 128>}, {pipeline_mode = #tpu.pipeline_mode<synchronous>, transform_indices = @transform_1, window_bounds = array<i64: 128, 128>}, {transform_indices = @transform_2, window_bounds = array<i64: 2000, 1>}, {transform_indices = @transform_3, window_bounds = array<i64: 2000, 128>}]} {
    %get3A = arith.constant 0 : index
    %get3A_0 = arith.constant 0 : index
    %get3A_1 = vector.load %arg1[%get3A, %get3A_0] : memref<2000x128xf32, #tpu.memory_space<vmem>>, vector<2000x128xf32>
    %get3A_2 = arith.constant 0 : index
    %get3A_3 = arith.constant 0 : index
    %get3A_4 = vector.load %arg2[%get3A_2, %get3A_3] : memref<128x128xf32, #tpu.memory_space<vmem>>, vector<128x128xf32>
    %dot_general3A = arith.constant dense<0.000000e+00> : vector<2000x128xf32>
    %dot_general3A_5 = tpu.matmul %get3A_1, %get3A_4, %dot_general3A {dimension_numbers = #tpu.dot_dimension_numbers<[1], [0], [0], [1], [0, 0, 1, 1], [], []>, transpose_lhs_hint = false} : vector<2000x128xf32>, vector<128x128xf32>, vector<2000x128xf32> -> vector<2000x128xf32>
    %get3A_6 = arith.constant 0 : index
    %get3A_7 = arith.constant 0 : index
    %get3A_8 = vector.load %arg3[%get3A_6, %get3A_7] : memref<2000x1xf32, #tpu.memory_space<vmem>>, vector<2000x1xf32>
    %mul3A = vector.broadcast %get3A_8 : vector<2000x1xf32> to vector<2000x128xf32>
    %mul3A_9 = arith.mulf %dot_general3A_5, %mul3A : vector<2000x128xf32>
    %swap3A = arith.constant 0 : index
    %swap3A_10 = arith.constant 0 : index
    %swap3A_11 = vector.load %arg4[%swap3A, %swap3A_10] : memref<2000x128xf32, #tpu.memory_space<vmem>>, vector<2000x128xf32>
    tpu.vector_store %arg4[%swap3A, %swap3A_10], %mul3A_9 {strides = array<i32>} : memref<2000x128xf32, #tpu.memory_space<vmem>>, vector<2000x128xf32>,
    return
  }
  func.func @transform_0(%arg0: i32) -> (i32, i32) {
    %c0_i32 = arith.constant 0 : i32
    %c0_i32_0 = arith.constant 0 : i32
    return %arg0, %c0_i32 : i32, i32
  }
  func.func @transform_1(%arg0: i32) -> (i32, i32) {
    %c0_i32 = arith.constant 0 : i32
    %c0_i32_0 = arith.constant 0 : i32
    %c0_i32_1 = arith.constant 0 : i32
    return %c0_i32, %c0_i32_0 : i32, i32
  }
  func.func @transform_2(%arg0: i32) -> (i32, i32) {
    %c0_i32 = arith.constant 0 : i32
    %c0_i32_0 = arith.constant 0 : i32
    return %arg0, %c0_i32 : i32, i32
  }
  func.func @transform_3(%arg0: i32) -> (i32, i32) {
    %c0_i32 = arith.constant 0 : i32
    %c0_i32_0 = arith.constant 0 : i32
    return %arg0, %c0_i32 : i32, i32
  }
}

module attributes {stable_mosaic.version = 14 : i64} {
  func.func @_post_body(%arg0: i32, %arg1: memref<2x2000x128xf32, #tpu.memory_space<vmem>>, %arg2: memref<2000x1xf32, #tpu.memory_space<vmem>>, %arg3: memref<1x128xf32, #tpu.memory_space<vmem>>, %arg4: memref<2000x128xf32, #tpu.memory_space<vmem>>) attributes {dimension_semantics = [#tpu.dimension_semantics<arbitrary>], iteration_bounds = array<i64: 5>, scalar_prefetch = 0 : i64, scratch_operands = 0 : i64, tpu.core_type = #tpu.core_type<tc>, window_params = [{transform_indices = @transform_0, window_bounds = array<i64: 2, 2000, 128>}, {transform_indices = @transform_1, window_bounds = array<i64: 2000, 1>}, {pipeline_mode = #tpu.pipeline_mode<synchronous>, transform_indices = @transform_2, window_bounds = array<i64: 1, 128>}, {transform_indices = @transform_3, window_bounds = array<i64: 2000, 128>}]} {
    %get3A = arith.constant 0 : index
    %get3A_0 = arith.constant 0 : index
    %get3A_1 = arith.constant 0 : index
    %get3A_2 = vector.load %arg1[%get3A, %get3A_0, %get3A_1] : memref<2x2000x128xf32, #tpu.memory_space<vmem>>, vector<1x2000x128xf32>
    %get3A_3 = vector.shape_cast %get3A_2 : vector<1x2000x128xf32> to vector<2000x128xf32>
    %get3A_4 = arith.constant 1 : index
    %get3A_5 = arith.constant 0 : index
    %get3A_6 = arith.constant 0 : index
    %get3A_7 = vector.load %arg1[%get3A_4, %get3A_5, %get3A_6] : memref<2x2000x128xf32, #tpu.memory_space<vmem>>, vector<1x2000x128xf32>
    %get3A_8 = vector.shape_cast %get3A_7 : vector<1x2000x128xf32> to vector<2000x128xf32>
    %add3A = arith.addf %get3A_3, %get3A_8 : vector<2000x128xf32>
    %get3A_9 = arith.constant 0 : index
    %get3A_10 = arith.constant 0 : index
    %get3A_11 = vector.load %arg2[%get3A_9, %get3A_10] : memref<2000x1xf32, #tpu.memory_space<vmem>>, vector<2000x1xf32>
    %mul3A = vector.broadcast %get3A_11 : vector<2000x1xf32> to vector<2000x128xf32>
    %mul3A_12 = arith.mulf %add3A, %mul3A : vector<2000x128xf32>
    %get3A_13 = arith.constant 0 : index
    %get3A_14 = arith.constant 0 : index
    %get3A_15 = vector.load %arg3[%get3A_13, %get3A_14] : memref<1x128xf32, #tpu.memory_space<vmem>>, vector<1x128xf32>
    %add3A_16 = vector.broadcast %get3A_15 : vector<1x128xf32> to vector<2000x128xf32>
    %add3A_17 = arith.addf %mul3A_12, %add3A_16 : vector<2000x128xf32>
    %swap3A = arith.constant 0 : index
    %swap3A_18 = arith.constant 0 : index
    %swap3A_19 = vector.load %arg4[%swap3A, %swap3A_18] : memref<2000x128xf32, #tpu.memory_space<vmem>>, vector<2000x128xf32>
    tpu.vector_store %arg4[%swap3A, %swap3A_18], %add3A_17 {strides = array<i32>} : memref<2000x128xf32, #tpu.memory_space<vmem>>, vector<2000x128xf32>,
    return
  }
  func.func @transform_0(%arg0: i32) -> (i32, i32, i32) {
    %c0_i32 = arith.constant 0 : i32
    %c0_i32_0 = arith.constant 0 : i32
    %c0_i32_1 = arith.constant 0 : i32
    return %c0_i32, %arg0, %c0_i32_0 : i32, i32, i32
  }
  func.func @transform_1(%arg0: i32) -> (i32, i32) {
    %c0_i32 = arith.constant 0 : i32
    %c0_i32_0 = arith.constant 0 : i32
    return %arg0, %c0_i32 : i32, i32
  }
  func.func @transform_2(%arg0: i32) -> (i32, i32) {
    %c0_i32 = arith.constant 0 : i32
    %c0_i32_0 = arith.constant 0 : i32
    %c0_i32_1 = arith.constant 0 : i32
    return %c0_i32, %c0_i32_0 : i32, i32
  }
  func.func @transform_3(%arg0: i32) -> (i32, i32) {
    %c0_i32 = arith.constant 0 : i32
    %c0_i32_0 = arith.constant 0 : i32
    return %arg0, %c0_i32 : i32, i32
  }
}

</mosaic_0001>

<sc_bundles>
// kernel: kernel.5.cloned.1.call-start
scs
__scs_entry_jumppad:
0x0: {  	(pc) =	sbr.rel $0x88, $3  }
0x1: {  	(tag) =	ssettag $0x0;
	lr =	simm.s32 $0x1  }
0x2: {  	[smem:$0x3F9C] =	sst lr;
	_ =	strace $0xD0000000  }
0x3: {  	_ = 	snop  }
0x4: {  	_ = 	snop  }
0x5: {  	_ = 	snop  }
0x6: {  	_ = 	snop  }
0x7: {  	_ = 	snop  }
__scs_overlays_trampoline_lowered:
0x8: {  	[smem:$0x3FAB] =	sst s0  }
0x9: {  	[smem:$0x3FAC] =	sst s1  }
0xa: {  	[smem:$0x3FAD] =	sst s2  }
0xb: {  	[smem:$0x3FAE] =	sst s3  }
0xc: {  	[smem:$0x3FAF] =	sst s4  }
0xd: {  	[smem:$0x3FB0] =	sst s5  }
0xe: {  	[smem:$0x3FB1] =	sst s6  }
0xf: {  	[smem:$0x3FB2] =	sst s7  }
0x10: {  	[smem:$0x3FB3] =	sst s8  }
0x11: {  	[smem:$0x3FB4] =	sst s9;
	s0 =	simm.s32 @!p0 $0x0  }
0x12: {  	s1 =	sld [smem:$0x3F9A];
	s0 =	simm.s32 @p0 $0x1  }
0x13: {  	[smem:$0x3FB5] =	sst s0;
	s0 =	simm.s32 @!p1 $0x0  }
0x14: {  	s2 =	sld [smem:$0x3F99];
	s0 =	simm.s32 @p1 $0x1  }
0x15: {  	[smem:$0x3FB6] =	sst s0;
	s0 =	simm.s32 @!p2 $0x0  }
0x16: {  	s3 =	sld [smem:$0x3FDB];
	s0 =	simm.s32 @p2 $0x1  }
0x17: {  	s4 =	simm.s32 $0x1BF5;
	[smem:$0x3FB8] =	sst s0  }
0x18: {  	s0 =	sld [smem:$0x3F9B];
	_ =	swait.ge [sflag:s4], $0x0  }
0x19: {  	s7 =	sld [smem:$0x3F9C]  }
0x1a: {  	s8 =	sadd.s32 $0xFFFFE003, lr  }
0x1b: {  	s9 =	sadd.s32 $0xFFFFFEF7, lr;
	s5 =	simm.s32 $0xFFFFFFFF;
	p2 =	slt.u32 s8, $0xFFFFF086  }
0x1c: {  	p1 =	slt.u32 s9, $0xF7A;
	s5 =	simm.s32 @!p2 $0x0  }
0x1d: {  	s5 =	simm.s32 @p1 $0x1;
	p0 =	seq.s32 s7, s2  }
0x1e: {  	s7 =	smul.u32 @!p0 $0xF7A, s2;
	p2 =	seq.s32 @!p0 s5, $0x0  }
0x1f: {  	s9 =	smul.u32 $0xF7A, s1;
	s8 =	simm.s32 @!p0 $0x1BF5;
	p2 =	por !p2, p0  }
0x20: {  	[sflag:s8] =	ssyncset.s32 @!p0 $0xFFFFF086;
	s6 =	sadd.s32 @!p0 s3, s7;
	s7 =	simm.s32 @!p0 $0x108  }
0x21: {  	s3 =	sadd.s32 s3, s9;
	s6 =	sadd.s32 @!p0 $0x88, s6;
	s7 =	simm.s32 @p2 $0x1082  }
0x22: {  	[simem:s7], [sflag:s8] =	dma.local @!p0 [hbm:s6], $0xF7A  }
0x23: {  	s9 =	sor.u32 $0xD0000000, s2;
	s6 =	simm.s32 $0x108;
	_ =	swait.ge @!p0 [sflag:s8], $0x0  }
0x24: {  	s3 =	sadd.s32 $0x88, s3;
	s6 =	simm.s32 @!p1 $0x1082;
	[sflag:s4] =	ssyncset.s32 $0xFFFFF086  }
0x25: {  	[simem:s6], [sflag:s4] =	dma.local [hbm:s3], $0xF7A  }
0x26: {  	[smem:$0x3F9C] =	sst s1;
	(tag) =	ssettag s2;
	_ =	strace s9  }
0x27: {  	s1 =	sld [smem:$0x3FAC]  }
0x28: {  	s2 =	sld [smem:$0x3FAD]  }
0x29: {  	s4 =	sld [smem:$0x3FAF]  }
0x2a: {  	p0 =	seq.s32 s5, $0x0;
	s5 =	sld [smem:$0x3FB0]  }
0x2b: {  	s6 =	sld [smem:$0x3FB1]  }
0x2c: {  	s7 =	sld [smem:$0x3FB2]  }
0x2d: {  	s3 =	simm.s32 $0x108;
	s8 =	sld [smem:$0x3FB3]  }
0x2e: {  	s3 =	simm.s32 @!p0 $0x1082;
	s9 =	sld [smem:$0x3FB4]  }
0x2f: {  	lr =	sadd.s32 s0, s3;
	s0 =	sld [smem:$0x3FAB]  }
0x30: {  	s3 =	sld [smem:$0x3FAE]  }
0x31: {  	[smem:$0x3FB7] =	sst s10  }
0x32: {  	s10 =	sld [smem:$0x3FB5];
	_ =	sdelay $0x3  }
0x33: {  	p0 =	seq.s32 s10, $0x1;
	s10 =	sld [smem:$0x3FB7];
	_ =	sdelay $0x3  }
0x34: {  	[smem:$0x3FB7] =	sst s10  }
0x35: {  	s10 =	sld [smem:$0x3FB6];
	_ =	sdelay $0x3  }
0x36: {  	p1 =	seq.s32 s10, $0x1;
	s10 =	sld [smem:$0x3FB7];
	_ =	sdelay $0x3  }
0x37: {  	[smem:$0x3FB7] =	sst s10  }
0x38: {  	s10 =	sld [smem:$0x3FB8]  }
0x39: {  	_ = 	snop;
	(pc) =	sbr.ind lr, $3  }
0x3a: {  	_ = 	snop  }
0x3b: {  	_ = 	snop  }
0x3c: {  	p2 =	seq.s32 s10, $0x1;
	s10 =	sld [smem:$0x3FB7]  }
0x3d: {  	_ =	shalt  }
0x3e: {  	_ =	shalt  }
0x3f: {  	_ =	shalt  }
0x40: {  	_ =	shalt  }
0x41: {  	_ =	shalt  }
0x42: {  	_ =	shalt  }
0x43: {  	_ =	shalt  }
0x44: {  	_ =	shalt  }
0x45: {  	_ =	shalt  }
0x46: {  	_ =	shalt  }
0x47: {  	_ =	shalt  }
0x48: {  	_ =	shalt  }
0x49: {  	_ =	shalt  }
0x4a: {  	_ =	shalt  }
0x4b: {  	_ =	shalt  }
0x4c: {  	_ =	shalt  }
0x4d: {  	_ =	shalt  }
0x4e: {  	_ =	shalt  }
0x4f: {  	_ =	shalt  }
0x50: {  	_ =	shalt  }
0x51: {  	_ =	shalt  }
0x52: {  	_ =	shalt  }
0x53: {  	_ =	shalt  }
0x54: {  	_ =	shalt  }
0x55: {  	_ =	shalt  }
0x56: {  	_ =	shalt  }
0x57: {  	_ =	shalt  }
0x58: {  	_ =	shalt  }
0x59: {  	_ =	shalt  }
0x5a: {  	_ =	shalt  }
0x5b: {  	_ =	shalt  }
0x5c: {  	_ =	shalt  }
0x5d: {  	_ =	shalt  }
0x5e: {  	_ =	shalt  }
0x5f: {  	_ =	shalt  }
0x60: {  	_ =	shalt  }
0x61: {  	_ =	shalt  }
0x62: {  	_ =	shalt  }
0x63: {  	_ =	shalt  }
0x64: {  	_ =	shalt  }
0x65: {  	_ =	shalt  }
0x66: {  	_ =	shalt  }
0x67: {  	_ =	shalt  }
0x68: {  	_ =	shalt  }
0x69: {  	_ =	shalt  }
0x6a: {  	_ =	shalt  }
0x6b: {  	_ =	shalt  }
0x6c: {  	_ =	shalt  }
0x6d: {  	_ =	shalt  }
0x6e: {  	_ =	shalt  }
0x6f: {  	_ =	shalt  }
0x70: {  	_ =	shalt  }
0x71: {  	_ =	shalt  }
0x72: {  	_ =	shalt  }
0x73: {  	_ =	shalt  }
0x74: {  	_ =	shalt  }
0x75: {  	_ =	shalt  }
0x76: {  	_ =	shalt  }
0x77: {  	_ =	shalt  }
0x78: {  	_ =	shalt  }
0x79: {  	_ =	shalt  }
0x7a: {  	_ =	shalt  }
0x7b: {  	_ =	shalt  }
0x7c: {  	_ =	shalt  }
0x7d: {  	_ =	shalt  }
0x7e: {  	_ =	shalt  }
0x7f: {  	_ =	shalt  }
0x80: {  	_ =	shalt  }
0x81: {  	_ =	shalt  }
0x82: {  	_ =	shalt  }
0x83: {  	_ =	shalt  }
0x84: {  	_ =	shalt  }
0x85: {  	_ =	shalt  }
0x86: {  	_ =	shalt  }
0x87: {  	_ =	shalt  }
.Lfunc_end0:
.L_simem_size_0:
called_computation_lowered:
.L_overlay_start_0:
0x88: {  	s2 =	sld [smem:$0x3FD9]  }
0x89: {  	s3 =	sld [smem:$0x3FFE];
	_ =	sdelay $0x1  }
0x8a: {  	s1 =	srdreg.scid  }
0x8b: {  	s0 =	sand.u32 $0x1, s1  }
0x8c: {  	s17 =	sshll.u32 s0, $0xA;
	s2 =	sadd.s32 s3, s2  }
0x8d: {  	s2 =	sadd.s32 s2, s17  }
0x8e: {  	[smem:$0x3FC3] =	sst s2  }
0x8f: {  	_ = 	snop  }
0x90: {  	s2 =	sld [smem:$0x3FD0];
	(tm) =	ssettm $0x1  }
0x91: {  	s18 =	sld [smem:$0x3FFB];
	_ =	sdelay $0x3  }
0x92: {  	_ =	strace s18  }
0x93: {  	s3 =	sld [smem:$0x3FFC];
	_ =	sdelay $0x3  }
0x94: {  	_ =	strace s3  }
0x95: {  	s3 =	sld [smem:$0x3FFD];
	_ =	sdelay $0x3  }
0x96: {  	_ =	strace s3  }
0x97: {  	_ =	strace $0x8FFFFFFF  }
0x98: {  	s19 =	sld [smem:$0x3FDB];
	_ =	sdelay $0x1  }
0x99: {  	s4 =	simm.s32 $_scs_section_size  }
0x9a: {  	s5 =	simm.s32 $_size__tile_overlayer_lowered;
	s6 =	simm.s32 $_tile_overlayer_lowered  }
0x9b: {  	s22 =	simm.s32 $0x1BFF;
	s21 =	sshll.u32 s6, $0x1;
	s3 =	sadd.s32 s4, s19  }
0x9c: {  	s7 =	simm.s32 $0x0;
	s20 =	sshll.u32 s5, $0x1;
	s5 =	sadd.s32 s21, s3  }
0x9d: {  	[timem:s7], [sflag:s22] =	dma.local [hbm:s5], s20  }
0x9e: {  	_ =	swait.ge [sflag:s22], s20  }
0x9f: {  	s4 =	ssub.s32 $0x0, s20;
	[sflag:s22] =	ssyncset.done $0x0  }
0xa0: {  	[sflag:s22] =	ssyncadd.s32 s4;
	_ =	sdelay $0x1  }
0xa1: {  	s23 =	simm.s32 $0x1B8B  }
0xa2: {  	_ =	swait.ge [sflag:s23], $0x1  }
0xa3: {  	[sflag:s23] =	ssyncset.done $0x0  }
0xa4: {  	s25 =	simm.s32 $0x1B8E;
	s24 =	sld [smem:$0x3FFE];
	[sflag:s23] =	ssyncadd.s32 $0xFFFFFFFF  }
0xa5: {  	s26 =	simm.s32 $execute0_lowered;
	[smem:$0x3FD2] =	sst s25  }
0xa6: {  	s5 =	sshll.u32 s26, $0x1;
	_ =	strace $0x80000046;
	[dreg:$0x1] =	wrdreg $0xFFFFFFFF  }
0xa7: {  	s28 =	simm.s32 $_size_execute0_lowered;
	s3 =	sadd.s32 s3, s5;
	[dreg:$0x0] =	wrdreg $0x0  }
0xa8: {  	s5 =	sshll.u32 s28, $0x1;
	[dreg:$0x2] =	wrdreg s3  }
0xa9: {  	[dreg:$0x3] =	wrdreg s5  }
0xaa: {  	[dreg:$0x4] =	wrdreg $0xC0  }
0xab: {  	_ =	task [dreg:s7], $0x5FFFF  }
0xac: {  	[dreg:$0x1] =	wrdreg $0xFFFFFFFF  }
0xad: {  	[dreg:$0x0] =	wrdreg $0x60  }
0xae: {  	[dreg:$0x2] =	wrdreg s2  }
0xaf: {  	[dreg:$0x3] =	wrdreg s24  }
0xb0: {  	[dreg:$0x4] =	wrdreg $0xB4000  }
0xb1: {  	[dreg:$0x5] =	wrdreg $0x9  }
0xb2: {  	_ =	task.clear_ibuf [dreg:s7], $0x6FFFF;
	_ =	strace $0x90000046  }
0xb3: {  	s29 =	simm.s32 $0x9;
	_ =	strace $0x80000048  }
0xb4: {  	_ =	swait.ge [sflag:s29], $0x1  }
0xb5: {  	[sflag:s29] =	ssyncadd.s32 $0xFFFFFFFF  }
0xb6: {  	_ =	strace $0x90000048  }
0xb7: {  	_ =	sfence  }
0xb8: {  	s30 =	sld [smem:$0x0];
	_ =	sdelay $0x2  }
0xb9: {  	s31 =	sshll.u32 s1, $0xD;
	s1 =	sshrl.u32 s1, $0x2  }
0xba: {  	s3 =	sand.u32 $0x4000, s31;
	s1 =	sadd.s32 s1, s30  }
0xbb: {  	s0 =	sor.u32 s3, s0;
	s1 =	sshll.u32 s1, $0x11  }
0xbc: {  	s0 =	sor.u32 s1, s0  }
0xbd: {  	s0 =	sadd.s32 $0x8F2B, s0  }
0xbe: {  	[sflag:s0] =	ssyncadd.remote.s32 $0x1  }
0xbf: {  	_ =	sfence.sel $0xFFFF  }
0xc0: {  	[dreg:$0x0] =	wrdreg $0xFFFFFFFF;
	(pc) =	sbr.abs _section_cstart, $3  }
0xc1: {  	[dreg:$0x1] =	wrdreg $0xFFFFFFFF  }
0xc2: {  	_ =	task.clear_ibuf [dreg:s7], $0x2FFFF;
	_ =	strace $0x9FFFFFFF  }
0xc3: {  	(tm) =	ssettm $0x7FFFFFFF  }
tec
execute0_lowered:
.L_overlay_start_1:
0x0: {  	(tag) =	ssettag $0x1  }
0x1: {  	s0 =	srdreg.scid  }
0x2: {  	s13 =	stileid.u32;
	s3 =	rddreg [dreg:$0x1]  }
0x3: {  	s1 =	simm.s32 $0x0;
	s28 =	simm.s32 $0x1380;
	s2 =	sand.u32 $0x1, s0  }
0x4: {  	s29 =	simm.s32 $0x1B00;
	s30 =	simm.s32 $0x1400;
	s0 =	sshll.u32 s2, $0x4  }
0x5: {  	[smem:$0x7FF] =	sst s1;
	s4 =	sadd.s32 $0xAE00, s3;
	s0 =	sor.u32 s13, s0  }
0x6: {  	s6 =	sadd.s32 $0xE00, s3;
	s5 =	ssub.s32 $0x2, s2;
	s0 =	smul.u32 $0x2800, s0  }
0x7: {  	s3 =	sadd.s32 $0x14E00, s3;
	s2 =	smul.u32 $0x2800, s2;
	s7 =	sshrl.u32 s5, $0x1  }
0x8: {  	s8 =	sshrl.u32 s0, $0x3;
	s0 =	ssub.s32 s5, s7;
	s5 =	smul.u32 $0x280, s13  }
0x9: {  	s17 =	sadd.s32 s4, s8;
	s18 =	sadd.s32 s6, s8;
	s19 =	sadd.s32 $0x100, s8  }
0xa: {  	s20 =	sadd.s32 $0x200, s8;
	s22 =	sadd.s32 $0x300, s8;
	[dreg:$0x4] =	wrdreg s17  }
0xb: {  	s24 =	sadd.s32 $0x400, s8;
	[dreg:$0x5] =	wrdreg s18;
	s9 =	sadd.s32 s4, s19  }
0xc: {  	s7 =	sadd.s32 s6, s19;
	s21 =	sadd.s32 s4, s20;
	[dreg:$0x6] =	wrdreg s9  }
0xd: {  	s23 =	sadd.s32 s4, s22;
	s25 =	sadd.s32 s6, s22;
	[dreg:$0x7] =	wrdreg s7  }
0xe: {  	s4 =	sadd.s32 s4, s24;
	s26 =	sadd.s32 s5, s2;
	[dreg:$0x8] =	wrdreg s21  }
0xf: {  	s15 =	sadd.s32 $0xF0, s5;
	s19 =	sadd.s32 $0x140, s5;
	[dreg:$0xa] =	wrdreg s23  }
0x10: {  	s10 =	sadd.s32 $0x190, s5;
	s12 =	sadd.s32 $0x1E0, s5;
	[dreg:$0xb] =	wrdreg s25  }
0x11: {  	s7 =	sadd.s32 s6, s20;
	[dreg:$0xc] =	wrdreg s4;
	s6 =	sadd.s32 s6, s24  }
0x12: {  	s4 =	sshll.u32 s26, $0x4;
	s9 =	sadd.s32 $0xA0, s5;
	s17 =	sadd.s32 s2, s15  }
0x13: {  	s20 =	sadd.s32 s2, s19;
	s11 =	sadd.s32 s2, s10;
	s22 =	sadd.s32 s2, s12  }
0x14: {  	[dreg:$0x9] =	wrdreg s7;
	s7 =	sor.u32 $0x50, s5;
	s4 =	sadd.s32 s3, s4  }
0x15: {  	s14 =	sadd.s32 s2, s9;
	s5 =	sadd.s32 $0x230, s5;
	s8 =	sadd.s32 s2, s7  }
0x16: {  	[dreg:$0xe] =	wrdreg s4;
	s2 =	sadd.s32 s2, s5;
	s4 =	sshll.u32 s8, $0x4  }
0x17: {  	[dreg:$0xd] =	wrdreg s6;
	s2 =	sshll.u32 s2, $0x4;
	s4 =	sadd.s32 s3, s4  }
0x18: {  	s16 =	sshll.u32 s14, $0x4;
	s2 =	sadd.s32 s3, s2;
	[dreg:$0xf] =	wrdreg s4  }
0x19: {  	s18 =	sshll.u32 s17, $0x4;
	s4 =	sadd.s32 s3, s16;
	[dreg:$0x15] =	wrdreg s2  }
0x1a: {  	s31 =	simm.s32 $0x1B80;
	[dreg:$0x10] =	wrdreg s4;
	s4 =	sadd.s32 s3, s18  }
0x1b: {  	s0 =	smax.u32 s0, $0x1;
	[dreg:$0x11] =	wrdreg s4;
	s4 =	sshll.u32 s20, $0x4  }
0x1c: {  	s24 =	smul.u32 $0x50000, s13;
	s18 =	rddreg [dreg:$0x0];
	s4 =	sadd.s32 s3, s4  }
0x1d: {  	s13 =	sshll.u32 s12, $0x7;
	s21 =	sshll.u32 s11, $0x4;
	[dreg:$0x12] =	wrdreg s4  }
0x1e: {  	s23 =	sshll.u32 s22, $0x4;
	s4 =	sadd.s32 s3, s21;
	s21 =	rddreg [dreg:$0x2]  }
0x1f: {  	s26 =	sshll.u32 s7, $0x7;
	[dreg:$0x13] =	wrdreg s4;
	s4 =	sadd.s32 s3, s23  }
0x20: {  	s6 =	sshll.u32 s15, $0x7;
	s2 =	sadd.s32 s26, s21;
	[dreg:$0x14] =	wrdreg s4  }
0x21: {  	s7 =	sadd.s32 s6, s21;
	_ =	strace $0x80000047;
	[dreg:$0x16] =	wrdreg s2  }
0x22: {  	s12 =	simm.s32 $0x3;
	s14 =	sadd.s32 s13, s21;
	[smem:$0x7F7] =	sst s7  }
0x23: {  	s11 =	sshll.u32 s10, $0x7;
	s25 =	sshrl.u32 s24, $0x2;
	[smem:$0x7FA] =	sst s14  }
0x24: {  	s3 =	sshll.u32 s9, $0x7;
	s4 =	sadd.s32 s25, s21;
	[dreg:$0x17] =	wrdreg s0  }
0x25: {  	s10 =	simm.s32 $0x1980;
	s2 =	sadd.s32 s3, s21;
	[smem:$0x7FC] =	sst s4  }
0x26: {  	s15 =	sshll.u32 s5, $0x7;
	s16 =	sadd.s32 $0x1400, s4;
	[smem:$0x7F6] =	sst s2  }
0x27: {  	s8 =	simm.s32 $0x1900;
	s17 =	sadd.s32 $0x2800, s4;
	[dreg:$0x18] =	wrdreg s16  }
0x28: {  	s9 =	sshll.u32 s19, $0x7;
	s19 =	sadd.s32 $0x3C00, s4;
	[dreg:$0x19] =	wrdreg s17  }
0x29: {  	s13 =	simm.s32 $0x7D;
	s20 =	sadd.s32 $0x6400, s4;
	[dreg:$0x1a] =	wrdreg s19  }
0x2a: {  	s22 =	sadd.s32 $0x8C00, s4;
	s23 =	sadd.s32 $0xB400, s4;
	[dreg:$0x1b] =	wrdreg s20  }
0x2b: {  	s24 =	sadd.s32 $0xDC00, s4;
	s25 =	sadd.s32 $0x10400, s4;
	[dreg:$0x1c] =	wrdreg s22  }
0x2c: {  	s26 =	sadd.s32 $0x12C00, s4;
	s0 =	simm.s32 $0x800;
	[dreg:$0x1d] =	wrdreg s23  }
0x2d: {  	s14 =	simm.s32 $0x2000;
	s4 =	simm.s32 $0x0;
	[dreg:$0x1e] =	wrdreg s24  }
0x2e: {  	s7 =	simm.s32 $0x1180;
	s2 =	sadd.s32 s9, s21;
	[dreg:$0x1f] =	wrdreg s25  }
0x2f: {  	[smem:$0x7FD] =	sst s26;
	s16 =	simm.s32 $0x6000;
	s17 =	simm.s32 $0x4  }
0x30: {  	s24 =	simm.s32 $0x1;
	s19 =	simm.s32 $0x5;
	s23 =	simm.s32 $0x1800  }
0x31: {  	s9 =	simm.s32 $0x1200;
	s20 =	simm.s32 $0x1A00;
	s25 =	simm.s32 $0x1300  }
0x32: {  	s26 =	simm.s32 $0x1A80;
	[smem:$0x7F8] =	sst s2;
	s2 =	sadd.s32 s11, s21  }
0x33: {  	s11 =	simm.s32 $0xA000;
	[smem:$0x7F9] =	sst s2;
	s2 =	sadd.s32 s15, s21  }
0x34: {  	v0 =	vimm.f32 $0.0e+00;
	s15 =	simm.s32 $0x1280;
	[smem:$0x7FB] =	sst s2;
	s2 =	simm.s32 $0x2  }
.LBB2_1:
0x35: {  	s5 =	rddreg [dreg:$0x4]  }
0x36: {  	[tilespmem:s1], [sflag:$0x3] =	stream.linear.gather [hbm4b:s5+s1], $0x800, $0x38;
	[tilespmem:$0x1F400] =	vst v63  }
0x37: {  	s22 =	rddreg [dreg:$0x5];
	s6 =	simm.s32 $0x3C0;
	s5 =	simm.s32 $0x70  }
0x38: {  	[tilespmem:s0], [sflag:$0x3] =	stream.linear.gather [hbm4b:s22+s1], $0x800, $0x38;
	[tilespmem:$0x1F400] =	vst v63  }
.LBB2_2:
0x39: {  	p0 =	sne.s32 s6, $0x4FC0;
	[tilespmem:s5+$0xA000] =	vst v0  }
0x3a: {  	[tilespmem:s5+$0x9F90] =	vst v0  }
0x3b: {  	[tilespmem:s5+$0x9FA0] =	vst v0  }
.Ltmp0:
0x3c: {  	[tilespmem:s5+$0x9FB0] =	vst v0;
	(pc) =	sbr.rel @p0 .LBB2_2-.Ltmp0, $4  }
0x3d: {  	[tilespmem:s5+$0x9FC0] =	vst v0  }
0x3e: {  	[tilespmem:s5+$0x9FD0] =	vst v0  }
0x3f: {  	[tilespmem:s5+$0x9FE0] =	vst v0  }
0x40: {  	[tilespmem:s5+$0x9FF0] =	vst v0;
	s5 =	sshra.s32 s6, $0x2;
	s6 =	sadd.s32 $0x200, s6  }
0x41: {  	[tilespmem:s5+$0xA000] =	vst v0  }
0x42: {  	[tilespmem:s5+$0x9F90] =	vst v0  }
0x43: {  	[tilespmem:s5+$0x9FA0] =	vst v0  }
0x44: {  	[tilespmem:s5+$0x9FB0] =	vst v0  }
0x45: {  	[tilespmem:s5+$0x9FC0] =	vst v0  }
0x46: {  	[tilespmem:s5+$0x9FD0] =	vst v0;
	s3 =	sld [smem:$0x7FC]  }
0x47: {  	[tilespmem:s5+$0x9FE0] =	vst v0  }
0x48: {  	[tilespmem:s5+$0x9FF0] =	vst v0;
	s22 =	rddreg [dreg:$0x18]  }
0x49: {  	[spmem:s3] =	stream.linear.scatter [tilespmem:s11], [sflag:$0x4], $0x1400, $0x38;
	[tilespmem:$0x1F400] =	vst v63  }
0x4a: {  	s6 =	rddreg [dreg:$0x1a]  }
0x4b: {  	[spmem:s22] =	stream.linear.scatter [tilespmem:s11], [sflag:$0x4], $0x1400, $0x38;
	[tilespmem:$0x1F400] =	vst v63  }
0x4c: {  	s3 =	rddreg [dreg:$0x19]  }
0x4d: {  	[spmem:s3] =	stream.linear.scatter [tilespmem:s11], [sflag:$0x4], $0x1400, $0x38;
	[tilespmem:$0x1F400] =	vst v63  }
0x4e: {  	s22 =	sld [smem:$0x7F6]  }
0x4f: {  	[spmem:s6] =	stream.linear.scatter [tilespmem:s11], [sflag:$0x4], $0x1400, $0x38;
	[tilespmem:$0x1F400] =	vst v63  }
0x50: {  	s5 =	sld [smem:$0x7F7]  }
0x51: {  	[spmem:s22] =	stream.linear.scatter [tilespmem:s11], [sflag:$0x4], $0x1400, $0x38;
	[tilespmem:$0x1F400] =	vst v63  }
0x52: {  	s3 =	rddreg [dreg:$0x1b]  }
0x53: {  	[spmem:s3] =	stream.linear.scatter [tilespmem:s11], [sflag:$0x4], $0x1400, $0x38;
	[tilespmem:$0x1F400] =	vst v63  }
0x54: {  	s6 =	rddreg [dreg:$0x1c]  }
0x55: {  	[spmem:s5] =	stream.linear.scatter [tilespmem:s11], [sflag:$0x4], $0x1400, $0x38;
	[tilespmem:$0x1F400] =	vst v63  }
0x56: {  	s22 =	sld [smem:$0x7F8]  }
0x57: {  	[spmem:s6] =	stream.linear.scatter [tilespmem:s11], [sflag:$0x4], $0x1400, $0x38;
	[tilespmem:$0x1F400] =	vst v63  }
0x58: {  	s3 =	rddreg [dreg:$0x1d]  }
0x59: {  	[spmem:s22] =	stream.linear.scatter [tilespmem:s11], [sflag:$0x4], $0x1400, $0x38;
	[tilespmem:$0x1F400] =	vst v63  }
0x5a: {  	s5 =	sld [smem:$0x7F9]  }
0x5b: {  	[spmem:s3] =	stream.linear.scatter [tilespmem:s11], [sflag:$0x4], $0x1400, $0x38;
	[tilespmem:$0x1F400] =	vst v63  }
0x5c: {  	s6 =	rddreg [dreg:$0x1e]  }
0x5d: {  	[spmem:s5] =	stream.linear.scatter [tilespmem:s11], [sflag:$0x4], $0x1400, $0x38;
	[tilespmem:$0x1F400] =	vst v63  }
0x5e: {  	s22 =	sld [smem:$0x7FA]  }
0x5f: {  	[spmem:s6] =	stream.linear.scatter [tilespmem:s11], [sflag:$0x4], $0x1400, $0x38;
	[tilespmem:$0x1F400] =	vst v63  }
0x60: {  	s3 =	rddreg [dreg:$0x1f]  }
0x61: {  	[spmem:s22] =	stream.linear.scatter [tilespmem:s11], [sflag:$0x4], $0x1400, $0x38;
	[tilespmem:$0x1F400] =	vst v63  }
0x62: {  	s5 =	sld [smem:$0x7FB]  }
0x63: {  	[spmem:s3] =	stream.linear.scatter [tilespmem:s11], [sflag:$0x4], $0x1400, $0x38;
	[tilespmem:$0x1F400] =	vst v63  }
0x64: {  	s6 =	sld [smem:$0x7FD]  }
0x65: {  	[spmem:s5] =	stream.linear.scatter [tilespmem:s11], [sflag:$0x4], $0x1400, $0x38;
	[tilespmem:$0x1F400] =	vst v63  }
0x66: {  	_ = 	snop  }
0x67: {  	[spmem:s6] =	stream.linear.scatter [tilespmem:s11], [sflag:$0x4], $0x1400, $0x38;
	[tilespmem:$0x1F400] =	vst v63  }
0x68: {  	_ =	swait.ge [sflag:s12], $0x800  }
0x69: {  	[sflag:s12] =	ssyncset.done $0x0  }
0x6a: {  	[sflag:s12] =	ssyncadd.s32 $0xFFFFF800  }
0x6b: {  	_ =	swait.ge [sflag:s12], $0x800  }
0x6c: {  	[sflag:s12] =	ssyncset.done $0x0  }
0x6d: {  	[sflag:s12] =	ssyncadd.s32 $0xFFFFF800  }
0x6e: {  	[tilespmem:s14], [sflag:$0x1] =	stream.indirect.gather [hbm4b:s18+s13], $0x80, s1, s13, $0xb8;
	[tilespmem:$0x1F400] =	vst v63  }
0x6f: {  	s22 =	simm.s32 $0x80  }
0x70: {  	[tilespmem:s16], [sflag:$0x2] =	stream.indirect.gather [hbm4b:s18+s13], $0x80, s22, s13, $0xb8;
	[tilespmem:$0x1F400] =	vst v63  }
0x71: {  	_ =	swait.ge [sflag:s17], $0x1400  }
0x72: {  	[sflag:s17] =	ssyncset.done $0x0  }
0x73: {  	[sflag:s17] =	ssyncadd.s32 $0xFFFFEC00  }
0x74: {  	_ =	swait.ge [sflag:s17], $0x1400  }
0x75: {  	[sflag:s17] =	ssyncset.done $0x0  }
0x76: {  	[sflag:s17] =	ssyncadd.s32 $0xFFFFEC00  }
0x77: {  	_ =	swait.ge [sflag:s17], $0x1400  }
0x78: {  	[sflag:s17] =	ssyncset.done $0x0  }
0x79: {  	[sflag:s17] =	ssyncadd.s32 $0xFFFFEC00  }
0x7a: {  	_ =	swait.ge [sflag:s17], $0x1400  }
0x7b: {  	[sflag:s17] =	ssyncset.done $0x0  }
0x7c: {  	[sflag:s17] =	ssyncadd.s32 $0xFFFFEC00  }
0x7d: {  	_ =	swait.ge [sflag:s17], $0x1400  }
0x7e: {  	[sflag:s17] =	ssyncset.done $0x0  }
0x7f: {  	[sflag:s17] =	ssyncadd.s32 $0xFFFFEC00  }
0x80: {  	_ =	swait.ge [sflag:s17], $0x1400  }
0x81: {  	[sflag:s17] =	ssyncset.done $0x0  }
0x82: {  	[sflag:s17] =	ssyncadd.s32 $0xFFFFEC00  }
0x83: {  	_ =	swait.ge [sflag:s17], $0x1400  }
0x84: {  	[sflag:s17] =	ssyncset.done $0x0  }
0x85: {  	[sflag:s17] =	ssyncadd.s32 $0xFFFFEC00  }
0x86: {  	_ =	swait.ge [sflag:s17], $0x1400  }
0x87: {  	[sflag:s17] =	ssyncset.done $0x0  }
0x88: {  	[sflag:s17] =	ssyncadd.s32 $0xFFFFEC00  }
0x89: {  	_ =	swait.ge [sflag:s17], $0x1400  }
0x8a: {  	[sflag:s17] =	ssyncset.done $0x0  }
0x8b: {  	[sflag:s17] =	ssyncadd.s32 $0xFFFFEC00  }
0x8c: {  	_ =	swait.ge [sflag:s17], $0x1400  }
0x8d: {  	[sflag:s17] =	ssyncset.done $0x0  }
0x8e: {  	[sflag:s17] =	ssyncadd.s32 $0xFFFFEC00  }
0x8f: {  	_ =	swait.ge [sflag:s17], $0x1400  }
0x90: {  	[sflag:s17] =	ssyncset.done $0x0  }
0x91: {  	[sflag:s17] =	ssyncadd.s32 $0xFFFFEC00  }
0x92: {  	_ =	swait.ge [sflag:s17], $0x1400  }
0x93: {  	[sflag:s17] =	ssyncset.done $0x0  }
0x94: {  	[sflag:s17] =	ssyncadd.s32 $0xFFFFEC00  }
0x95: {  	_ =	swait.ge [sflag:s17], $0x1400  }
0x96: {  	[sflag:s17] =	ssyncset.done $0x0  }
0x97: {  	[sflag:s17] =	ssyncadd.s32 $0xFFFFEC00  }
0x98: {  	_ =	swait.ge [sflag:s17], $0x1400  }
0x99: {  	[sflag:s17] =	ssyncset.done $0x0  }
0x9a: {  	[sflag:s17] =	ssyncadd.s32 $0xFFFFEC00  }
0x9b: {  	_ =	swait.ge [sflag:s17], $0x1400  }
0x9c: {  	[sflag:s17] =	ssyncset.done $0x0  }
0x9d: {  	[sflag:s17] =	ssyncadd.s32 $0xFFFFEC00  }
0x9e: {  	_ =	swait.ge [sflag:s17], $0x1400  }
0x9f: {  	[sflag:s17] =	ssyncset.done $0x0  }
0xa0: {  	[sflag:s17] =	ssyncadd.s32 $0xFFFFEC00  }
0xa1: {  	[bflag:$0x0] =	sbarrier.arrive $0xFFFF  }
0xa2: {  	s22 =	simm.s32 $0x1000;
	s3 =	rddreg [dreg:$0x6]  }
0xa3: {  	[tilespmem:s22], [sflag:$0x4] =	stream.linear.gather [hbm4b:s3+s1], $0x800, $0x38;
	[tilespmem:$0x1F400] =	vst v63  }
0xa4: {  	s6 =	rddreg [dreg:$0x7]  }
0xa5: {  	[tilespmem:s23], [sflag:$0x4] =	stream.linear.gather [hbm4b:s6+s1], $0x800, $0x38;
	[tilespmem:$0x1F400] =	vst v63  }
0xa6: {  	_ =	swait.ge [sflag:s24], $0x3E80  }
0xa7: {  	[sflag:s24] =	ssyncset.done $0x0  }
0xa8: {  	[sflag:s24] =	ssyncadd.s32 $0xFFFFC180  }
0xa9: {  	[spmem:s21] =	stream.indirect.scatter.add.f32 [tilespmem:s14], [sflag:$0x5], $0x80, s0, s13, $0xb8;
	[tilespmem:$0x1F400] =	vst v63  }
0xaa: {  	_ =	swait.ge [sflag:s19], $0x3E80  }
0xab: {  	[sflag:s19] =	ssyncset.done $0x0  }
0xac: {  	s3 =	simm.s32 $0x100;
	[sflag:s19] =	ssyncadd.s32 $0xFFFFC180  }
0xad: {  	[tilespmem:s14], [sflag:$0x1] =	stream.indirect.gather [hbm4b:s18+s13], $0x80, s3, s13, $0xb8;
	[tilespmem:$0x1F400] =	vst v63  }
0xae: {  	_ =	swait.ge [sflag:s2], $0x3E80  }
0xaf: {  	[sflag:s2] =	ssyncset.done $0x0  }
0xb0: {  	s5 =	simm.s32 $0x880;
	[sflag:s2] =	ssyncadd.s32 $0xFFFFC180  }
0xb1: {  	[spmem:s21] =	stream.indirect.scatter.add.f32 [tilespmem:s16], [sflag:$0x5], $0x80, s5, s13, $0xb8;
	[tilespmem:$0x1F400] =	vst v63  }
0xb2: {  	_ =	swait.ge [sflag:s19], $0x3E80  }
0xb3: {  	[sflag:s19] =	ssyncset.done $0x0  }
0xb4: {  	s6 =	simm.s32 $0x180;
	[sflag:s19] =	ssyncadd.s32 $0xFFFFC180  }
0xb5: {  	[tilespmem:s16], [sflag:$0x2] =	stream.indirect.gather [hbm4b:s18+s13], $0x80, s6, s13, $0xb8;
	[tilespmem:$0x1F400] =	vst v63  }
0xb6: {  	_ =	swait.ge [sflag:s24], $0x3E80  }
0xb7: {  	[sflag:s24] =	ssyncset.done $0x0  }
0xb8: {  	s3 =	simm.s32 $0x900;
	[sflag:s24] =	ssyncadd.s32 $0xFFFFC180  }
0xb9: {  	[spmem:s21] =	stream.indirect.scatter.add.f32 [tilespmem:s14], [sflag:$0x5], $0x80, s3, s13, $0xb8;
	[tilespmem:$0x1F400] =	vst v63  }
0xba: {  	_ =	swait.ge [sflag:s19], $0x3E80  }
0xbb: {  	[sflag:s19] =	ssyncset.done $0x0  }
0xbc: {  	s5 =	simm.s32 $0x200;
	[sflag:s19] =	ssyncadd.s32 $0xFFFFC180  }
0xbd: {  	[tilespmem:s14], [sflag:$0x1] =	stream.indirect.gather [hbm4b:s18+s13], $0x80, s5, s13, $0xb8;
	[tilespmem:$0x1F400] =	vst v63  }
0xbe: {  	_ =	swait.ge [sflag:s2], $0x3E80  }
0xbf: {  	[sflag:s2] =	ssyncset.done $0x0  }
0xc0: {  	s6 =	simm.s32 $0x980;
	[sflag:s2] =	ssyncadd.s32 $0xFFFFC180  }
0xc1: {  	[spmem:s21] =	stream.indirect.scatter.add.f32 [tilespmem:s16], [sflag:$0x5], $0x80, s6, s13, $0xb8;
	[tilespmem:$0x1F400] =	vst v63  }
0xc2: {  	_ =	swait.ge [sflag:s19], $0x3E80  }
0xc3: {  	[sflag:s19] =	ssyncset.done $0x0  }
0xc4: {  	s3 =	simm.s32 $0x280;
	[sflag:s19] =	ssyncadd.s32 $0xFFFFC180  }
0xc5: {  	[tilespmem:s16], [sflag:$0x2] =	stream.indirect.gather [hbm4b:s18+s13], $0x80, s3, s13, $0xb8;
	[tilespmem:$0x1F400] =	vst v63  }
0xc6: {  	_ =	swait.ge [sflag:s24], $0x3E80  }
0xc7: {  	[sflag:s24] =	ssyncset.done $0x0  }
0xc8: {  	s5 =	simm.s32 $0xA00;
	[sflag:s24] =	ssyncadd.s32 $0xFFFFC180  }
0xc9: {  	[spmem:s21] =	stream.indirect.scatter.add.f32 [tilespmem:s14], [sflag:$0x5], $0x80, s5, s13, $0xb8;
	[tilespmem:$0x1F400] =	vst v63  }
0xca: {  	_ =	swait.ge [sflag:s19], $0x3E80  }
0xcb: {  	[sflag:s19] =	ssyncset.done $0x0  }
0xcc: {  	s6 =	simm.s32 $0x300;
	[sflag:s19] =	ssyncadd.s32 $0xFFFFC180  }
0xcd: {  	[tilespmem:s14], [sflag:$0x1] =	stream.indirect.gather [hbm4b:s18+s13], $0x80, s6, s13, $0xb8;
	[tilespmem:$0x1F400] =	vst v63  }
0xce: {  	_ =	swait.ge [sflag:s2], $0x3E80  }
0xcf: {  	[sflag:s2] =	ssyncset.done $0x0  }
0xd0: {  	s3 =	simm.s32 $0xA80;
	[sflag:s2] =	ssyncadd.s32 $0xFFFFC180  }
0xd1: {  	[spmem:s21] =	stream.indirect.scatter.add.f32 [tilespmem:s16], [sflag:$0x5], $0x80, s3, s13, $0xb8;
	[tilespmem:$0x1F400] =	vst v63  }
0xd2: {  	_ =	swait.ge [sflag:s19], $0x3E80  }
0xd3: {  	[sflag:s19] =	ssyncset.done $0x0  }
0xd4: {  	s5 =	simm.s32 $0x380;
	[sflag:s19] =	ssyncadd.s32 $0xFFFFC180  }
0xd5: {  	[tilespmem:s16], [sflag:$0x2] =	stream.indirect.gather [hbm4b:s18+s13], $0x80, s5, s13, $0xb8;
	[tilespmem:$0x1F400] =	vst v63  }
0xd6: {  	_ =	swait.ge [sflag:s24], $0x3E80  }
0xd7: {  	[sflag:s24] =	ssyncset.done $0x0  }
0xd8: {  	s6 =	simm.s32 $0xB00;
	[sflag:s24] =	ssyncadd.s32 $0xFFFFC180  }
0xd9: {  	[spmem:s21] =	stream.indirect.scatter.add.f32 [tilespmem:s14], [sflag:$0x5], $0x80, s6, s13, $0xb8;
	[tilespmem:$0x1F400] =	vst v63  }
0xda: {  	_ =	swait.ge [sflag:s19], $0x3E80  }
0xdb: {  	[sflag:s19] =	ssyncset.done $0x0  }
0xdc: {  	s3 =	simm.s32 $0x400;
	[sflag:s19] =	ssyncadd.s32 $0xFFFFC180  }
0xdd: {  	[tilespmem:s14], [sflag:$0x1] =	stream.indirect.gather [hbm4b:s18+s13], $0x80, s3, s13, $0xb8;
	[tilespmem:$0x1F400] =	vst v63  }
0xde: {  	_ =	swait.ge [sflag:s2], $0x3E80  }
0xdf: {  	[sflag:s2] =	ssyncset.done $0x0  }
0xe0: {  	s5 =	simm.s32 $0xB80;
	[sflag:s2] =	ssyncadd.s32 $0xFFFFC180  }
0xe1: {  	[spmem:s21] =	stream.indirect.scatter.add.f32 [tilespmem:s16], [sflag:$0x5], $0x80, s5, s13, $0xb8;
	[tilespmem:$0x1F400] =	vst v63  }
0xe2: {  	_ =	swait.ge [sflag:s19], $0x3E80  }
0xe3: {  	[sflag:s19] =	ssyncset.done $0x0  }
0xe4: {  	s6 =	simm.s32 $0x480;
	[sflag:s19] =	ssyncadd.s32 $0xFFFFC180  }
0xe5: {  	[tilespmem:s16], [sflag:$0x2] =	stream.indirect.gather [hbm4b:s18+s13], $0x80, s6, s13, $0xb8;
	[tilespmem:$0x1F400] =	vst v63  }
0xe6: {  	_ =	swait.ge [sflag:s24], $0x3E80  }
0xe7: {  	[sflag:s24] =	ssyncset.done $0x0  }
0xe8: {  	s3 =	simm.s32 $0xC00;
	[sflag:s24] =	ssyncadd.s32 $0xFFFFC180  }
0xe9: {  	[spmem:s21] =	stream.indirect.scatter.add.f32 [tilespmem:s14], [sflag:$0x5], $0x80, s3, s13, $0xb8;
	[tilespmem:$0x1F400] =	vst v63  }
0xea: {  	_ =	swait.ge [sflag:s19], $0x3E80  }
0xeb: {  	[sflag:s19] =	ssyncset.done $0x0  }
0xec: {  	s5 =	simm.s32 $0x500;
	[sflag:s19] =	ssyncadd.s32 $0xFFFFC180  }
0xed: {  	[tilespmem:s14], [sflag:$0x1] =	stream.indirect.gather [hbm4b:s18+s13], $0x80, s5, s13, $0xb8;
	[tilespmem:$0x1F400] =	vst v63  }
0xee: {  	_ =	swait.ge [sflag:s2], $0x3E80  }
0xef: {  	[sflag:s2] =	ssyncset.done $0x0  }
0xf0: {  	s6 =	simm.s32 $0xC80;
	[sflag:s2] =	ssyncadd.s32 $0xFFFFC180  }
0xf1: {  	[spmem:s21] =	stream.indirect.scatter.add.f32 [tilespmem:s16], [sflag:$0x5], $0x80, s6, s13, $0xb8;
	[tilespmem:$0x1F400] =	vst v63  }
0xf2: {  	_ =	swait.ge [sflag:s19], $0x3E80  }
0xf3: {  	[sflag:s19] =	ssyncset.done $0x0  }
0xf4: {  	s3 =	simm.s32 $0x580;
	[sflag:s19] =	ssyncadd.s32 $0xFFFFC180  }
0xf5: {  	[tilespmem:s16], [sflag:$0x2] =	stream.indirect.gather [hbm4b:s18+s13], $0x80, s3, s13, $0xb8;
	[tilespmem:$0x1F400] =	vst v63  }
0xf6: {  	_ =	swait.ge [sflag:s24], $0x3E80  }
0xf7: {  	[sflag:s24] =	ssyncset.done $0x0  }
0xf8: {  	s5 =	simm.s32 $0xD00;
	[sflag:s24] =	ssyncadd.s32 $0xFFFFC180  }
0xf9: {  	[spmem:s21] =	stream.indirect.scatter.add.f32 [tilespmem:s14], [sflag:$0x5], $0x80, s5, s13, $0xb8;
	[tilespmem:$0x1F400] =	vst v63  }
0xfa: {  	_ =	swait.ge [sflag:s19], $0x3E80  }
0xfb: {  	[sflag:s19] =	ssyncset.done $0x0  }
0xfc: {  	s6 =	simm.s32 $0x600;
	[sflag:s19] =	ssyncadd.s32 $0xFFFFC180  }
0xfd: {  	[tilespmem:s14], [sflag:$0x1] =	stream.indirect.gather [hbm4b:s18+s13], $0x80, s6, s13, $0xb8;
	[tilespmem:$0x1F400] =	vst v63  }
0xfe: {  	_ =	swait.ge [sflag:s2], $0x3E80  }
0xff: {  	[sflag:s2] =	ssyncset.done $0x0  }
0x100: {  	s3 =	simm.s32 $0xD80;
	[sflag:s2] =	ssyncadd.s32 $0xFFFFC180  }
0x101: {  	[spmem:s21] =	stream.indirect.scatter.add.f32 [tilespmem:s16], [sflag:$0x5], $0x80, s3, s13, $0xb8;
	[tilespmem:$0x1F400] =	vst v63  }
0x102: {  	_ =	swait.ge [sflag:s19], $0x3E80  }
0x103: {  	[sflag:s19] =	ssyncset.done $0x0  }
0x104: {  	s5 =	simm.s32 $0x680;
	[sflag:s19] =	ssyncadd.s32 $0xFFFFC180  }
0x105: {  	[tilespmem:s16], [sflag:$0x2] =	stream.indirect.gather [hbm4b:s18+s13], $0x80, s5, s13, $0xb8;
	[tilespmem:$0x1F400] =	vst v63  }
0x106: {  	_ =	swait.ge [sflag:s24], $0x3E80  }
0x107: {  	[sflag:s24] =	ssyncset.done $0x0  }
0x108: {  	s6 =	simm.s32 $0xE00;
	[sflag:s24] =	ssyncadd.s32 $0xFFFFC180  }
0x109: {  	[spmem:s21] =	stream.indirect.scatter.add.f32 [tilespmem:s14], [sflag:$0x5], $0x80, s6, s13, $0xb8;
	[tilespmem:$0x1F400] =	vst v63  }
0x10a: {  	_ =	swait.ge [sflag:s19], $0x3E80  }
0x10b: {  	[sflag:s19] =	ssyncset.done $0x0  }
0x10c: {  	s3 =	simm.s32 $0x700;
	[sflag:s19] =	ssyncadd.s32 $0xFFFFC180  }
0x10d: {  	[tilespmem:s14], [sflag:$0x1] =	stream.indirect.gather [hbm4b:s18+s13], $0x80, s3, s13, $0xb8;
	[tilespmem:$0x1F400] =	vst v63  }
0x10e: {  	_ =	swait.ge [sflag:s2], $0x3E80  }
0x10f: {  	[sflag:s2] =	ssyncset.done $0x0  }
0x110: {  	s5 =	simm.s32 $0xE80;
	[sflag:s2] =	ssyncadd.s32 $0xFFFFC180  }
0x111: {  	[spmem:s21] =	stream.indirect.scatter.add.f32 [tilespmem:s16], [sflag:$0x5], $0x80, s5, s13, $0xb8;
	[tilespmem:$0x1F400] =	vst v63  }
0x112: {  	_ =	swait.ge [sflag:s19], $0x3E80  }
0x113: {  	[sflag:s19] =	ssyncset.done $0x0  }
0x114: {  	s6 =	simm.s32 $0x780;
	[sflag:s19] =	ssyncadd.s32 $0xFFFFC180  }
0x115: {  	[tilespmem:s16], [sflag:$0x2] =	stream.indirect.gather [hbm4b:s18+s13], $0x80, s6, s13, $0xb8;
	[tilespmem:$0x1F400] =	vst v63  }
0x116: {  	_ =	swait.ge [sflag:s17], $0x800  }
0x117: {  	[sflag:s17] =	ssyncset.done $0x0  }
0x118: {  	[sflag:s17] =	ssyncadd.s32 $0xFFFFF800  }
0x119: {  	_ =	swait.ge [sflag:s17], $0x800  }
0x11a: {  	[sflag:s17] =	ssyncset.done $0x0  }
0x11b: {  	[sflag:s17] =	ssyncadd.s32 $0xFFFFF800  }
0x11c: {  	_ =	swait.ge [sflag:s24], $0x3E80  }
0x11d: {  	[sflag:s24] =	ssyncset.done $0x0  }
0x11e: {  	s3 =	simm.s32 $0xF00;
	[sflag:s24] =	ssyncadd.s32 $0xFFFFC180  }
0x11f: {  	[spmem:s21] =	stream.indirect.scatter.add.f32 [tilespmem:s14], [sflag:$0x5], $0x80, s3, s13, $0xb8;
	[tilespmem:$0x1F400] =	vst v63  }
0x120: {  	_ =	swait.ge [sflag:s19], $0x3E80  }
0x121: {  	[sflag:s19] =	ssyncset.done $0x0  }
0x122: {  	[sflag:s19] =	ssyncadd.s32 $0xFFFFC180  }
0x123: {  	[tilespmem:s14], [sflag:$0x1] =	stream.indirect.gather [hbm4b:s18+s13], $0x80, s22, s13, $0xb8;
	[tilespmem:$0x1F400] =	vst v63  }
0x124: {  	_ =	swait.ge [sflag:s2], $0x3E80  }
0x125: {  	[sflag:s2] =	ssyncset.done $0x0  }
0x126: {  	s5 =	simm.s32 $0xF80;
	[sflag:s2] =	ssyncadd.s32 $0xFFFFC180  }
0x127: {  	[spmem:s21] =	stream.indirect.scatter.add.f32 [tilespmem:s16], [sflag:$0x5], $0x80, s5, s13, $0xb8;
	[tilespmem:$0x1F400] =	vst v63  }
0x128: {  	_ =	swait.ge [sflag:s19], $0x3E80  }
0x129: {  	[sflag:s19] =	ssyncset.done $0x0  }
0x12a: {  	s0 =	simm.s32 $0x1080;
	[sflag:s19] =	ssyncadd.s32 $0xFFFFC180  }
0x12b: {  	[tilespmem:s16], [sflag:$0x2] =	stream.indirect.gather [hbm4b:s18+s13], $0x80, s0, s13, $0xb8;
	[tilespmem:$0x1F400] =	vst v63  }
0x12c: {  	s6 =	rddreg [dreg:$0x8]  }
0x12d: {  	[tilespmem:s1], [sflag:$0x3] =	stream.linear.gather [hbm4b:s6+s1], $0x800, $0x38;
	[tilespmem:$0x1F400] =	vst v63  }
0x12e: {  	s3 =	rddreg [dreg:$0x9];
	s6 =	simm.s32 $0x800  }
0x12f: {  	[tilespmem:s6], [sflag:$0x3] =	stream.linear.gather [hbm4b:s3+s1], $0x800, $0x38;
	[tilespmem:$0x1F400] =	vst v63  }
0x130: {  	_ =	swait.ge [sflag:s24], $0x3E80  }
0x131: {  	[sflag:s24] =	ssyncset.done $0x0  }
0x132: {  	[sflag:s24] =	ssyncadd.s32 $0xFFFFC180  }
0x133: {  	[spmem:s21] =	stream.indirect.scatter.add.f32 [tilespmem:s14], [sflag:$0x5], $0x80, s23, s13, $0xb8;
	[tilespmem:$0x1F400] =	vst v63  }
0x134: {  	_ =	swait.ge [sflag:s19], $0x3E80  }
0x135: {  	[sflag:s19] =	ssyncset.done $0x0  }
0x136: {  	s6 =	simm.s32 $0x1100;
	[sflag:s19] =	ssyncadd.s32 $0xFFFFC180  }
0x137: {  	[tilespmem:s14], [sflag:$0x1] =	stream.indirect.gather [hbm4b:s18+s13], $0x80, s6, s13, $0xb8;
	[tilespmem:$0x1F400] =	vst v63  }
0x138: {  	_ =	swait.ge [sflag:s2], $0x3E80  }
0x139: {  	[sflag:s2] =	ssyncset.done $0x0  }
0x13a: {  	s6 =	simm.s32 $0x1880;
	[sflag:s2] =	ssyncadd.s32 $0xFFFFC180  }
0x13b: {  	[spmem:s21] =	stream.indirect.scatter.add.f32 [tilespmem:s16], [sflag:$0x5], $0x80, s6, s13, $0xb8;
	[tilespmem:$0x1F400] =	vst v63  }
0x13c: {  	_ =	swait.ge [sflag:s19], $0x3E80  }
0x13d: {  	[sflag:s19] =	ssyncset.done $0x0  }
0x13e: {  	[sflag:s19] =	ssyncadd.s32 $0xFFFFC180  }
0x13f: {  	[tilespmem:s16], [sflag:$0x2] =	stream.indirect.gather [hbm4b:s18+s13], $0x80, s7, s13, $0xb8;
	[tilespmem:$0x1F400] =	vst v63  }
0x140: {  	_ =	swait.ge [sflag:s24], $0x3E80  }
0x141: {  	[sflag:s24] =	ssyncset.done $0x0  }
0x142: {  	[sflag:s24] =	ssyncadd.s32 $0xFFFFC180  }
0x143: {  	[spmem:s21] =	stream.indirect.scatter.add.f32 [tilespmem:s14], [sflag:$0x5], $0x80, s8, s13, $0xb8;
	[tilespmem:$0x1F400] =	vst v63  }
0x144: {  	_ =	swait.ge [sflag:s19], $0x3E80  }
0x145: {  	[sflag:s19] =	ssyncset.done $0x0  }
0x146: {  	[sflag:s19] =	ssyncadd.s32 $0xFFFFC180  }
0x147: {  	[tilespmem:s14], [sflag:$0x1] =	stream.indirect.gather [hbm4b:s18+s13], $0x80, s9, s13, $0xb8;
	[tilespmem:$0x1F400] =	vst v63  }
0x148: {  	_ =	swait.ge [sflag:s2], $0x3E80  }
0x149: {  	[sflag:s2] =	ssyncset.done $0x0  }
0x14a: {  	[sflag:s2] =	ssyncadd.s32 $0xFFFFC180  }
0x14b: {  	[spmem:s21] =	stream.indirect.scatter.add.f32 [tilespmem:s16], [sflag:$0x5], $0x80, s10, s13, $0xb8;
	[tilespmem:$0x1F400] =	vst v63  }
0x14c: {  	_ =	swait.ge [sflag:s19], $0x3E80  }
0x14d: {  	[sflag:s19] =	ssyncset.done $0x0  }
0x14e: {  	[sflag:s19] =	ssyncadd.s32 $0xFFFFC180  }
0x14f: {  	[tilespmem:s16], [sflag:$0x2] =	stream.indirect.gather [hbm4b:s18+s13], $0x80, s15, s13, $0xb8;
	[tilespmem:$0x1F400] =	vst v63  }
0x150: {  	_ =	swait.ge [sflag:s24], $0x3E80  }
0x151: {  	[sflag:s24] =	ssyncset.done $0x0  }
0x152: {  	[sflag:s24] =	ssyncadd.s32 $0xFFFFC180  }
0x153: {  	[spmem:s21] =	stream.indirect.scatter.add.f32 [tilespmem:s14], [sflag:$0x5], $0x80, s20, s13, $0xb8;
	[tilespmem:$0x1F400] =	vst v63  }
0x154: {  	_ =	swait.ge [sflag:s19], $0x3E80  }
0x155: {  	[sflag:s19] =	ssyncset.done $0x0  }
0x156: {  	[sflag:s19] =	ssyncadd.s32 $0xFFFFC180  }
0x157: {  	[tilespmem:s14], [sflag:$0x1] =	stream.indirect.gather [hbm4b:s18+s13], $0x80, s25, s13, $0xb8;
	[tilespmem:$0x1F400] =	vst v63  }
0x158: {  	_ =	swait.ge [sflag:s2], $0x3E80  }
0x159: {  	[sflag:s2] =	ssyncset.done $0x0  }
0x15a: {  	[sflag:s2] =	ssyncadd.s32 $0xFFFFC180  }
0x15b: {  	[spmem:s21] =	stream.indirect.scatter.add.f32 [tilespmem:s16], [sflag:$0x5], $0x80, s26, s13, $0xb8;
	[tilespmem:$0x1F400] =	vst v63  }
0x15c: {  	_ =	swait.ge [sflag:s19], $0x3E80  }
0x15d: {  	[sflag:s19] =	ssyncset.done $0x0  }
0x15e: {  	[sflag:s19] =	ssyncadd.s32 $0xFFFFC180  }
0x15f: {  	[tilespmem:s16], [sflag:$0x2] =	stream.indirect.gather [hbm4b:s18+s13], $0x80, s28, s13, $0xb8;
	[tilespmem:$0x1F400] =	vst v63  }
0x160: {  	_ =	swait.ge [sflag:s24], $0x3E80  }
0x161: {  	[sflag:s24] =	ssyncset.done $0x0  }
0x162: {  	[sflag:s24] =	ssyncadd.s32 $0xFFFFC180  }
0x163: {  	[spmem:s21] =	stream.indirect.scatter.add.f32 [tilespmem:s14], [sflag:$0x5], $0x80, s29, s13, $0xb8;
	[tilespmem:$0x1F400] =	vst v63  }
0x164: {  	_ =	swait.ge [sflag:s19], $0x3E80  }
0x165: {  	[sflag:s19] =	ssyncset.done $0x0  }
0x166: {  	[sflag:s19] =	ssyncadd.s32 $0xFFFFC180  }
0x167: {  	[tilespmem:s14], [sflag:$0x1] =	stream.indirect.gather [hbm4b:s18+s13], $0x80, s30, s13, $0xb8;
	[tilespmem:$0x1F400] =	vst v63  }
0x168: {  	_ =	swait.ge [sflag:s2], $0x3E80  }
0x169: {  	[sflag:s2] =	ssyncset.done $0x0  }
0x16a: {  	[sflag:s2] =	ssyncadd.s32 $0xFFFFC180  }
0x16b: {  	[spmem:s21] =	stream.indirect.scatter.add.f32 [tilespmem:s16], [sflag:$0x5], $0x80, s31, s13, $0xb8;
	[tilespmem:$0x1F400] =	vst v63  }
0x16c: {  	_ =	swait.ge [sflag:s19], $0x3E80  }
0x16d: {  	[sflag:s19] =	ssyncset.done $0x0  }
0x16e: {  	s5 =	simm.s32 $0x1480;
	[sflag:s19] =	ssyncadd.s32 $0xFFFFC180  }
0x16f: {  	[tilespmem:s16], [sflag:$0x2] =	stream.indirect.gather [hbm4b:s18+s13], $0x80, s5, s13, $0xb8;
	[tilespmem:$0x1F400] =	vst v63  }
0x170: {  	_ =	swait.ge [sflag:s24], $0x3E80  }
0x171: {  	[sflag:s24] =	ssyncset.done $0x0  }
0x172: {  	s5 =	simm.s32 $0x1C00;
	[sflag:s24] =	ssyncadd.s32 $0xFFFFC180  }
0x173: {  	[spmem:s21] =	stream.indirect.scatter.add.f32 [tilespmem:s14], [sflag:$0x5], $0x80, s5, s13, $0xb8;
	[tilespmem:$0x1F400] =	vst v63  }
0x174: {  	_ =	swait.ge [sflag:s19], $0x3E80  }
0x175: {  	[sflag:s19] =	ssyncset.done $0x0  }
0x176: {  	s5 =	simm.s32 $0x1500;
	[sflag:s19] =	ssyncadd.s32 $0xFFFFC180  }
0x177: {  	[tilespmem:s14], [sflag:$0x1] =	stream.indirect.gather [hbm4b:s18+s13], $0x80, s5, s13, $0xb8;
	[tilespmem:$0x1F400] =	vst v63  }
0x178: {  	_ =	swait.ge [sflag:s2], $0x3E80  }
0x179: {  	[sflag:s2] =	ssyncset.done $0x0  }
0x17a: {  	s5 =	simm.s32 $0x1C80;
	[sflag:s2] =	ssyncadd.s32 $0xFFFFC180  }
0x17b: {  	[spmem:s21] =	stream.indirect.scatter.add.f32 [tilespmem:s16], [sflag:$0x5], $0x80, s5, s13, $0xb8;
	[tilespmem:$0x1F400] =	vst v63  }
0x17c: {  	_ =	swait.ge [sflag:s19], $0x3E80  }
0x17d: {  	[sflag:s19] =	ssyncset.done $0x0  }
0x17e: {  	s5 =	simm.s32 $0x1580;
	[sflag:s19] =	ssyncadd.s32 $0xFFFFC180  }
0x17f: {  	[tilespmem:s16], [sflag:$0x2] =	stream.indirect.gather [hbm4b:s18+s13], $0x80, s5, s13, $0xb8;
	[tilespmem:$0x1F400] =	vst v63  }
0x180: {  	_ =	swait.ge [sflag:s24], $0x3E80  }
0x181: {  	[sflag:s24] =	ssyncset.done $0x0  }
0x182: {  	s5 =	simm.s32 $0x1D00;
	[sflag:s24] =	ssyncadd.s32 $0xFFFFC180  }
0x183: {  	[spmem:s21] =	stream.indirect.scatter.add.f32 [tilespmem:s14], [sflag:$0x5], $0x80, s5, s13, $0xb8;
	[tilespmem:$0x1F400] =	vst v63  }
0x184: {  	_ =	swait.ge [sflag:s19], $0x3E80  }
0x185: {  	[sflag:s19] =	ssyncset.done $0x0  }
0x186: {  	s5 =	simm.s32 $0x1600;
	[sflag:s19] =	ssyncadd.s32 $0xFFFFC180  }
0x187: {  	[tilespmem:s14], [sflag:$0x1] =	stream.indirect.gather [hbm4b:s18+s13], $0x80, s5, s13, $0xb8;
	[tilespmem:$0x1F400] =	vst v63  }
0x188: {  	_ =	swait.ge [sflag:s2], $0x3E80  }
0x189: {  	[sflag:s2] =	ssyncset.done $0x0  }
0x18a: {  	s5 =	simm.s32 $0x1D80;
	[sflag:s2] =	ssyncadd.s32 $0xFFFFC180  }
0x18b: {  	[spmem:s21] =	stream.indirect.scatter.add.f32 [tilespmem:s16], [sflag:$0x5], $0x80, s5, s13, $0xb8;
	[tilespmem:$0x1F400] =	vst v63  }
0x18c: {  	_ =	swait.ge [sflag:s19], $0x3E80  }
0x18d: {  	[sflag:s19] =	ssyncset.done $0x0  }
0x18e: {  	s5 =	simm.s32 $0x1680;
	[sflag:s19] =	ssyncadd.s32 $0xFFFFC180  }
0x18f: {  	[tilespmem:s16], [sflag:$0x2] =	stream.indirect.gather [hbm4b:s18+s13], $0x80, s5, s13, $0xb8;
	[tilespmem:$0x1F400] =	vst v63  }
0x190: {  	_ =	swait.ge [sflag:s24], $0x3E80  }
0x191: {  	[sflag:s24] =	ssyncset.done $0x0  }
0x192: {  	s5 =	simm.s32 $0x1E00;
	[sflag:s24] =	ssyncadd.s32 $0xFFFFC180  }
0x193: {  	[spmem:s21] =	stream.indirect.scatter.add.f32 [tilespmem:s14], [sflag:$0x5], $0x80, s5, s13, $0xb8;
	[tilespmem:$0x1F400] =	vst v63  }
0x194: {  	_ =	swait.ge [sflag:s19], $0x3E80  }
0x195: {  	[sflag:s19] =	ssyncset.done $0x0  }
0x196: {  	s5 =	simm.s32 $0x1700;
	[sflag:s19] =	ssyncadd.s32 $0xFFFFC180  }
0x197: {  	[tilespmem:s14], [sflag:$0x1] =	stream.indirect.gather [hbm4b:s18+s13], $0x80, s5, s13, $0xb8;
	[tilespmem:$0x1F400] =	vst v63  }
0x198: {  	_ =	swait.ge [sflag:s2], $0x3E80  }
0x199: {  	[sflag:s2] =	ssyncset.done $0x0  }
0x19a: {  	s5 =	simm.s32 $0x1E80;
	[sflag:s2] =	ssyncadd.s32 $0xFFFFC180  }
0x19b: {  	[spmem:s21] =	stream.indirect.scatter.add.f32 [tilespmem:s16], [sflag:$0x5], $0x80, s5, s13, $0xb8;
	[tilespmem:$0x1F400] =	vst v63  }
0x19c: {  	_ =	swait.ge [sflag:s19], $0x3E80  }
0x19d: {  	[sflag:s19] =	ssyncset.done $0x0  }
0x19e: {  	s5 =	simm.s32 $0x1780;
	[sflag:s19] =	ssyncadd.s32 $0xFFFFC180  }
0x19f: {  	[tilespmem:s16], [sflag:$0x2] =	stream.indirect.gather [hbm4b:s18+s13], $0x80, s5, s13, $0xb8;
	[tilespmem:$0x1F400] =	vst v63  }
0x1a0: {  	_ =	swait.ge [sflag:s12], $0x800  }
0x1a1: {  	[sflag:s12] =	ssyncset.done $0x0  }
0x1a2: {  	[sflag:s12] =	ssyncadd.s32 $0xFFFFF800  }
0x1a3: {  	_ =	swait.ge [sflag:s12], $0x800  }
0x1a4: {  	[sflag:s12] =	ssyncset.done $0x0  }
0x1a5: {  	[sflag:s12] =	ssyncadd.s32 $0xFFFFF800  }
0x1a6: {  	_ =	swait.ge [sflag:s24], $0x3E80  }
0x1a7: {  	[sflag:s24] =	ssyncset.done $0x0  }
0x1a8: {  	s5 =	simm.s32 $0x1F00;
	[sflag:s24] =	ssyncadd.s32 $0xFFFFC180  }
0x1a9: {  	[spmem:s21] =	stream.indirect.scatter.add.f32 [tilespmem:s14], [sflag:$0x5], $0x80, s5, s13, $0xb8;
	[tilespmem:$0x1F400] =	vst v63  }
0x1aa: {  	_ =	swait.ge [sflag:s19], $0x3E80  }
0x1ab: {  	[sflag:s19] =	ssyncset.done $0x0  }
0x1ac: {  	[sflag:s19] =	ssyncadd.s32 $0xFFFFC180  }
0x1ad: {  	[tilespmem:s14], [sflag:$0x1] =	stream.indirect.gather [hbm4b:s18+s13], $0x80, s1, s13, $0xb8;
	[tilespmem:$0x1F400] =	vst v63  }
0x1ae: {  	_ =	swait.ge [sflag:s2], $0x3E80  }
0x1af: {  	[sflag:s2] =	ssyncset.done $0x0  }
0x1b0: {  	s5 =	simm.s32 $0x1F80;
	[sflag:s2] =	ssyncadd.s32 $0xFFFFC180  }
0x1b1: {  	[spmem:s21] =	stream.indirect.scatter.add.f32 [tilespmem:s16], [sflag:$0x5], $0x80, s5, s13, $0xb8;
	[tilespmem:$0x1F400] =	vst v63  }
0x1b2: {  	_ =	swait.ge [sflag:s19], $0x3E80  }
0x1b3: {  	[sflag:s19] =	ssyncset.done $0x0  }
0x1b4: {  	s3 =	simm.s32 $0x80;
	[sflag:s19] =	ssyncadd.s32 $0xFFFFC180  }
0x1b5: {  	[tilespmem:s16], [sflag:$0x2] =	stream.indirect.gather [hbm4b:s18+s13], $0x80, s3, s13, $0xb8;
	[tilespmem:$0x1F400] =	vst v63  }
0x1b6: {  	s3 =	rddreg [dreg:$0xa]  }
0x1b7: {  	[tilespmem:s22], [sflag:$0x4] =	stream.linear.gather [hbm4b:s3+s1], $0x800, $0x38;
	[tilespmem:$0x1F400] =	vst v63  }
0x1b8: {  	s3 =	rddreg [dreg:$0xb]  }
0x1b9: {  	[tilespmem:s23], [sflag:$0x4] =	stream.linear.gather [hbm4b:s3+s1], $0x800, $0x38;
	[tilespmem:$0x1F400] =	vst v63  }
0x1ba: {  	_ =	swait.ge [sflag:s24], $0x3E80  }
0x1bb: {  	[sflag:s24] =	ssyncset.done $0x0  }
0x1bc: {  	s3 =	simm.s32 $0x800;
	[sflag:s24] =	ssyncadd.s32 $0xFFFFC180  }
0x1bd: {  	[spmem:s21] =	stream.indirect.scatter.add.f32 [tilespmem:s14], [sflag:$0x5], $0x80, s3, s13, $0xb8;
	[tilespmem:$0x1F400] =	vst v63  }
0x1be: {  	_ =	swait.ge [sflag:s19], $0x3E80  }
0x1bf: {  	[sflag:s19] =	ssyncset.done $0x0  }
0x1c0: {  	s3 =	simm.s32 $0x100;
	[sflag:s19] =	ssyncadd.s32 $0xFFFFC180  }
0x1c1: {  	[tilespmem:s14], [sflag:$0x1] =	stream.indirect.gather [hbm4b:s18+s13], $0x80, s3, s13, $0xb8;
	[tilespmem:$0x1F400] =	vst v63  }
0x1c2: {  	_ =	swait.ge [sflag:s2], $0x3E80  }
0x1c3: {  	[sflag:s2] =	ssyncset.done $0x0  }
0x1c4: {  	s3 =	simm.s32 $0x880;
	[sflag:s2] =	ssyncadd.s32 $0xFFFFC180  }
0x1c5: {  	[spmem:s21] =	stream.indirect.scatter.add.f32 [tilespmem:s16], [sflag:$0x5], $0x80, s3, s13, $0xb8;
	[tilespmem:$0x1F400] =	vst v63  }
0x1c6: {  	_ =	swait.ge [sflag:s19], $0x3E80  }
0x1c7: {  	[sflag:s19] =	ssyncset.done $0x0  }
0x1c8: {  	s3 =	simm.s32 $0x180;
	[sflag:s19] =	ssyncadd.s32 $0xFFFFC180  }
0x1c9: {  	[tilespmem:s16], [sflag:$0x2] =	stream.indirect.gather [hbm4b:s18+s13], $0x80, s3, s13, $0xb8;
	[tilespmem:$0x1F400] =	vst v63  }
0x1ca: {  	_ =	swait.ge [sflag:s24], $0x3E80  }
0x1cb: {  	[sflag:s24] =	ssyncset.done $0x0  }
0x1cc: {  	s3 =	simm.s32 $0x900;
	[sflag:s24] =	ssyncadd.s32 $0xFFFFC180  }
0x1cd: {  	[spmem:s21] =	stream.indirect.scatter.add.f32 [tilespmem:s14], [sflag:$0x5], $0x80, s3, s13, $0xb8;
	[tilespmem:$0x1F400] =	vst v63  }
0x1ce: {  	_ =	swait.ge [sflag:s19], $0x3E80  }
0x1cf: {  	[sflag:s19] =	ssyncset.done $0x0  }
0x1d0: {  	s3 =	simm.s32 $0x200;
	[sflag:s19] =	ssyncadd.s32 $0xFFFFC180  }
0x1d1: {  	[tilespmem:s14], [sflag:$0x1] =	stream.indirect.gather [hbm4b:s18+s13], $0x80, s3, s13, $0xb8;
	[tilespmem:$0x1F400] =	vst v63  }
0x1d2: {  	_ =	swait.ge [sflag:s2], $0x3E80  }
0x1d3: {  	[sflag:s2] =	ssyncset.done $0x0  }
0x1d4: {  	s3 =	simm.s32 $0x980;
	[sflag:s2] =	ssyncadd.s32 $0xFFFFC180  }
0x1d5: {  	[spmem:s21] =	stream.indirect.scatter.add.f32 [tilespmem:s16], [sflag:$0x5], $0x80, s3, s13, $0xb8;
	[tilespmem:$0x1F400] =	vst v63  }
0x1d6: {  	_ =	swait.ge [sflag:s19], $0x3E80  }
0x1d7: {  	[sflag:s19] =	ssyncset.done $0x0  }
0x1d8: {  	s3 =	simm.s32 $0x280;
	[sflag:s19] =	ssyncadd.s32 $0xFFFFC180  }
0x1d9: {  	[tilespmem:s16], [sflag:$0x2] =	stream.indirect.gather [hbm4b:s18+s13], $0x80, s3, s13, $0xb8;
	[tilespmem:$0x1F400] =	vst v63  }
0x1da: {  	_ =	swait.ge [sflag:s24], $0x3E80  }
0x1db: {  	[sflag:s24] =	ssyncset.done $0x0  }
0x1dc: {  	s3 =	simm.s32 $0xA00;
	[sflag:s24] =	ssyncadd.s32 $0xFFFFC180  }
0x1dd: {  	[spmem:s21] =	stream.indirect.scatter.add.f32 [tilespmem:s14], [sflag:$0x5], $0x80, s3, s13, $0xb8;
	[tilespmem:$0x1F400] =	vst v63  }
0x1de: {  	_ =	swait.ge [sflag:s19], $0x3E80  }
0x1df: {  	[sflag:s19] =	ssyncset.done $0x0  }
0x1e0: {  	s3 =	simm.s32 $0x300;
	[sflag:s19] =	ssyncadd.s32 $0xFFFFC180  }
0x1e1: {  	[tilespmem:s14], [sflag:$0x1] =	stream.indirect.gather [hbm4b:s18+s13], $0x80, s3, s13, $0xb8;
	[tilespmem:$0x1F400] =	vst v63  }
0x1e2: {  	_ =	swait.ge [sflag:s2], $0x3E80  }
0x1e3: {  	[sflag:s2] =	ssyncset.done $0x0  }
0x1e4: {  	s3 =	simm.s32 $0xA80;
	[sflag:s2] =	ssyncadd.s32 $0xFFFFC180  }
0x1e5: {  	[spmem:s21] =	stream.indirect.scatter.add.f32 [tilespmem:s16], [sflag:$0x5], $0x80, s3, s13, $0xb8;
	[tilespmem:$0x1F400] =	vst v63  }
0x1e6: {  	_ =	swait.ge [sflag:s19], $0x3E80  }
0x1e7: {  	[sflag:s19] =	ssyncset.done $0x0  }
0x1e8: {  	s3 =	simm.s32 $0x380;
	[sflag:s19] =	ssyncadd.s32 $0xFFFFC180  }
0x1e9: {  	[tilespmem:s16], [sflag:$0x2] =	stream.indirect.gather [hbm4b:s18+s13], $0x80, s3, s13, $0xb8;
	[tilespmem:$0x1F400] =	vst v63  }
0x1ea: {  	_ =	swait.ge [sflag:s24], $0x3E80  }
0x1eb: {  	[sflag:s24] =	ssyncset.done $0x0  }
0x1ec: {  	s3 =	simm.s32 $0xB00;
	[sflag:s24] =	ssyncadd.s32 $0xFFFFC180  }
0x1ed: {  	[spmem:s21] =	stream.indirect.scatter.add.f32 [tilespmem:s14], [sflag:$0x5], $0x80, s3, s13, $0xb8;
	[tilespmem:$0x1F400] =	vst v63  }
0x1ee: {  	_ =	swait.ge [sflag:s19], $0x3E80  }
0x1ef: {  	[sflag:s19] =	ssyncset.done $0x0  }
0x1f0: {  	s3 =	simm.s32 $0x400;
	[sflag:s19] =	ssyncadd.s32 $0xFFFFC180  }
0x1f1: {  	[tilespmem:s14], [sflag:$0x1] =	stream.indirect.gather [hbm4b:s18+s13], $0x80, s3, s13, $0xb8;
	[tilespmem:$0x1F400] =	vst v63  }
0x1f2: {  	_ =	swait.ge [sflag:s2], $0x3E80  }
0x1f3: {  	[sflag:s2] =	ssyncset.done $0x0  }
0x1f4: {  	s3 =	simm.s32 $0xB80;
	[sflag:s2] =	ssyncadd.s32 $0xFFFFC180  }
0x1f5: {  	[spmem:s21] =	stream.indirect.scatter.add.f32 [tilespmem:s16], [sflag:$0x5], $0x80, s3, s13, $0xb8;
	[tilespmem:$0x1F400] =	vst v63  }
0x1f6: {  	_ =	swait.ge [sflag:s19], $0x3E80  }
0x1f7: {  	[sflag:s19] =	ssyncset.done $0x0  }
0x1f8: {  	s3 =	simm.s32 $0x480;
	[sflag:s19] =	ssyncadd.s32 $0xFFFFC180  }
0x1f9: {  	[tilespmem:s16], [sflag:$0x2] =	stream.indirect.gather [hbm4b:s18+s13], $0x80, s3, s13, $0xb8;
	[tilespmem:$0x1F400] =	vst v63  }
0x1fa: {  	_ =	swait.ge [sflag:s24], $0x3E80  }
0x1fb: {  	[sflag:s24] =	ssyncset.done $0x0  }
0x1fc: {  	s3 =	simm.s32 $0xC00;
	[sflag:s24] =	ssyncadd.s32 $0xFFFFC180  }
0x1fd: {  	[spmem:s21] =	stream.indirect.scatter.add.f32 [tilespmem:s14], [sflag:$0x5], $0x80, s3, s13, $0xb8;
	[tilespmem:$0x1F400] =	vst v63  }
0x1fe: {  	_ =	swait.ge [sflag:s19], $0x3E80  }
0x1ff: {  	[sflag:s19] =	ssyncset.done $0x0  }
0x200: {  	s3 =	simm.s32 $0x500;
	[sflag:s19] =	ssyncadd.s32 $0xFFFFC180  }
0x201: {  	[tilespmem:s14], [sflag:$0x1] =	stream.indirect.gather [hbm4b:s18+s13], $0x80, s3, s13, $0xb8;
	[tilespmem:$0x1F400] =	vst v63  }
0x202: {  	_ =	swait.ge [sflag:s2], $0x3E80  }
0x203: {  	[sflag:s2] =	ssyncset.done $0x0  }
0x204: {  	s3 =	simm.s32 $0xC80;
	[sflag:s2] =	ssyncadd.s32 $0xFFFFC180  }
0x205: {  	[spmem:s21] =	stream.indirect.scatter.add.f32 [tilespmem:s16], [sflag:$0x5], $0x80, s3, s13, $0xb8;
	[tilespmem:$0x1F400] =	vst v63  }
0x206: {  	_ =	swait.ge [sflag:s19], $0x3E80  }
0x207: {  	[sflag:s19] =	ssyncset.done $0x0  }
0x208: {  	s3 =	simm.s32 $0x580;
	[sflag:s19] =	ssyncadd.s32 $0xFFFFC180  }
0x209: {  	[tilespmem:s16], [sflag:$0x2] =	stream.indirect.gather [hbm4b:s18+s13], $0x80, s3, s13, $0xb8;
	[tilespmem:$0x1F400] =	vst v63  }
0x20a: {  	_ =	swait.ge [sflag:s24], $0x3E80  }
0x20b: {  	[sflag:s24] =	ssyncset.done $0x0  }
0x20c: {  	s3 =	simm.s32 $0xD00;
	[sflag:s24] =	ssyncadd.s32 $0xFFFFC180  }
0x20d: {  	[spmem:s21] =	stream.indirect.scatter.add.f32 [tilespmem:s14], [sflag:$0x5], $0x80, s3, s13, $0xb8;
	[tilespmem:$0x1F400] =	vst v63  }
0x20e: {  	_ =	swait.ge [sflag:s19], $0x3E80  }
0x20f: {  	[sflag:s19] =	ssyncset.done $0x0  }
0x210: {  	s3 =	simm.s32 $0x600;
	[sflag:s19] =	ssyncadd.s32 $0xFFFFC180  }
0x211: {  	[tilespmem:s14], [sflag:$0x1] =	stream.indirect.gather [hbm4b:s18+s13], $0x80, s3, s13, $0xb8;
	[tilespmem:$0x1F400] =	vst v63  }
0x212: {  	_ =	swait.ge [sflag:s2], $0x3E80  }
0x213: {  	[sflag:s2] =	ssyncset.done $0x0  }
0x214: {  	s3 =	simm.s32 $0xD80;
	[sflag:s2] =	ssyncadd.s32 $0xFFFFC180  }
0x215: {  	[spmem:s21] =	stream.indirect.scatter.add.f32 [tilespmem:s16], [sflag:$0x5], $0x80, s3, s13, $0xb8;
	[tilespmem:$0x1F400] =	vst v63  }
0x216: {  	_ =	swait.ge [sflag:s19], $0x3E80  }
0x217: {  	[sflag:s19] =	ssyncset.done $0x0  }
0x218: {  	s3 =	simm.s32 $0x680;
	[sflag:s19] =	ssyncadd.s32 $0xFFFFC180  }
0x219: {  	[tilespmem:s16], [sflag:$0x2] =	stream.indirect.gather [hbm4b:s18+s13], $0x80, s3, s13, $0xb8;
	[tilespmem:$0x1F400] =	vst v63  }
0x21a: {  	_ =	swait.ge [sflag:s24], $0x3E80  }
0x21b: {  	[sflag:s24] =	ssyncset.done $0x0  }
0x21c: {  	s3 =	simm.s32 $0xE00;
	[sflag:s24] =	ssyncadd.s32 $0xFFFFC180  }
0x21d: {  	[spmem:s21] =	stream.indirect.scatter.add.f32 [tilespmem:s14], [sflag:$0x5], $0x80, s3, s13, $0xb8;
	[tilespmem:$0x1F400] =	vst v63  }
0x21e: {  	_ =	swait.ge [sflag:s19], $0x3E80  }
0x21f: {  	[sflag:s19] =	ssyncset.done $0x0  }
0x220: {  	s3 =	simm.s32 $0x700;
	[sflag:s19] =	ssyncadd.s32 $0xFFFFC180  }
0x221: {  	[tilespmem:s14], [sflag:$0x1] =	stream.indirect.gather [hbm4b:s18+s13], $0x80, s3, s13, $0xb8;
	[tilespmem:$0x1F400] =	vst v63  }
0x222: {  	_ =	swait.ge [sflag:s2], $0x3E80  }
0x223: {  	[sflag:s2] =	ssyncset.done $0x0  }
0x224: {  	s3 =	simm.s32 $0xE80;
	[sflag:s2] =	ssyncadd.s32 $0xFFFFC180  }
0x225: {  	[spmem:s21] =	stream.indirect.scatter.add.f32 [tilespmem:s16], [sflag:$0x5], $0x80, s3, s13, $0xb8;
	[tilespmem:$0x1F400] =	vst v63  }
0x226: {  	_ =	swait.ge [sflag:s19], $0x3E80  }
0x227: {  	[sflag:s19] =	ssyncset.done $0x0  }
0x228: {  	s3 =	simm.s32 $0x780;
	[sflag:s19] =	ssyncadd.s32 $0xFFFFC180  }
0x229: {  	[tilespmem:s16], [sflag:$0x2] =	stream.indirect.gather [hbm4b:s18+s13], $0x80, s3, s13, $0xb8;
	[tilespmem:$0x1F400] =	vst v63  }
0x22a: {  	_ =	swait.ge [sflag:s17], $0x800  }
0x22b: {  	[sflag:s17] =	ssyncset.done $0x0  }
0x22c: {  	[sflag:s17] =	ssyncadd.s32 $0xFFFFF800  }
0x22d: {  	_ =	swait.ge [sflag:s17], $0x800  }
0x22e: {  	[sflag:s17] =	ssyncset.done $0x0  }
0x22f: {  	[sflag:s17] =	ssyncadd.s32 $0xFFFFF800  }
0x230: {  	_ =	swait.ge [sflag:s24], $0x3E80  }
0x231: {  	[sflag:s24] =	ssyncset.done $0x0  }
0x232: {  	s3 =	simm.s32 $0xF00;
	[sflag:s24] =	ssyncadd.s32 $0xFFFFC180  }
0x233: {  	[spmem:s21] =	stream.indirect.scatter.add.f32 [tilespmem:s14], [sflag:$0x5], $0x80, s3, s13, $0xb8;
	[tilespmem:$0x1F400] =	vst v63  }
0x234: {  	_ =	swait.ge [sflag:s19], $0x3E80  }
0x235: {  	[sflag:s19] =	ssyncset.done $0x0  }
0x236: {  	[sflag:s19] =	ssyncadd.s32 $0xFFFFC180  }
0x237: {  	[tilespmem:s14], [sflag:$0x1] =	stream.indirect.gather [hbm4b:s18+s13], $0x80, s22, s13, $0xb8;
	[tilespmem:$0x1F400] =	vst v63  }
0x238: {  	_ =	swait.ge [sflag:s2], $0x3E80  }
0x239: {  	[sflag:s2] =	ssyncset.done $0x0  }
0x23a: {  	s22 =	simm.s32 $0xF80;
	[sflag:s2] =	ssyncadd.s32 $0xFFFFC180  }
0x23b: {  	[spmem:s21] =	stream.indirect.scatter.add.f32 [tilespmem:s16], [sflag:$0x5], $0x80, s22, s13, $0xb8;
	[tilespmem:$0x1F400] =	vst v63  }
0x23c: {  	_ =	swait.ge [sflag:s19], $0x3E80  }
0x23d: {  	[sflag:s19] =	ssyncset.done $0x0  }
0x23e: {  	[sflag:s19] =	ssyncadd.s32 $0xFFFFC180  }
0x23f: {  	[tilespmem:s16], [sflag:$0x2] =	stream.indirect.gather [hbm4b:s18+s13], $0x80, s0, s13, $0xb8;
	[tilespmem:$0x1F400] =	vst v63  }
0x240: {  	s0 =	rddreg [dreg:$0xc]  }
0x241: {  	[tilespmem:s1], [sflag:$0x3] =	stream.linear.gather [hbm4b:s0+s1], $0x800, $0x38;
	[tilespmem:$0x1F400] =	vst v63  }
0x242: {  	s5 =	rddreg [dreg:$0xd];
	s0 =	simm.s32 $0x800  }
0x243: {  	[tilespmem:s0], [sflag:$0x3] =	stream.linear.gather [hbm4b:s5+s1], $0x800, $0x38;
	[tilespmem:$0x1F400] =	vst v63  }
0x244: {  	_ =	swait.ge [sflag:s24], $0x3E80  }
0x245: {  	[sflag:s24] =	ssyncset.done $0x0  }
0x246: {  	[sflag:s24] =	ssyncadd.s32 $0xFFFFC180  }
0x247: {  	[spmem:s21] =	stream.indirect.scatter.add.f32 [tilespmem:s14], [sflag:$0x5], $0x80, s23, s13, $0xb8;
	[tilespmem:$0x1F400] =	vst v63  }
0x248: {  	_ =	swait.ge [sflag:s19], $0x3E80  }
0x249: {  	[sflag:s19] =	ssyncset.done $0x0  }
0x24a: {  	s5 =	simm.s32 $0x1100;
	[sflag:s19] =	ssyncadd.s32 $0xFFFFC180  }
0x24b: {  	[tilespmem:s14], [sflag:$0x1] =	stream.indirect.gather [hbm4b:s18+s13], $0x80, s5, s13, $0xb8;
	[tilespmem:$0x1F400] =	vst v63  }
0x24c: {  	_ =	swait.ge [sflag:s2], $0x3E80  }
0x24d: {  	[sflag:s2] =	ssyncset.done $0x0  }
0x24e: {  	[sflag:s2] =	ssyncadd.s32 $0xFFFFC180  }
0x24f: {  	[spmem:s21] =	stream.indirect.scatter.add.f32 [tilespmem:s16], [sflag:$0x5], $0x80, s6, s13, $0xb8;
	[tilespmem:$0x1F400] =	vst v63  }
0x250: {  	_ =	swait.ge [sflag:s19], $0x3E80  }
0x251: {  	[sflag:s19] =	ssyncset.done $0x0  }
0x252: {  	[sflag:s19] =	ssyncadd.s32 $0xFFFFC180  }
0x253: {  	[tilespmem:s16], [sflag:$0x2] =	stream.indirect.gather [hbm4b:s18+s13], $0x80, s7, s13, $0xb8;
	[tilespmem:$0x1F400] =	vst v63  }
0x254: {  	_ =	swait.ge [sflag:s24], $0x3E80  }
0x255: {  	[sflag:s24] =	ssyncset.done $0x0  }
0x256: {  	[sflag:s24] =	ssyncadd.s32 $0xFFFFC180  }
0x257: {  	[spmem:s21] =	stream.indirect.scatter.add.f32 [tilespmem:s14], [sflag:$0x5], $0x80, s8, s13, $0xb8;
	[tilespmem:$0x1F400] =	vst v63  }
0x258: {  	_ =	swait.ge [sflag:s19], $0x3E80  }
0x259: {  	[sflag:s19] =	ssyncset.done $0x0  }
0x25a: {  	[sflag:s19] =	ssyncadd.s32 $0xFFFFC180  }
0x25b: {  	[tilespmem:s14], [sflag:$0x1] =	stream.indirect.gather [hbm4b:s18+s13], $0x80, s9, s13, $0xb8;
	[tilespmem:$0x1F400] =	vst v63  }
0x25c: {  	_ =	swait.ge [sflag:s2], $0x3E80  }
0x25d: {  	[sflag:s2] =	ssyncset.done $0x0  }
0x25e: {  	[sflag:s2] =	ssyncadd.s32 $0xFFFFC180  }
0x25f: {  	[spmem:s21] =	stream.indirect.scatter.add.f32 [tilespmem:s16], [sflag:$0x5], $0x80, s10, s13, $0xb8;
	[tilespmem:$0x1F400] =	vst v63  }
0x260: {  	_ =	swait.ge [sflag:s19], $0x3E80  }
0x261: {  	[sflag:s19] =	ssyncset.done $0x0  }
0x262: {  	[sflag:s19] =	ssyncadd.s32 $0xFFFFC180  }
0x263: {  	[tilespmem:s16], [sflag:$0x2] =	stream.indirect.gather [hbm4b:s18+s13], $0x80, s15, s13, $0xb8;
	[tilespmem:$0x1F400] =	vst v63  }
0x264: {  	_ =	swait.ge [sflag:s24], $0x3E80  }
0x265: {  	[sflag:s24] =	ssyncset.done $0x0  }
0x266: {  	[sflag:s24] =	ssyncadd.s32 $0xFFFFC180  }
0x267: {  	[spmem:s21] =	stream.indirect.scatter.add.f32 [tilespmem:s14], [sflag:$0x5], $0x80, s20, s13, $0xb8;
	[tilespmem:$0x1F400] =	vst v63  }
0x268: {  	_ =	swait.ge [sflag:s19], $0x3E80  }
0x269: {  	[sflag:s19] =	ssyncset.done $0x0  }
0x26a: {  	[sflag:s19] =	ssyncadd.s32 $0xFFFFC180  }
0x26b: {  	[tilespmem:s14], [sflag:$0x1] =	stream.indirect.gather [hbm4b:s18+s13], $0x80, s25, s13, $0xb8;
	[tilespmem:$0x1F400] =	vst v63  }
0x26c: {  	_ =	swait.ge [sflag:s2], $0x3E80  }
0x26d: {  	[sflag:s2] =	ssyncset.done $0x0  }
0x26e: {  	[sflag:s2] =	ssyncadd.s32 $0xFFFFC180  }
0x26f: {  	[spmem:s21] =	stream.indirect.scatter.add.f32 [tilespmem:s16], [sflag:$0x5], $0x80, s26, s13, $0xb8;
	[tilespmem:$0x1F400] =	vst v63  }
0x270: {  	_ =	swait.ge [sflag:s19], $0x3E80  }
0x271: {  	[sflag:s19] =	ssyncset.done $0x0  }
0x272: {  	[sflag:s19] =	ssyncadd.s32 $0xFFFFC180  }
0x273: {  	[tilespmem:s16], [sflag:$0x2] =	stream.indirect.gather [hbm4b:s18+s13], $0x80, s28, s13, $0xb8;
	[tilespmem:$0x1F400] =	vst v63  }
0x274: {  	_ =	swait.ge [sflag:s24], $0x3E80  }
0x275: {  	[sflag:s24] =	ssyncset.done $0x0  }
0x276: {  	[sflag:s24] =	ssyncadd.s32 $0xFFFFC180  }
0x277: {  	[spmem:s21] =	stream.indirect.scatter.add.f32 [tilespmem:s14], [sflag:$0x5], $0x80, s29, s13, $0xb8;
	[tilespmem:$0x1F400] =	vst v63  }
0x278: {  	_ =	swait.ge [sflag:s19], $0x3E80  }
0x279: {  	[sflag:s19] =	ssyncset.done $0x0  }
0x27a: {  	[sflag:s19] =	ssyncadd.s32 $0xFFFFC180  }
0x27b: {  	[tilespmem:s14], [sflag:$0x1] =	stream.indirect.gather [hbm4b:s18+s13], $0x80, s30, s13, $0xb8;
	[tilespmem:$0x1F400] =	vst v63  }
0x27c: {  	_ =	swait.ge [sflag:s2], $0x3E80  }
0x27d: {  	[sflag:s2] =	ssyncset.done $0x0  }
0x27e: {  	[sflag:s2] =	ssyncadd.s32 $0xFFFFC180  }
0x27f: {  	[spmem:s21] =	stream.indirect.scatter.add.f32 [tilespmem:s16], [sflag:$0x5], $0x80, s31, s13, $0xb8;
	[tilespmem:$0x1F400] =	vst v63  }
0x280: {  	_ =	swait.ge [sflag:s19], $0x3E80  }
0x281: {  	[sflag:s19] =	ssyncset.done $0x0  }
0x282: {  	s6 =	simm.s32 $0x1480;
	[sflag:s19] =	ssyncadd.s32 $0xFFFFC180  }
0x283: {  	[tilespmem:s16], [sflag:$0x2] =	stream.indirect.gather [hbm4b:s18+s13], $0x80, s6, s13, $0xb8;
	[tilespmem:$0x1F400] =	vst v63  }
0x284: {  	_ =	swait.ge [sflag:s24], $0x3E80  }
0x285: {  	[sflag:s24] =	ssyncset.done $0x0  }
0x286: {  	s5 =	simm.s32 $0x1C00;
	[sflag:s24] =	ssyncadd.s32 $0xFFFFC180  }
0x287: {  	[spmem:s21] =	stream.indirect.scatter.add.f32 [tilespmem:s14], [sflag:$0x5], $0x80, s5, s13, $0xb8;
	[tilespmem:$0x1F400] =	vst v63  }
0x288: {  	_ =	swait.ge [sflag:s19], $0x3E80  }
0x289: {  	[sflag:s19] =	ssyncset.done $0x0  }
0x28a: {  	s6 =	simm.s32 $0x1500;
	[sflag:s19] =	ssyncadd.s32 $0xFFFFC180  }
0x28b: {  	[tilespmem:s14], [sflag:$0x1] =	stream.indirect.gather [hbm4b:s18+s13], $0x80, s6, s13, $0xb8;
	[tilespmem:$0x1F400] =	vst v63  }
0x28c: {  	_ =	swait.ge [sflag:s2], $0x3E80  }
0x28d: {  	[sflag:s2] =	ssyncset.done $0x0  }
0x28e: {  	s5 =	simm.s32 $0x1C80;
	[sflag:s2] =	ssyncadd.s32 $0xFFFFC180  }
0x28f: {  	[spmem:s21] =	stream.indirect.scatter.add.f32 [tilespmem:s16], [sflag:$0x5], $0x80, s5, s13, $0xb8;
	[tilespmem:$0x1F400] =	vst v63  }
0x290: {  	_ =	swait.ge [sflag:s19], $0x3E80  }
0x291: {  	[sflag:s19] =	ssyncset.done $0x0  }
0x292: {  	s6 =	simm.s32 $0x1580;
	[sflag:s19] =	ssyncadd.s32 $0xFFFFC180  }
0x293: {  	[tilespmem:s16], [sflag:$0x2] =	stream.indirect.gather [hbm4b:s18+s13], $0x80, s6, s13, $0xb8;
	[tilespmem:$0x1F400] =	vst v63  }
0x294: {  	_ =	swait.ge [sflag:s24], $0x3E80  }
0x295: {  	[sflag:s24] =	ssyncset.done $0x0  }
0x296: {  	s5 =	simm.s32 $0x1D00;
	[sflag:s24] =	ssyncadd.s32 $0xFFFFC180  }
0x297: {  	[spmem:s21] =	stream.indirect.scatter.add.f32 [tilespmem:s14], [sflag:$0x5], $0x80, s5, s13, $0xb8;
	[tilespmem:$0x1F400] =	vst v63  }
0x298: {  	_ =	swait.ge [sflag:s19], $0x3E80  }
0x299: {  	[sflag:s19] =	ssyncset.done $0x0  }
0x29a: {  	s6 =	simm.s32 $0x1600;
	[sflag:s19] =	ssyncadd.s32 $0xFFFFC180  }
0x29b: {  	[tilespmem:s14], [sflag:$0x1] =	stream.indirect.gather [hbm4b:s18+s13], $0x80, s6, s13, $0xb8;
	[tilespmem:$0x1F400] =	vst v63  }
0x29c: {  	_ =	swait.ge [sflag:s2], $0x3E80  }
0x29d: {  	[sflag:s2] =	ssyncset.done $0x0  }
0x29e: {  	s5 =	simm.s32 $0x1D80;
	[sflag:s2] =	ssyncadd.s32 $0xFFFFC180  }
0x29f: {  	[spmem:s21] =	stream.indirect.scatter.add.f32 [tilespmem:s16], [sflag:$0x5], $0x80, s5, s13, $0xb8;
	[tilespmem:$0x1F400] =	vst v63  }
0x2a0: {  	_ =	swait.ge [sflag:s19], $0x3E80  }
0x2a1: {  	[sflag:s19] =	ssyncset.done $0x0  }
0x2a2: {  	s6 =	simm.s32 $0x1680;
	[sflag:s19] =	ssyncadd.s32 $0xFFFFC180  }
0x2a3: {  	[tilespmem:s16], [sflag:$0x2] =	stream.indirect.gather [hbm4b:s18+s13], $0x80, s6, s13, $0xb8;
	[tilespmem:$0x1F400] =	vst v63  }
0x2a4: {  	_ =	swait.ge [sflag:s24], $0x3E80  }
0x2a5: {  	[sflag:s24] =	ssyncset.done $0x0  }
0x2a6: {  	s5 =	simm.s32 $0x1E00;
	[sflag:s24] =	ssyncadd.s32 $0xFFFFC180  }
0x2a7: {  	[spmem:s21] =	stream.indirect.scatter.add.f32 [tilespmem:s14], [sflag:$0x5], $0x80, s5, s13, $0xb8;
	[tilespmem:$0x1F400] =	vst v63  }
0x2a8: {  	_ =	swait.ge [sflag:s19], $0x3E80  }
0x2a9: {  	[sflag:s19] =	ssyncset.done $0x0  }
0x2aa: {  	s6 =	simm.s32 $0x1700;
	[sflag:s19] =	ssyncadd.s32 $0xFFFFC180  }
0x2ab: {  	[tilespmem:s14], [sflag:$0x1] =	stream.indirect.gather [hbm4b:s18+s13], $0x80, s6, s13, $0xb8;
	[tilespmem:$0x1F400] =	vst v63  }
0x2ac: {  	_ =	swait.ge [sflag:s2], $0x3E80  }
0x2ad: {  	[sflag:s2] =	ssyncset.done $0x0  }
0x2ae: {  	s5 =	simm.s32 $0x1E80;
	[sflag:s2] =	ssyncadd.s32 $0xFFFFC180  }
0x2af: {  	[spmem:s21] =	stream.indirect.scatter.add.f32 [tilespmem:s16], [sflag:$0x5], $0x80, s5, s13, $0xb8;
	[tilespmem:$0x1F400] =	vst v63  }
0x2b0: {  	_ =	swait.ge [sflag:s19], $0x3E80  }
0x2b1: {  	[sflag:s19] =	ssyncset.done $0x0  }
0x2b2: {  	s6 =	simm.s32 $0x1780;
	[sflag:s19] =	ssyncadd.s32 $0xFFFFC180  }
0x2b3: {  	[tilespmem:s16], [sflag:$0x2] =	stream.indirect.gather [hbm4b:s18+s13], $0x80, s6, s13, $0xb8;
	[tilespmem:$0x1F400] =	vst v63  }
0x2b4: {  	_ =	swait.ge [sflag:s12], $0x800  }
0x2b5: {  	[sflag:s12] =	ssyncset.done $0x0  }
0x2b6: {  	[sflag:s12] =	ssyncadd.s32 $0xFFFFF800  }
0x2b7: {  	_ =	swait.ge [sflag:s12], $0x800  }
0x2b8: {  	[sflag:s12] =	ssyncset.done $0x0  }
0x2b9: {  	[sflag:s12] =	ssyncadd.s32 $0xFFFFF800  }
0x2ba: {  	_ =	swait.ge [sflag:s24], $0x3E80  }
0x2bb: {  	[sflag:s24] =	ssyncset.done $0x0  }
0x2bc: {  	s5 =	simm.s32 $0x1F00;
	[sflag:s24] =	ssyncadd.s32 $0xFFFFC180  }
0x2bd: {  	[spmem:s21] =	stream.indirect.scatter.add.f32 [tilespmem:s14], [sflag:$0x5], $0x80, s5, s13, $0xb8;
	[tilespmem:$0x1F400] =	vst v63  }
0x2be: {  	_ =	swait.ge [sflag:s19], $0x3E80  }
0x2bf: {  	[sflag:s19] =	ssyncset.done $0x0  }
0x2c0: {  	[sflag:s19] =	ssyncadd.s32 $0xFFFFC180  }
0x2c1: {  	[tilespmem:s14], [sflag:$0x1] =	stream.indirect.gather [hbm4b:s18+s13], $0x80, s1, s13, $0xb8;
	[tilespmem:$0x1F400] =	vst v63  }
0x2c2: {  	_ =	swait.ge [sflag:s2], $0x3E80  }
0x2c3: {  	[sflag:s2] =	ssyncset.done $0x0  }
0x2c4: {  	s6 =	simm.s32 $0x1F80;
	[sflag:s2] =	ssyncadd.s32 $0xFFFFC180  }
0x2c5: {  	[spmem:s21] =	stream.indirect.scatter.add.f32 [tilespmem:s16], [sflag:$0x5], $0x80, s6, s13, $0xb8;
	[tilespmem:$0x1F400] =	vst v63  }
0x2c6: {  	_ =	swait.ge [sflag:s19], $0x3E80  }
0x2c7: {  	[sflag:s19] =	ssyncset.done $0x0  }
0x2c8: {  	s5 =	simm.s32 $0x80;
	[sflag:s19] =	ssyncadd.s32 $0xFFFFC180  }
0x2c9: {  	[tilespmem:s16], [sflag:$0x2] =	stream.indirect.gather [hbm4b:s18+s13], $0x80, s5, s13, $0xb8;
	[tilespmem:$0x1F400] =	vst v63  }
0x2ca: {  	_ =	swait.ge [sflag:s24], $0x3E80  }
0x2cb: {  	[sflag:s24] =	ssyncset.done $0x0  }
0x2cc: {  	s6 =	simm.s32 $0x800;
	[sflag:s24] =	ssyncadd.s32 $0xFFFFC180  }
0x2cd: {  	[spmem:s21] =	stream.indirect.scatter.add.f32 [tilespmem:s14], [sflag:$0x5], $0x80, s6, s13, $0xb8;
	[tilespmem:$0x1F400] =	vst v63  }
0x2ce: {  	_ =	swait.ge [sflag:s19], $0x3E80  }
0x2cf: {  	[sflag:s19] =	ssyncset.done $0x0  }
0x2d0: {  	s5 =	simm.s32 $0x100;
	[sflag:s19] =	ssyncadd.s32 $0xFFFFC180  }
0x2d1: {  	[tilespmem:s14], [sflag:$0x1] =	stream.indirect.gather [hbm4b:s18+s13], $0x80, s5, s13, $0xb8;
	[tilespmem:$0x1F400] =	vst v63  }
0x2d2: {  	_ =	swait.ge [sflag:s2], $0x3E80  }
0x2d3: {  	[sflag:s2] =	ssyncset.done $0x0  }
0x2d4: {  	s6 =	simm.s32 $0x880;
	[sflag:s2] =	ssyncadd.s32 $0xFFFFC180  }
0x2d5: {  	[spmem:s21] =	stream.indirect.scatter.add.f32 [tilespmem:s16], [sflag:$0x5], $0x80, s6, s13, $0xb8;
	[tilespmem:$0x1F400] =	vst v63  }
0x2d6: {  	_ =	swait.ge [sflag:s19], $0x3E80  }
0x2d7: {  	[sflag:s19] =	ssyncset.done $0x0  }
0x2d8: {  	s5 =	simm.s32 $0x180;
	[sflag:s19] =	ssyncadd.s32 $0xFFFFC180  }
0x2d9: {  	[tilespmem:s16], [sflag:$0x2] =	stream.indirect.gather [hbm4b:s18+s13], $0x80, s5, s13, $0xb8;
	[tilespmem:$0x1F400] =	vst v63  }
0x2da: {  	_ =	swait.ge [sflag:s24], $0x3E80  }
0x2db: {  	[sflag:s24] =	ssyncset.done $0x0  }
0x2dc: {  	s6 =	simm.s32 $0x900;
	[sflag:s24] =	ssyncadd.s32 $0xFFFFC180  }
0x2dd: {  	[spmem:s21] =	stream.indirect.scatter.add.f32 [tilespmem:s14], [sflag:$0x5], $0x80, s6, s13, $0xb8;
	[tilespmem:$0x1F400] =	vst v63  }
0x2de: {  	_ =	swait.ge [sflag:s19], $0x3E80  }
0x2df: {  	[sflag:s19] =	ssyncset.done $0x0  }
0x2e0: {  	s5 =	simm.s32 $0x200;
	[sflag:s19] =	ssyncadd.s32 $0xFFFFC180  }
0x2e1: {  	[tilespmem:s14], [sflag:$0x1] =	stream.indirect.gather [hbm4b:s18+s13], $0x80, s5, s13, $0xb8;
	[tilespmem:$0x1F400] =	vst v63  }
0x2e2: {  	_ =	swait.ge [sflag:s2], $0x3E80  }
0x2e3: {  	[sflag:s2] =	ssyncset.done $0x0  }
0x2e4: {  	s6 =	simm.s32 $0x980;
	[sflag:s2] =	ssyncadd.s32 $0xFFFFC180  }
0x2e5: {  	[spmem:s21] =	stream.indirect.scatter.add.f32 [tilespmem:s16], [sflag:$0x5], $0x80, s6, s13, $0xb8;
	[tilespmem:$0x1F400] =	vst v63  }
0x2e6: {  	_ =	swait.ge [sflag:s19], $0x3E80  }
0x2e7: {  	[sflag:s19] =	ssyncset.done $0x0  }
0x2e8: {  	s6 =	simm.s32 $0x280;
	[sflag:s19] =	ssyncadd.s32 $0xFFFFC180  }
0x2e9: {  	[tilespmem:s16], [sflag:$0x2] =	stream.indirect.gather [hbm4b:s18+s13], $0x80, s6, s13, $0xb8;
	[tilespmem:$0x1F400] =	vst v63  }
0x2ea: {  	_ =	swait.ge [sflag:s24], $0x3E80  }
0x2eb: {  	[sflag:s24] =	ssyncset.done $0x0  }
0x2ec: {  	s6 =	simm.s32 $0xA00;
	[sflag:s24] =	ssyncadd.s32 $0xFFFFC180  }
0x2ed: {  	[spmem:s21] =	stream.indirect.scatter.add.f32 [tilespmem:s14], [sflag:$0x5], $0x80, s6, s13, $0xb8;
	[tilespmem:$0x1F400] =	vst v63  }
0x2ee: {  	_ =	swait.ge [sflag:s19], $0x3E80  }
0x2ef: {  	[sflag:s19] =	ssyncset.done $0x0  }
0x2f0: {  	s6 =	simm.s32 $0x300;
	[sflag:s19] =	ssyncadd.s32 $0xFFFFC180  }
0x2f1: {  	[tilespmem:s14], [sflag:$0x1] =	stream.indirect.gather [hbm4b:s18+s13], $0x80, s6, s13, $0xb8;
	[tilespmem:$0x1F400] =	vst v63  }
0x2f2: {  	_ =	swait.ge [sflag:s2], $0x3E80  }
0x2f3: {  	[sflag:s2] =	ssyncset.done $0x0  }
0x2f4: {  	s6 =	simm.s32 $0xA80;
	[sflag:s2] =	ssyncadd.s32 $0xFFFFC180  }
0x2f5: {  	[spmem:s21] =	stream.indirect.scatter.add.f32 [tilespmem:s16], [sflag:$0x5], $0x80, s6, s13, $0xb8;
	[tilespmem:$0x1F400] =	vst v63  }
0x2f6: {  	_ =	swait.ge [sflag:s19], $0x3E80  }
0x2f7: {  	[sflag:s19] =	ssyncset.done $0x0  }
0x2f8: {  	s6 =	simm.s32 $0x380;
	[sflag:s19] =	ssyncadd.s32 $0xFFFFC180  }
0x2f9: {  	[tilespmem:s16], [sflag:$0x2] =	stream.indirect.gather [hbm4b:s18+s13], $0x80, s6, s13, $0xb8;
	[tilespmem:$0x1F400] =	vst v63  }
0x2fa: {  	_ =	swait.ge [sflag:s24], $0x3E80  }
0x2fb: {  	[sflag:s24] =	ssyncset.done $0x0  }
0x2fc: {  	s6 =	simm.s32 $0xB00;
	[sflag:s24] =	ssyncadd.s32 $0xFFFFC180  }
0x2fd: {  	[spmem:s21] =	stream.indirect.scatter.add.f32 [tilespmem:s14], [sflag:$0x5], $0x80, s6, s13, $0xb8;
	[tilespmem:$0x1F400] =	vst v63  }
0x2fe: {  	_ =	swait.ge [sflag:s19], $0x3E80  }
0x2ff: {  	[sflag:s19] =	ssyncset.done $0x0  }
0x300: {  	s6 =	simm.s32 $0x400;
	[sflag:s19] =	ssyncadd.s32 $0xFFFFC180  }
0x301: {  	[tilespmem:s14], [sflag:$0x1] =	stream.indirect.gather [hbm4b:s18+s13], $0x80, s6, s13, $0xb8;
	[tilespmem:$0x1F400] =	vst v63  }
0x302: {  	_ =	swait.ge [sflag:s2], $0x3E80  }
0x303: {  	[sflag:s2] =	ssyncset.done $0x0  }
0x304: {  	s6 =	simm.s32 $0xB80;
	[sflag:s2] =	ssyncadd.s32 $0xFFFFC180  }
0x305: {  	[spmem:s21] =	stream.indirect.scatter.add.f32 [tilespmem:s16], [sflag:$0x5], $0x80, s6, s13, $0xb8;
	[tilespmem:$0x1F400] =	vst v63  }
0x306: {  	_ =	swait.ge [sflag:s19], $0x3E80  }
0x307: {  	[sflag:s19] =	ssyncset.done $0x0  }
0x308: {  	s6 =	simm.s32 $0x480;
	[sflag:s19] =	ssyncadd.s32 $0xFFFFC180  }
0x309: {  	[tilespmem:s16], [sflag:$0x2] =	stream.indirect.gather [hbm4b:s18+s13], $0x80, s6, s13, $0xb8;
	[tilespmem:$0x1F400] =	vst v63  }
0x30a: {  	_ =	swait.ge [sflag:s24], $0x3E80  }
0x30b: {  	[sflag:s24] =	ssyncset.done $0x0  }
0x30c: {  	s6 =	simm.s32 $0xC00;
	[sflag:s24] =	ssyncadd.s32 $0xFFFFC180  }
0x30d: {  	[spmem:s21] =	stream.indirect.scatter.add.f32 [tilespmem:s14], [sflag:$0x5], $0x80, s6, s13, $0xb8;
	[tilespmem:$0x1F400] =	vst v63  }
0x30e: {  	_ =	swait.ge [sflag:s19], $0x3E80  }
0x30f: {  	[sflag:s19] =	ssyncset.done $0x0  }
0x310: {  	s6 =	simm.s32 $0x500;
	[sflag:s19] =	ssyncadd.s32 $0xFFFFC180  }
0x311: {  	[tilespmem:s14], [sflag:$0x1] =	stream.indirect.gather [hbm4b:s18+s13], $0x80, s6, s13, $0xb8;
	[tilespmem:$0x1F400] =	vst v63  }
0x312: {  	_ =	swait.ge [sflag:s2], $0x3E80  }
0x313: {  	[sflag:s2] =	ssyncset.done $0x0  }
0x314: {  	s6 =	simm.s32 $0xC80;
	[sflag:s2] =	ssyncadd.s32 $0xFFFFC180  }
0x315: {  	[spmem:s21] =	stream.indirect.scatter.add.f32 [tilespmem:s16], [sflag:$0x5], $0x80, s6, s13, $0xb8;
	[tilespmem:$0x1F400] =	vst v63  }
0x316: {  	_ =	swait.ge [sflag:s19], $0x3E80  }
0x317: {  	[sflag:s19] =	ssyncset.done $0x0  }
0x318: {  	s6 =	simm.s32 $0x580;
	[sflag:s19] =	ssyncadd.s32 $0xFFFFC180  }
0x319: {  	[tilespmem:s16], [sflag:$0x2] =	stream.indirect.gather [hbm4b:s18+s13], $0x80, s6, s13, $0xb8;
	[tilespmem:$0x1F400] =	vst v63  }
0x31a: {  	_ =	swait.ge [sflag:s24], $0x3E80  }
0x31b: {  	[sflag:s24] =	ssyncset.done $0x0  }
0x31c: {  	s6 =	simm.s32 $0xD00;
	[sflag:s24] =	ssyncadd.s32 $0xFFFFC180  }
0x31d: {  	[spmem:s21] =	stream.indirect.scatter.add.f32 [tilespmem:s14], [sflag:$0x5], $0x80, s6, s13, $0xb8;
	[tilespmem:$0x1F400] =	vst v63  }
0x31e: {  	_ =	swait.ge [sflag:s19], $0x3E80  }
0x31f: {  	[sflag:s19] =	ssyncset.done $0x0  }
0x320: {  	s6 =	simm.s32 $0x600;
	[sflag:s19] =	ssyncadd.s32 $0xFFFFC180  }
0x321: {  	[tilespmem:s14], [sflag:$0x1] =	stream.indirect.gather [hbm4b:s18+s13], $0x80, s6, s13, $0xb8;
	[tilespmem:$0x1F400] =	vst v63  }
0x322: {  	_ =	swait.ge [sflag:s2], $0x3E80  }
0x323: {  	[sflag:s2] =	ssyncset.done $0x0  }
0x324: {  	s6 =	simm.s32 $0xD80;
	[sflag:s2] =	ssyncadd.s32 $0xFFFFC180  }
0x325: {  	[spmem:s21] =	stream.indirect.scatter.add.f32 [tilespmem:s16], [sflag:$0x5], $0x80, s6, s13, $0xb8;
	[tilespmem:$0x1F400] =	vst v63  }
0x326: {  	_ =	swait.ge [sflag:s19], $0x3E80  }
0x327: {  	[sflag:s19] =	ssyncset.done $0x0  }
0x328: {  	s6 =	simm.s32 $0x680;
	[sflag:s19] =	ssyncadd.s32 $0xFFFFC180  }
0x329: {  	[tilespmem:s16], [sflag:$0x2] =	stream.indirect.gather [hbm4b:s18+s13], $0x80, s6, s13, $0xb8;
	[tilespmem:$0x1F400] =	vst v63  }
0x32a: {  	_ =	swait.ge [sflag:s24], $0x3E80  }
0x32b: {  	[sflag:s24] =	ssyncset.done $0x0  }
0x32c: {  	s6 =	simm.s32 $0xE00;
	[sflag:s24] =	ssyncadd.s32 $0xFFFFC180  }
0x32d: {  	[spmem:s21] =	stream.indirect.scatter.add.f32 [tilespmem:s14], [sflag:$0x5], $0x80, s6, s13, $0xb8;
	[tilespmem:$0x1F400] =	vst v63  }
0x32e: {  	_ =	swait.ge [sflag:s19], $0x3E80  }
0x32f: {  	[sflag:s19] =	ssyncset.done $0x0  }
0x330: {  	s6 =	simm.s32 $0x700;
	[sflag:s19] =	ssyncadd.s32 $0xFFFFC180  }
0x331: {  	[tilespmem:s14], [sflag:$0x1] =	stream.indirect.gather [hbm4b:s18+s13], $0x80, s6, s13, $0xb8;
	[tilespmem:$0x1F400] =	vst v63  }
0x332: {  	_ =	swait.ge [sflag:s2], $0x3E80  }
0x333: {  	[sflag:s2] =	ssyncset.done $0x0  }
0x334: {  	s6 =	simm.s32 $0xE80;
	[sflag:s2] =	ssyncadd.s32 $0xFFFFC180  }
0x335: {  	[spmem:s21] =	stream.indirect.scatter.add.f32 [tilespmem:s16], [sflag:$0x5], $0x80, s6, s13, $0xb8;
	[tilespmem:$0x1F400] =	vst v63  }
0x336: {  	_ =	swait.ge [sflag:s19], $0x3E80  }
0x337: {  	[sflag:s19] =	ssyncset.done $0x0  }
0x338: {  	s6 =	simm.s32 $0x780;
	[sflag:s19] =	ssyncadd.s32 $0xFFFFC180  }
0x339: {  	[tilespmem:s16], [sflag:$0x2] =	stream.indirect.gather [hbm4b:s18+s13], $0x80, s6, s13, $0xb8;
	[tilespmem:$0x1F400] =	vst v63  }
0x33a: {  	_ =	swait.ge [sflag:s24], $0x3E80  }
0x33b: {  	[sflag:s24] =	ssyncset.done $0x0  }
0x33c: {  	[sflag:s24] =	ssyncadd.s32 $0xFFFFC180  }
0x33d: {  	[spmem:s21] =	stream.indirect.scatter.add.f32 [tilespmem:s14], [sflag:$0x5], $0x80, s3, s13, $0xb8;
	[tilespmem:$0x1F400] =	vst v63  }
0x33e: {  	_ =	swait.ge [sflag:s19], $0x3E80  }
0x33f: {  	[sflag:s19] =	ssyncset.done $0x0  }
0x340: {  	[sflag:s19] =	ssyncadd.s32 $0xFFFFC180  }
0x341: {  	_ =	swait.ge [sflag:s2], $0x3E80  }
0x342: {  	[sflag:s2] =	ssyncset.done $0x0  }
0x343: {  	[sflag:s2] =	ssyncadd.s32 $0xFFFFC180  }
0x344: {  	[spmem:s21] =	stream.indirect.scatter.add.f32 [tilespmem:s16], [sflag:$0x5], $0x80, s22, s13, $0xb8;
	[tilespmem:$0x1F400] =	vst v63  }
0x345: {  	_ =	swait.ge [sflag:s19], $0x3E80  }
0x346: {  	[sflag:s19] =	ssyncset.done $0x0  }
0x347: {  	[sflag:s19] =	ssyncadd.s32 $0xFFFFC180  }
0x348: {  	[bflag:$0x0] =	sbarrier.arrive $0xFFFF  }
0x349: {  	s6 =	sld [smem:$0x7FC];
	_ =	sdelay $0x2  }
0x34a: {  	[tilespmem:s14], [sflag:$0x5] =	stream.linear.gather [spmem:s6], $0x2800, $0x38;
	[tilespmem:$0x1F400] =	vst v63  }
0x34b: {  	_ =	swait.ge [sflag:s19], $0x2800  }
0x34c: {  	[sflag:s19] =	ssyncset.done $0x0  }
0x34d: {  	s22 =	rddreg [dreg:$0xe];
	[sflag:s19] =	ssyncadd.s32 $0xFFFFD800  }
0x34e: {  	[hbm4b:s22+s1] =	stream.linear.scatter [tilespmem:s14], [sflag:$0x1], $0x2800, $0x38;
	[tilespmem:$0x1F400] =	vst v63  }
0x34f: {  	s3 =	rddreg [dreg:$0x16]  }
0x350: {  	[tilespmem:s16], [sflag:$0x5] =	stream.linear.gather [spmem:s3], $0x2800, $0x38;
	[tilespmem:$0x1F400] =	vst v63  }
0x351: {  	_ =	swait.ge [sflag:s19], $0x2800  }
0x352: {  	[sflag:s19] =	ssyncset.done $0x0  }
0x353: {  	s6 =	rddreg [dreg:$0xf];
	[sflag:s19] =	ssyncadd.s32 $0xFFFFD800  }
0x354: {  	[hbm4b:s6+s1] =	stream.linear.scatter [tilespmem:s16], [sflag:$0x2], $0x2800, $0x38;
	[tilespmem:$0x1F400] =	vst v63  }
0x355: {  	_ =	swait.ge [sflag:s24], $0x2800  }
0x356: {  	s22 =	sld [smem:$0x7F6]  }
0x357: {  	[sflag:s24] =	ssyncset.done $0x0  }
0x358: {  	[sflag:s24] =	ssyncadd.s32 $0xFFFFD800  }
0x359: {  	[tilespmem:s14], [sflag:$0x5] =	stream.linear.gather [spmem:s22], $0x2800, $0x38;
	[tilespmem:$0x1F400] =	vst v63  }
0x35a: {  	_ =	swait.ge [sflag:s19], $0x2800  }
0x35b: {  	[sflag:s19] =	ssyncset.done $0x0  }
0x35c: {  	s3 =	rddreg [dreg:$0x10];
	[sflag:s19] =	ssyncadd.s32 $0xFFFFD800  }
0x35d: {  	[hbm4b:s3+s1] =	stream.linear.scatter [tilespmem:s14], [sflag:$0x1], $0x2800, $0x38;
	[tilespmem:$0x1F400] =	vst v63  }
0x35e: {  	_ =	swait.ge [sflag:s2], $0x2800  }
0x35f: {  	s5 =	sld [smem:$0x7F7]  }
0x360: {  	[sflag:s2] =	ssyncset.done $0x0  }
0x361: {  	[sflag:s2] =	ssyncadd.s32 $0xFFFFD800  }
0x362: {  	[tilespmem:s16], [sflag:$0x5] =	stream.linear.gather [spmem:s5], $0x2800, $0x38;
	[tilespmem:$0x1F400] =	vst v63  }
0x363: {  	_ =	swait.ge [sflag:s19], $0x2800  }
0x364: {  	[sflag:s19] =	ssyncset.done $0x0  }
0x365: {  	s6 =	rddreg [dreg:$0x11];
	[sflag:s19] =	ssyncadd.s32 $0xFFFFD800  }
0x366: {  	[hbm4b:s6+s1] =	stream.linear.scatter [tilespmem:s16], [sflag:$0x2], $0x2800, $0x38;
	[tilespmem:$0x1F400] =	vst v63  }
0x367: {  	_ =	swait.ge [sflag:s24], $0x2800  }
0x368: {  	s22 =	sld [smem:$0x7F8]  }
0x369: {  	[sflag:s24] =	ssyncset.done $0x0  }
0x36a: {  	[sflag:s24] =	ssyncadd.s32 $0xFFFFD800  }
0x36b: {  	[tilespmem:s14], [sflag:$0x5] =	stream.linear.gather [spmem:s22], $0x2800, $0x38;
	[tilespmem:$0x1F400] =	vst v63  }
0x36c: {  	_ =	swait.ge [sflag:s19], $0x2800  }
0x36d: {  	[sflag:s19] =	ssyncset.done $0x0  }
0x36e: {  	s3 =	rddreg [dreg:$0x12];
	[sflag:s19] =	ssyncadd.s32 $0xFFFFD800  }
0x36f: {  	[hbm4b:s3+s1] =	stream.linear.scatter [tilespmem:s14], [sflag:$0x1], $0x2800, $0x38;
	[tilespmem:$0x1F400] =	vst v63  }
0x370: {  	_ =	swait.ge [sflag:s2], $0x2800  }
0x371: {  	s5 =	sld [smem:$0x7F9]  }
0x372: {  	[sflag:s2] =	ssyncset.done $0x0  }
0x373: {  	[sflag:s2] =	ssyncadd.s32 $0xFFFFD800  }
0x374: {  	[tilespmem:s16], [sflag:$0x5] =	stream.linear.gather [spmem:s5], $0x2800, $0x38;
	[tilespmem:$0x1F400] =	vst v63  }
0x375: {  	_ =	swait.ge [sflag:s19], $0x2800  }
0x376: {  	[sflag:s19] =	ssyncset.done $0x0  }
0x377: {  	s6 =	rddreg [dreg:$0x13];
	[sflag:s19] =	ssyncadd.s32 $0xFFFFD800  }
0x378: {  	[hbm4b:s6+s1] =	stream.linear.scatter [tilespmem:s16], [sflag:$0x2], $0x2800, $0x38;
	[tilespmem:$0x1F400] =	vst v63  }
0x379: {  	_ =	swait.ge [sflag:s24], $0x2800  }
0x37a: {  	s22 =	sld [smem:$0x7FA]  }
0x37b: {  	[sflag:s24] =	ssyncset.done $0x0  }
0x37c: {  	[sflag:s24] =	ssyncadd.s32 $0xFFFFD800  }
0x37d: {  	[tilespmem:s14], [sflag:$0x5] =	stream.linear.gather [spmem:s22], $0x2800, $0x38;
	[tilespmem:$0x1F400] =	vst v63  }
0x37e: {  	_ =	swait.ge [sflag:s19], $0x2800  }
0x37f: {  	[sflag:s19] =	ssyncset.done $0x0  }
0x380: {  	s3 =	rddreg [dreg:$0x14];
	[sflag:s19] =	ssyncadd.s32 $0xFFFFD800  }
0x381: {  	[hbm4b:s3+s1] =	stream.linear.scatter [tilespmem:s14], [sflag:$0x1], $0x2800, $0x38;
	[tilespmem:$0x1F400] =	vst v63  }
0x382: {  	_ =	swait.ge [sflag:s2], $0x2800  }
0x383: {  	s5 =	sld [smem:$0x7FB]  }
0x384: {  	[sflag:s2] =	ssyncset.done $0x0  }
0x385: {  	[sflag:s2] =	ssyncadd.s32 $0xFFFFD800  }
0x386: {  	[tilespmem:s16], [sflag:$0x5] =	stream.linear.gather [spmem:s5], $0x2800, $0x38;
	[tilespmem:$0x1F400] =	vst v63  }
0x387: {  	_ =	swait.ge [sflag:s19], $0x2800  }
0x388: {  	[sflag:s19] =	ssyncset.done $0x0  }
0x389: {  	s6 =	rddreg [dreg:$0x15];
	[sflag:s19] =	ssyncadd.s32 $0xFFFFD800  }
0x38a: {  	[hbm4b:s6+s1] =	stream.linear.scatter [tilespmem:s16], [sflag:$0x2], $0x2800, $0x38;
	[tilespmem:$0x1F400] =	vst v63  }
0x38b: {  	_ =	swait.ge [sflag:s24], $0x2800  }
0x38c: {  	[sflag:s24] =	ssyncset.done $0x0  }
0x38d: {  	[sflag:s24] =	ssyncadd.s32 $0xFFFFD800  }
0x38e: {  	_ =	swait.ge [sflag:s2], $0x2800  }
0x38f: {  	s4 =	sadd.s32 $0x1, s4;
	s22 =	rddreg [dreg:$0x17]  }
0x390: {  	p0 =	sne.s32 s4, s22  }
.Ltmp1:
0x391: {  	_ = 	snop;
	(pc) =	sbr.rel @p0 .LBB2_1-.Ltmp1, $3  }
0x392: {  	_ =	sdelay $0x1  }
0x393: {  	[sflag:s2] =	ssyncset.done $0x0  }
0x394: {  	s0 =	simm.s32 $0x800;
	[sflag:s2] =	ssyncadd.s32 $0xFFFFD800  }
0x395: {  	_ =	sfence.sel $0x180000  }
0x396: {  	[bflag:$0x0] =	sbarrier.arrive $0xFFFF  }
0x397: {  	_ =	strace $0x90000047  }
0x398: {  	s0 =	stileid.u32;
	[bflag:$0x2] =	sbarrier.arrive $0xFFFF  }
0x399: {  	p0 =	sne.s32 s0, $0x0;
	s0 =	rddreg [dreg:$0x3]  }
0x39a: {  	s0 =	sadd.s32 @!p0 $0x100000, s0  }
0x39b: {  	[sflag:s0] =	ssyncadd.tile.s32 @!p0 $0x1;
	_ =	shalt  }
.Lfunc_end2:
_tile_overlayer_lowered:
.L_overlay_start_2:
0x39c: {  	(tag) =	ssettag $0x2  }
0x39d: {  	s0 =	rddreg [dreg:$0x0];
	s2 =	stileid.u32  }
0x39e: {  	s1 =	rddreg [dreg:$0x1];
	p0 =	sne.s32 s2, $0x0  }
0x39f: {  	s3 =	rddreg [dreg:$0x2];
	[bflag:$0x3] =	sbarrier.arrive $0xFFFF;
	s2 =	simm.s32 @!p0 $0x1C05  }
0x3a0: {  	[timem:s3], [sflag:s2] =	dma.local @!p0 [hbm:s0], s1  }
0x3a1: {  	s0 =	simm.s32 @!p0 $0x5  }
0x3a2: {  	_ =	swait.ge @!p0 [sflag:s0], s1  }
0x3a3: {  	s1 =	ssub.s32 @!p0 $0x0, s1;
	[sflag:s0] =	ssyncset.done @!p0 $0x0  }
0x3a4: {  	[sflag:s0] =	ssyncadd.s32 @!p0 s1  }
0x3a5: {  	[bflag:$0x3] =	sbarrier.arrive $0xFFFF  }
0x3a6: {  	_ =	shalt  }

</sc_bundles>
